<compile_context>
chip_gen: v7x
topology: tpu7x:2x2x1
jax: 0.10.2.dev20260603
libtpu: 0.0.44.dev20260713+nightly
codegen_flags: <defaults>
</compile_context>

<pallas_src>
import jax
import jax.numpy as jnp
from jax import lax
from jax.experimental import pallas as pl
from jax.experimental.pallas import tpu as pltpu
from jax.experimental.pallas import tpu_sc as plsc

_PRE_SEQ_LEN = 128
_EMB = 18432
_B = 64 * 128
_TC_COLS = 12288
_SC_COLS = _EMB - _TC_COLS
_NC, _NS = 2, 16
_COLS = _SC_COLS // _NC
_RPW = _B // _NS
_K = 16
_NBUF = 2
_STEPS = _RPW // _K
_TROWS = _PRE_SEQ_LEN // _NS


def _sc_body(table_hbm, idx_hbm, out_hbm, table_s, idx_v, *sems):
    c = lax.axis_index("c")
    s = lax.axis_index("s")
    col0 = _TC_COLS + c * _COLS
    row0 = s * _RPW

    pltpu.sync_copy(
        table_hbm.at[pl.ds(s * _TROWS, _TROWS), pl.ds(col0, _COLS)],
        table_s.at[pl.ds(s * _TROWS, _TROWS)])
    pltpu.sync_copy(idx_hbm.at[pl.ds(row0, _RPW)], idx_v)
    plsc.subcore_barrier()

    def row_copy(row, t, buf):
        return pltpu.make_async_copy(
            table_s.at[pl.ds(t, 1)],
            out_hbm.at[pl.ds(row0 + row, 1), pl.ds(col0, _COLS)],
            sems[buf])

    def start_flight(g, buf):
        vec = idx_v[pl.ds(g * _K, _K)]
        for j in range(_K):
            row_copy(g * _K + j, vec[j], buf).start()

    def wait_flight(g, buf):
        vec = idx_v[pl.ds(g * _K, _K)]
        for j in range(_K):
            row_copy(g * _K + j, vec[j], buf).wait()

    for b in range(_NBUF):
        start_flight(b, b)

    def outer(i, _):
        base = i * _NBUF
        for b in range(_NBUF):
            wait_flight(base + b, b)
            start_flight(base + _NBUF + b, b)
        return 0

    lax.fori_loop(0, _STEPS // _NBUF - 1, outer, 0)

    last = _STEPS - _NBUF
    for b in range(_NBUF):
        wait_flight(last + b, b)


def _sc_stage(table, idx):
    mesh = plsc.VectorSubcoreMesh(core_axis_name="c", subcore_axis_name="s")
    f = pl.kernel(
        _sc_body,
        out_type=jax.ShapeDtypeStruct((_B, _EMB), jnp.float32),
        mesh=mesh,
        scratch_types=[
            pltpu.VMEM_SHARED((_PRE_SEQ_LEN, _COLS), jnp.float32),
            pltpu.VMEM((_RPW,), jnp.int32),
        ] + [pltpu.SemaphoreType.DMA] * _NBUF,
    )
    return f(table, idx)


def _tc_body(idx_ref, table_ref, buf_ref, out_ref):
    del buf_ref
    iota = lax.broadcasted_iota(jnp.int32, (_PRE_SEQ_LEN, _PRE_SEQ_LEN), 0)
    for r in range(2):
        idx = idx_ref[r, 0, :]
        onehot = (idx[None, :] == iota).astype(jnp.float32)
        out_ref[r] = lax.dot_general(
            onehot, table_ref[...],
            dimension_numbers=(((0,), (0,)), ((), ())),
            preferred_element_type=jnp.float32)


def _tc_stage(idx3, table, buf):
    return pl.pallas_call(
        _tc_body,
        grid=(32,),
        in_specs=[
            pl.BlockSpec((2, 1, _PRE_SEQ_LEN), lambda b: (b, 0, 0)),
            pl.BlockSpec((_PRE_SEQ_LEN, _TC_COLS), lambda b: (0, 0)),
            pl.BlockSpec(memory_space=pl.ANY),
        ],
        out_specs=pl.BlockSpec((2, _PRE_SEQ_LEN, _TC_COLS),
                               lambda b: (b, 0, 0)),
        out_shape=jax.ShapeDtypeStruct((64, _PRE_SEQ_LEN, _EMB), jnp.float32),
        input_output_aliases={2: 0},
    )(idx3, table, buf)


@jax.jit
def _gather(prefix, table):
    idx = prefix.reshape(_B)
    sc_out = _sc_stage(table, idx)
    buf = sc_out.reshape(64, _PRE_SEQ_LEN, _EMB)
    return _tc_stage(prefix.reshape(64, 1, _PRE_SEQ_LEN), table, buf)


def kernel(prefix, embedding):
    return _gather(prefix, embedding)

# --- scband reference (transcript-rebuilt; emitter-appended) ---
"""Pipeline reference for scband-prefix-encoder-66494683676963 (READ-ONLY COPY).

The authoritative reference and input builder live on the scoring server;
editing this copy changes nothing except your own understanding.
"""

import jax, jax.numpy as jnp
import numpy as np

PRE_SEQ_LEN = 128
NUM_LAYERS = 12
HIDDEN = 768
EMB_DIM = NUM_LAYERS * 2 * HIDDEN  # 18432
BATCH = 64


def setup_inputs(seed: int = 0) -> dict:
    key = jax.random.key(seed)
    k1, k2 = jax.random.split(key)
    # prefix indices in [0, pre_seq_len); int32 used for indexing (jax x64 disabled by default)
    prefix = jax.random.randint(k1, (BATCH, PRE_SEQ_LEN), 0, PRE_SEQ_LEN, dtype=jnp.int32)
    # learned embedding table: nn.Embedding(pre_seq_len, num_hidden_layers * 2 * hidden_size)
    embedding = jax.random.normal(k2, (PRE_SEQ_LEN, EMB_DIM), dtype=jnp.float32) * 0.02
    return {"prefix": prefix, "embedding": embedding}


def reference(prefix, embedding):
    # prefix_projection=False branch: past_key_values = self.embedding(prefix)
    past_key_values = jnp.take(embedding, prefix, axis=0)
    return past_key_values

if __name__ == "__main__":
    import jax
    _d = setup_inputs()
    print(jax.jit(kernel)(*tuple(_d.values())))

</pallas_src>

<mosaic_0001>
#map = affine_map<(d0, d1) -> (0, 0)>
#map1 = affine_map<(d0, d1) -> (0)>
module attributes {stable_mosaic.version = 14 : i64} {
  func.func @_sc_body(%arg0: i32, %arg1: i32, %arg2: memref<128x18432xf32, #tpu.memory_space<hbm>>, %arg3: memref<8192xi32, #tpu.memory_space<hbm>>, %arg4: memref<8192x18432xf32, #tpu.memory_space<hbm>>, %arg5: memref<128x3072xf32, #tpu.memory_space<vmem_shared>>, %arg6: memref<512xi32, #tpu.memory_space<vmem>>, %arg7: memref<!tpu.dma_semaphore, #tpu.memory_space<semaphore_mem>>, %arg8: memref<!tpu.dma_semaphore, #tpu.memory_space<semaphore_mem>>) attributes {dimension_semantics = [#tpu.dimension_semantics<core_parallel>, #tpu.dimension_semantics<subcore_parallel>], iteration_bounds = array<i64: 2, 16>, scalar_prefetch = 0 : i64, scratch_operands = 4 : i64, tpu.core_type = #tpu.core_type<sc_vector_subcore>, window_params = [{transform_indices = #map}, {transform_indices = #map1}, {transform_indices = #map}]} {
    %mul3A = arith.constant 3072 : i32
    %mul3A_0 = arith.muli %arg0, %mul3A : i32
    %add3A = arith.constant 12288 : i32
    %add3A_1 = arith.addi %add3A, %mul3A_0 : i32
    %mul3A_2 = arith.constant 512 : i32
    %mul3A_3 = arith.muli %arg1, %mul3A_2 : i32
    %mul3A_4 = arith.constant 8 : i32
    %mul3A_5 = arith.muli %arg1, %mul3A_4 : i32
    %mul3A_6 = arith.constant 8 : i32
    %mul3A_7 = arith.muli %arg1, %mul3A_6 : i32
    "tpu.region"() ({
      %run_scoped3A = tpu.sem_alloc : memref<!tpu.dma_semaphore, #tpu.memory_space<semaphore_mem>>
      %dma_start3A_469 = arith.constant 0 : i32
      %dma_start3A_470 = tpu.memref_slice %arg5[%mul3A_7, %dma_start3A_469] : memref<128x3072xf32, #tpu.memory_space<vmem_shared>> -> memref<8x3072xf32, #tpu.memory_space<vmem_shared>>
      %dma_start3A_471 = tpu.memref_slice %arg2[%mul3A_5, %add3A_1] : memref<128x18432xf32, #tpu.memory_space<hbm>> -> memref<8x3072xf32, #tpu.memory_space<hbm>>
      tpu.enqueue_dma source(%dma_start3A_471 : memref<8x3072xf32, #tpu.memory_space<hbm>>) target(%dma_start3A_470 : memref<8x3072xf32, #tpu.memory_space<vmem_shared>>) target_semaphore(%run_scoped3A : memref<!tpu.dma_semaphore, #tpu.memory_space<semaphore_mem>>)
      %dma_wait3A_472 = arith.constant 0 : i32
      %dma_wait3A_473 = tpu.memref_slice %arg5[%mul3A_7, %dma_wait3A_472] : memref<128x3072xf32, #tpu.memory_space<vmem_shared>> -> memref<8x3072xf32, #tpu.memory_space<vmem_shared>>
      %dma_wait3A_474 = tpu.memref_slice %arg2[%mul3A_5, %add3A_1] : memref<128x18432xf32, #tpu.memory_space<hbm>> -> memref<8x3072xf32, #tpu.memory_space<hbm>>
      tpu.wait_dma2 semaphore(%run_scoped3A : memref<!tpu.dma_semaphore, #tpu.memory_space<semaphore_mem>>) src(%dma_wait3A_474 : memref<8x3072xf32, #tpu.memory_space<hbm>>) dst(%dma_wait3A_473 : memref<8x3072xf32, #tpu.memory_space<vmem_shared>>)
      tpu.yield
    }) : () -> ()
    "tpu.region"() ({
      %run_scoped3A = tpu.sem_alloc : memref<!tpu.dma_semaphore, #tpu.memory_space<semaphore_mem>>
      %dma_start3A_469 = tpu.memref_slice %arg3[%mul3A_3] : memref<8192xi32, #tpu.memory_space<hbm>> -> memref<512xi32, #tpu.memory_space<hbm>>
      %dma_start3A_470 = tpu.memref_slice %arg3[%mul3A_3] : memref<8192xi32, #tpu.memory_space<hbm>> -> memref<512xi32, #tpu.memory_space<hbm>>
      tpu.enqueue_dma source(%dma_start3A_470 : memref<512xi32, #tpu.memory_space<hbm>>) target(%arg6 : memref<512xi32, #tpu.memory_space<vmem>>) target_semaphore(%run_scoped3A : memref<!tpu.dma_semaphore, #tpu.memory_space<semaphore_mem>>)
      %dma_wait3A_471 = tpu.memref_slice %arg3[%mul3A_3] : memref<8192xi32, #tpu.memory_space<hbm>> -> memref<512xi32, #tpu.memory_space<hbm>>
      %dma_wait3A_472 = tpu.memref_slice %arg3[%mul3A_3] : memref<8192xi32, #tpu.memory_space<hbm>> -> memref<512xi32, #tpu.memory_space<hbm>>
      tpu.wait_dma2 semaphore(%run_scoped3A : memref<!tpu.dma_semaphore, #tpu.memory_space<semaphore_mem>>) src(%dma_wait3A_472 : memref<512xi32, #tpu.memory_space<hbm>>) dst(%arg6 : memref<512xi32, #tpu.memory_space<vmem>>)
      tpu.yield
    }) : () -> ()
    %barrier3A = arith.constant 0 : index
    tpu.barrier barrier_id(%barrier3A)
    %get3A = arith.constant 0 : index
    %get3A_8 = tpu.vector_load %arg6[%get3A] {strides = array<i32>} : memref<512xi32, #tpu.memory_space<vmem>>, vector<16xi32>,
    %get3A_9 = vector.shape_cast %get3A_8 : vector<16xi32> to vector<16xi32>
    %slice3A = vector.extract_strided_slice %get3A_9 {offsets = [0], sizes = [1], strides = [1]} : vector<16xi32> to vector<1xi32>
    %squeeze3A = vector.extract %slice3A[0] : i32 from vector<1xi32>
    %add3A_10 = arith.constant 0 : i32
    %add3A_11 = arith.addi %mul3A_3, %add3A_10 : i32
    %dma_start3A = tpu.memref_slice %arg4[%add3A_11, %add3A_1] : memref<8192x18432xf32, #tpu.memory_space<hbm>> -> memref<1x3072xf32, #tpu.memory_space<hbm>>
    %dma_start3A_12 = arith.constant 0 : i32
    %dma_start3A_13 = tpu.memref_slice %arg5[%squeeze3A, %dma_start3A_12] : memref<128x3072xf32, #tpu.memory_space<vmem_shared>> -> memref<1x3072xf32, #tpu.memory_space<vmem_shared>>
    tpu.enqueue_dma source(%dma_start3A_13 : memref<1x3072xf32, #tpu.memory_space<vmem_shared>>) target(%dma_start3A : memref<1x3072xf32, #tpu.memory_space<hbm>>) target_semaphore(%arg7 : memref<!tpu.dma_semaphore, #tpu.memory_space<semaphore_mem>>)
    %slice3A_14 = vector.extract_strided_slice %get3A_9 {offsets = [1], sizes = [1], strides = [1]} : vector<16xi32> to vector<1xi32>
    %squeeze3A_15 = vector.extract %slice3A_14[0] : i32 from vector<1xi32>
    %add3A_16 = arith.constant 1 : i32
    %add3A_17 = arith.addi %mul3A_3, %add3A_16 : i32
    %dma_start3A_18 = tpu.memref_slice %arg4[%add3A_17, %add3A_1] : memref<8192x18432xf32, #tpu.memory_space<hbm>> -> memref<1x3072xf32, #tpu.memory_space<hbm>>
    %dma_start3A_19 = arith.constant 0 : i32
    %dma_start3A_20 = tpu.memref_slice %arg5[%squeeze3A_15, %dma_start3A_19] : memref<128x3072xf32, #tpu.memory_space<vmem_shared>> -> memref<1x3072xf32, #tpu.memory_space<vmem_shared>>
    tpu.enqueue_dma source(%dma_start3A_20 : memref<1x3072xf32, #tpu.memory_space<vmem_shared>>) target(%dma_start3A_18 : memref<1x3072xf32, #tpu.memory_space<hbm>>) target_semaphore(%arg7 : memref<!tpu.dma_semaphore, #tpu.memory_space<semaphore_mem>>)
    %slice3A_21 = vector.extract_strided_slice %get3A_9 {offsets = [2], sizes = [1], strides = [1]} : vector<16xi32> to vector<1xi32>
    %squeeze3A_22 = vector.extract %slice3A_21[0] : i32 from vector<1xi32>
    %add3A_23 = arith.constant 2 : i32
    %add3A_24 = arith.addi %mul3A_3, %add3A_23 : i32
    %dma_start3A_25 = tpu.memref_slice %arg4[%add3A_24, %add3A_1] : memref<8192x18432xf32, #tpu.memory_space<hbm>> -> memref<1x3072xf32, #tpu.memory_space<hbm>>
    %dma_start3A_26 = arith.constant 0 : i32
    %dma_start3A_27 = tpu.memref_slice %arg5[%squeeze3A_22, %dma_start3A_26] : memref<128x3072xf32, #tpu.memory_space<vmem_shared>> -> memref<1x3072xf32, #tpu.memory_space<vmem_shared>>
    tpu.enqueue_dma source(%dma_start3A_27 : memref<1x3072xf32, #tpu.memory_space<vmem_shared>>) target(%dma_start3A_25 : memref<1x3072xf32, #tpu.memory_space<hbm>>) target_semaphore(%arg7 : memref<!tpu.dma_semaphore, #tpu.memory_space<semaphore_mem>>)
    %slice3A_28 = vector.extract_strided_slice %get3A_9 {offsets = [3], sizes = [1], strides = [1]} : vector<16xi32> to vector<1xi32>
    %squeeze3A_29 = vector.extract %slice3A_28[0] : i32 from vector<1xi32>
    %add3A_30 = arith.constant 3 : i32
    %add3A_31 = arith.addi %mul3A_3, %add3A_30 : i32
    %dma_start3A_32 = tpu.memref_slice %arg4[%add3A_31, %add3A_1] : memref<8192x18432xf32, #tpu.memory_space<hbm>> -> memref<1x3072xf32, #tpu.memory_space<hbm>>
    %dma_start3A_33 = arith.constant 0 : i32
    %dma_start3A_34 = tpu.memref_slice %arg5[%squeeze3A_29, %dma_start3A_33] : memref<128x3072xf32, #tpu.memory_space<vmem_shared>> -> memref<1x3072xf32, #tpu.memory_space<vmem_shared>>
    tpu.enqueue_dma source(%dma_start3A_34 : memref<1x3072xf32, #tpu.memory_space<vmem_shared>>) target(%dma_start3A_32 : memref<1x3072xf32, #tpu.memory_space<hbm>>) target_semaphore(%arg7 : memref<!tpu.dma_semaphore, #tpu.memory_space<semaphore_mem>>)
    %slice3A_35 = vector.extract_strided_slice %get3A_9 {offsets = [4], sizes = [1], strides = [1]} : vector<16xi32> to vector<1xi32>
    %squeeze3A_36 = vector.extract %slice3A_35[0] : i32 from vector<1xi32>
    %add3A_37 = arith.constant 4 : i32
    %add3A_38 = arith.addi %mul3A_3, %add3A_37 : i32
    %dma_start3A_39 = tpu.memref_slice %arg4[%add3A_38, %add3A_1] : memref<8192x18432xf32, #tpu.memory_space<hbm>> -> memref<1x3072xf32, #tpu.memory_space<hbm>>
    %dma_start3A_40 = arith.constant 0 : i32
    %dma_start3A_41 = tpu.memref_slice %arg5[%squeeze3A_36, %dma_start3A_40] : memref<128x3072xf32, #tpu.memory_space<vmem_shared>> -> memref<1x3072xf32, #tpu.memory_space<vmem_shared>>
    tpu.enqueue_dma source(%dma_start3A_41 : memref<1x3072xf32, #tpu.memory_space<vmem_shared>>) target(%dma_start3A_39 : memref<1x3072xf32, #tpu.memory_space<hbm>>) target_semaphore(%arg7 : memref<!tpu.dma_semaphore, #tpu.memory_space<semaphore_mem>>)
    %slice3A_42 = vector.extract_strided_slice %get3A_9 {offsets = [5], sizes = [1], strides = [1]} : vector<16xi32> to vector<1xi32>
    %squeeze3A_43 = vector.extract %slice3A_42[0] : i32 from vector<1xi32>
    %add3A_44 = arith.constant 5 : i32
    %add3A_45 = arith.addi %mul3A_3, %add3A_44 : i32
    %dma_start3A_46 = tpu.memref_slice %arg4[%add3A_45, %add3A_1] : memref<8192x18432xf32, #tpu.memory_space<hbm>> -> memref<1x3072xf32, #tpu.memory_space<hbm>>
    %dma_start3A_47 = arith.constant 0 : i32
    %dma_start3A_48 = tpu.memref_slice %arg5[%squeeze3A_43, %dma_start3A_47] : memref<128x3072xf32, #tpu.memory_space<vmem_shared>> -> memref<1x3072xf32, #tpu.memory_space<vmem_shared>>
    tpu.enqueue_dma source(%dma_start3A_48 : memref<1x3072xf32, #tpu.memory_space<vmem_shared>>) target(%dma_start3A_46 : memref<1x3072xf32, #tpu.memory_space<hbm>>) target_semaphore(%arg7 : memref<!tpu.dma_semaphore, #tpu.memory_space<semaphore_mem>>)
    %slice3A_49 = vector.extract_strided_slice %get3A_9 {offsets = [6], sizes = [1], strides = [1]} : vector<16xi32> to vector<1xi32>
    %squeeze3A_50 = vector.extract %slice3A_49[0] : i32 from vector<1xi32>
    %add3A_51 = arith.constant 6 : i32
    %add3A_52 = arith.addi %mul3A_3, %add3A_51 : i32
    %dma_start3A_53 = tpu.memref_slice %arg4[%add3A_52, %add3A_1] : memref<8192x18432xf32, #tpu.memory_space<hbm>> -> memref<1x3072xf32, #tpu.memory_space<hbm>>
    %dma_start3A_54 = arith.constant 0 : i32
    %dma_start3A_55 = tpu.memref_slice %arg5[%squeeze3A_50, %dma_start3A_54] : memref<128x3072xf32, #tpu.memory_space<vmem_shared>> -> memref<1x3072xf32, #tpu.memory_space<vmem_shared>>
    tpu.enqueue_dma source(%dma_start3A_55 : memref<1x3072xf32, #tpu.memory_space<vmem_shared>>) target(%dma_start3A_53 : memref<1x3072xf32, #tpu.memory_space<hbm>>) target_semaphore(%arg7 : memref<!tpu.dma_semaphore, #tpu.memory_space<semaphore_mem>>)
    %slice3A_56 = vector.extract_strided_slice %get3A_9 {offsets = [7], sizes = [1], strides = [1]} : vector<16xi32> to vector<1xi32>
    %squeeze3A_57 = vector.extract %slice3A_56[0] : i32 from vector<1xi32>
    %add3A_58 = arith.constant 7 : i32
    %add3A_59 = arith.addi %mul3A_3, %add3A_58 : i32
    %dma_start3A_60 = tpu.memref_slice %arg4[%add3A_59, %add3A_1] : memref<8192x18432xf32, #tpu.memory_space<hbm>> -> memref<1x3072xf32, #tpu.memory_space<hbm>>
    %dma_start3A_61 = arith.constant 0 : i32
    %dma_start3A_62 = tpu.memref_slice %arg5[%squeeze3A_57, %dma_start3A_61] : memref<128x3072xf32, #tpu.memory_space<vmem_shared>> -> memref<1x3072xf32, #tpu.memory_space<vmem_shared>>
    tpu.enqueue_dma source(%dma_start3A_62 : memref<1x3072xf32, #tpu.memory_space<vmem_shared>>) target(%dma_start3A_60 : memref<1x3072xf32, #tpu.memory_space<hbm>>) target_semaphore(%arg7 : memref<!tpu.dma_semaphore, #tpu.memory_space<semaphore_mem>>)
    %slice3A_63 = vector.extract_strided_slice %get3A_9 {offsets = [8], sizes = [1], strides = [1]} : vector<16xi32> to vector<1xi32>
    %squeeze3A_64 = vector.extract %slice3A_63[0] : i32 from vector<1xi32>
    %add3A_65 = arith.constant 8 : i32
    %add3A_66 = arith.addi %mul3A_3, %add3A_65 : i32
    %dma_start3A_67 = tpu.memref_slice %arg4[%add3A_66, %add3A_1] : memref<8192x18432xf32, #tpu.memory_space<hbm>> -> memref<1x3072xf32, #tpu.memory_space<hbm>>
    %dma_start3A_68 = arith.constant 0 : i32
    %dma_start3A_69 = tpu.memref_slice %arg5[%squeeze3A_64, %dma_start3A_68] : memref<128x3072xf32, #tpu.memory_space<vmem_shared>> -> memref<1x3072xf32, #tpu.memory_space<vmem_shared>>
    tpu.enqueue_dma source(%dma_start3A_69 : memref<1x3072xf32, #tpu.memory_space<vmem_shared>>) target(%dma_start3A_67 : memref<1x3072xf32, #tpu.memory_space<hbm>>) target_semaphore(%arg7 : memref<!tpu.dma_semaphore, #tpu.memory_space<semaphore_mem>>)
    %slice3A_70 = vector.extract_strided_slice %get3A_9 {offsets = [9], sizes = [1], strides = [1]} : vector<16xi32> to vector<1xi32>
    %squeeze3A_71 = vector.extract %slice3A_70[0] : i32 from vector<1xi32>
    %add3A_72 = arith.constant 9 : i32
    %add3A_73 = arith.addi %mul3A_3, %add3A_72 : i32
    %dma_start3A_74 = tpu.memref_slice %arg4[%add3A_73, %add3A_1] : memref<8192x18432xf32, #tpu.memory_space<hbm>> -> memref<1x3072xf32, #tpu.memory_space<hbm>>
    %dma_start3A_75 = arith.constant 0 : i32
    %dma_start3A_76 = tpu.memref_slice %arg5[%squeeze3A_71, %dma_start3A_75] : memref<128x3072xf32, #tpu.memory_space<vmem_shared>> -> memref<1x3072xf32, #tpu.memory_space<vmem_shared>>
    tpu.enqueue_dma source(%dma_start3A_76 : memref<1x3072xf32, #tpu.memory_space<vmem_shared>>) target(%dma_start3A_74 : memref<1x3072xf32, #tpu.memory_space<hbm>>) target_semaphore(%arg7 : memref<!tpu.dma_semaphore, #tpu.memory_space<semaphore_mem>>)
    %slice3A_77 = vector.extract_strided_slice %get3A_9 {offsets = [10], sizes = [1], strides = [1]} : vector<16xi32> to vector<1xi32>
    %squeeze3A_78 = vector.extract %slice3A_77[0] : i32 from vector<1xi32>
    %add3A_79 = arith.constant 10 : i32
    %add3A_80 = arith.addi %mul3A_3, %add3A_79 : i32
    %dma_start3A_81 = tpu.memref_slice %arg4[%add3A_80, %add3A_1] : memref<8192x18432xf32, #tpu.memory_space<hbm>> -> memref<1x3072xf32, #tpu.memory_space<hbm>>
    %dma_start3A_82 = arith.constant 0 : i32
    %dma_start3A_83 = tpu.memref_slice %arg5[%squeeze3A_78, %dma_start3A_82] : memref<128x3072xf32, #tpu.memory_space<vmem_shared>> -> memref<1x3072xf32, #tpu.memory_space<vmem_shared>>
    tpu.enqueue_dma source(%dma_start3A_83 : memref<1x3072xf32, #tpu.memory_space<vmem_shared>>) target(%dma_start3A_81 : memref<1x3072xf32, #tpu.memory_space<hbm>>) target_semaphore(%arg7 : memref<!tpu.dma_semaphore, #tpu.memory_space<semaphore_mem>>)
    %slice3A_84 = vector.extract_strided_slice %get3A_9 {offsets = [11], sizes = [1], strides = [1]} : vector<16xi32> to vector<1xi32>
    %squeeze3A_85 = vector.extract %slice3A_84[0] : i32 from vector<1xi32>
    %add3A_86 = arith.constant 11 : i32
    %add3A_87 = arith.addi %mul3A_3, %add3A_86 : i32
    %dma_start3A_88 = tpu.memref_slice %arg4[%add3A_87, %add3A_1] : memref<8192x18432xf32, #tpu.memory_space<hbm>> -> memref<1x3072xf32, #tpu.memory_space<hbm>>
    %dma_start3A_89 = arith.constant 0 : i32
    %dma_start3A_90 = tpu.memref_slice %arg5[%squeeze3A_85, %dma_start3A_89] : memref<128x3072xf32, #tpu.memory_space<vmem_shared>> -> memref<1x3072xf32, #tpu.memory_space<vmem_shared>>
    tpu.enqueue_dma source(%dma_start3A_90 : memref<1x3072xf32, #tpu.memory_space<vmem_shared>>) target(%dma_start3A_88 : memref<1x3072xf32, #tpu.memory_space<hbm>>) target_semaphore(%arg7 : memref<!tpu.dma_semaphore, #tpu.memory_space<semaphore_mem>>)
    %slice3A_91 = vector.extract_strided_slice %get3A_9 {offsets = [12], sizes = [1], strides = [1]} : vector<16xi32> to vector<1xi32>
    %squeeze3A_92 = vector.extract %slice3A_91[0] : i32 from vector<1xi32>
    %add3A_93 = arith.constant 12 : i32
    %add3A_94 = arith.addi %mul3A_3, %add3A_93 : i32
    %dma_start3A_95 = tpu.memref_slice %arg4[%add3A_94, %add3A_1] : memref<8192x18432xf32, #tpu.memory_space<hbm>> -> memref<1x3072xf32, #tpu.memory_space<hbm>>
    %dma_start3A_96 = arith.constant 0 : i32
    %dma_start3A_97 = tpu.memref_slice %arg5[%squeeze3A_92, %dma_start3A_96] : memref<128x3072xf32, #tpu.memory_space<vmem_shared>> -> memref<1x3072xf32, #tpu.memory_space<vmem_shared>>
    tpu.enqueue_dma source(%dma_start3A_97 : memref<1x3072xf32, #tpu.memory_space<vmem_shared>>) target(%dma_start3A_95 : memref<1x3072xf32, #tpu.memory_space<hbm>>) target_semaphore(%arg7 : memref<!tpu.dma_semaphore, #tpu.memory_space<semaphore_mem>>)
    %slice3A_98 = vector.extract_strided_slice %get3A_9 {offsets = [13], sizes = [1], strides = [1]} : vector<16xi32> to vector<1xi32>
    %squeeze3A_99 = vector.extract %slice3A_98[0] : i32 from vector<1xi32>
    %add3A_100 = arith.constant 13 : i32
    %add3A_101 = arith.addi %mul3A_3, %add3A_100 : i32
    %dma_start3A_102 = tpu.memref_slice %arg4[%add3A_101, %add3A_1] : memref<8192x18432xf32, #tpu.memory_space<hbm>> -> memref<1x3072xf32, #tpu.memory_space<hbm>>
    %dma_start3A_103 = arith.constant 0 : i32
    %dma_start3A_104 = tpu.memref_slice %arg5[%squeeze3A_99, %dma_start3A_103] : memref<128x3072xf32, #tpu.memory_space<vmem_shared>> -> memref<1x3072xf32, #tpu.memory_space<vmem_shared>>
    tpu.enqueue_dma source(%dma_start3A_104 : memref<1x3072xf32, #tpu.memory_space<vmem_shared>>) target(%dma_start3A_102 : memref<1x3072xf32, #tpu.memory_space<hbm>>) target_semaphore(%arg7 : memref<!tpu.dma_semaphore, #tpu.memory_space<semaphore_mem>>)
    %slice3A_105 = vector.extract_strided_slice %get3A_9 {offsets = [14], sizes = [1], strides = [1]} : vector<16xi32> to vector<1xi32>
    %squeeze3A_106 = vector.extract %slice3A_105[0] : i32 from vector<1xi32>
    %add3A_107 = arith.constant 14 : i32
    %add3A_108 = arith.addi %mul3A_3, %add3A_107 : i32
    %dma_start3A_109 = tpu.memref_slice %arg4[%add3A_108, %add3A_1] : memref<8192x18432xf32, #tpu.memory_space<hbm>> -> memref<1x3072xf32, #tpu.memory_space<hbm>>
    %dma_start3A_110 = arith.constant 0 : i32
    %dma_start3A_111 = tpu.memref_slice %arg5[%squeeze3A_106, %dma_start3A_110] : memref<128x3072xf32, #tpu.memory_space<vmem_shared>> -> memref<1x3072xf32, #tpu.memory_space<vmem_shared>>
    tpu.enqueue_dma source(%dma_start3A_111 : memref<1x3072xf32, #tpu.memory_space<vmem_shared>>) target(%dma_start3A_109 : memref<1x3072xf32, #tpu.memory_space<hbm>>) target_semaphore(%arg7 : memref<!tpu.dma_semaphore, #tpu.memory_space<semaphore_mem>>)
    %slice3A_112 = vector.extract_strided_slice %get3A_9 {offsets = [15], sizes = [1], strides = [1]} : vector<16xi32> to vector<1xi32>
    %squeeze3A_113 = vector.extract %slice3A_112[0] : i32 from vector<1xi32>
    %add3A_114 = arith.constant 15 : i32
    %add3A_115 = arith.addi %mul3A_3, %add3A_114 : i32
    %dma_start3A_116 = tpu.memref_slice %arg4[%add3A_115, %add3A_1] : memref<8192x18432xf32, #tpu.memory_space<hbm>> -> memref<1x3072xf32, #tpu.memory_space<hbm>>
    %dma_start3A_117 = arith.constant 0 : i32
    %dma_start3A_118 = tpu.memref_slice %arg5[%squeeze3A_113, %dma_start3A_117] : memref<128x3072xf32, #tpu.memory_space<vmem_shared>> -> memref<1x3072xf32, #tpu.memory_space<vmem_shared>>
    tpu.enqueue_dma source(%dma_start3A_118 : memref<1x3072xf32, #tpu.memory_space<vmem_shared>>) target(%dma_start3A_116 : memref<1x3072xf32, #tpu.memory_space<hbm>>) target_semaphore(%arg7 : memref<!tpu.dma_semaphore, #tpu.memory_space<semaphore_mem>>)
    %get3A_119 = arith.constant 16 : index
    %get3A_120 = tpu.vector_load %arg6[%get3A_119] {strides = array<i32>} : memref<512xi32, #tpu.memory_space<vmem>>, vector<16xi32>,
    %get3A_121 = vector.shape_cast %get3A_120 : vector<16xi32> to vector<16xi32>
    %slice3A_122 = vector.extract_strided_slice %get3A_121 {offsets = [0], sizes = [1], strides = [1]} : vector<16xi32> to vector<1xi32>
    %squeeze3A_123 = vector.extract %slice3A_122[0] : i32 from vector<1xi32>
    %add3A_124 = arith.constant 16 : i32
    %add3A_125 = arith.addi %mul3A_3, %add3A_124 : i32
    %dma_start3A_126 = tpu.memref_slice %arg4[%add3A_125, %add3A_1] : memref<8192x18432xf32, #tpu.memory_space<hbm>> -> memref<1x3072xf32, #tpu.memory_space<hbm>>
    %dma_start3A_127 = arith.constant 0 : i32
    %dma_start3A_128 = tpu.memref_slice %arg5[%squeeze3A_123, %dma_start3A_127] : memref<128x3072xf32, #tpu.memory_space<vmem_shared>> -> memref<1x3072xf32, #tpu.memory_space<vmem_shared>>
    tpu.enqueue_dma source(%dma_start3A_128 : memref<1x3072xf32, #tpu.memory_space<vmem_shared>>) target(%dma_start3A_126 : memref<1x3072xf32, #tpu.memory_space<hbm>>) target_semaphore(%arg8 : memref<!tpu.dma_semaphore, #tpu.memory_space<semaphore_mem>>)
    %slice3A_129 = vector.extract_strided_slice %get3A_121 {offsets = [1], sizes = [1], strides = [1]} : vector<16xi32> to vector<1xi32>
    %squeeze3A_130 = vector.extract %slice3A_129[0] : i32 from vector<1xi32>
    %add3A_131 = arith.constant 17 : i32
    %add3A_132 = arith.addi %mul3A_3, %add3A_131 : i32
    %dma_start3A_133 = tpu.memref_slice %arg4[%add3A_132, %add3A_1] : memref<8192x18432xf32, #tpu.memory_space<hbm>> -> memref<1x3072xf32, #tpu.memory_space<hbm>>
    %dma_start3A_134 = arith.constant 0 : i32
    %dma_start3A_135 = tpu.memref_slice %arg5[%squeeze3A_130, %dma_start3A_134] : memref<128x3072xf32, #tpu.memory_space<vmem_shared>> -> memref<1x3072xf32, #tpu.memory_space<vmem_shared>>
    tpu.enqueue_dma source(%dma_start3A_135 : memref<1x3072xf32, #tpu.memory_space<vmem_shared>>) target(%dma_start3A_133 : memref<1x3072xf32, #tpu.memory_space<hbm>>) target_semaphore(%arg8 : memref<!tpu.dma_semaphore, #tpu.memory_space<semaphore_mem>>)
    %slice3A_136 = vector.extract_strided_slice %get3A_121 {offsets = [2], sizes = [1], strides = [1]} : vector<16xi32> to vector<1xi32>
    %squeeze3A_137 = vector.extract %slice3A_136[0] : i32 from vector<1xi32>
    %add3A_138 = arith.constant 18 : i32
    %add3A_139 = arith.addi %mul3A_3, %add3A_138 : i32
    %dma_start3A_140 = tpu.memref_slice %arg4[%add3A_139, %add3A_1] : memref<8192x18432xf32, #tpu.memory_space<hbm>> -> memref<1x3072xf32, #tpu.memory_space<hbm>>
    %dma_start3A_141 = arith.constant 0 : i32
    %dma_start3A_142 = tpu.memref_slice %arg5[%squeeze3A_137, %dma_start3A_141] : memref<128x3072xf32, #tpu.memory_space<vmem_shared>> -> memref<1x3072xf32, #tpu.memory_space<vmem_shared>>
    tpu.enqueue_dma source(%dma_start3A_142 : memref<1x3072xf32, #tpu.memory_space<vmem_shared>>) target(%dma_start3A_140 : memref<1x3072xf32, #tpu.memory_space<hbm>>) target_semaphore(%arg8 : memref<!tpu.dma_semaphore, #tpu.memory_space<semaphore_mem>>)
    %slice3A_143 = vector.extract_strided_slice %get3A_121 {offsets = [3], sizes = [1], strides = [1]} : vector<16xi32> to vector<1xi32>
    %squeeze3A_144 = vector.extract %slice3A_143[0] : i32 from vector<1xi32>
    %add3A_145 = arith.constant 19 : i32
    %add3A_146 = arith.addi %mul3A_3, %add3A_145 : i32
    %dma_start3A_147 = tpu.memref_slice %arg4[%add3A_146, %add3A_1] : memref<8192x18432xf32, #tpu.memory_space<hbm>> -> memref<1x3072xf32, #tpu.memory_space<hbm>>
    %dma_start3A_148 = arith.constant 0 : i32
    %dma_start3A_149 = tpu.memref_slice %arg5[%squeeze3A_144, %dma_start3A_148] : memref<128x3072xf32, #tpu.memory_space<vmem_shared>> -> memref<1x3072xf32, #tpu.memory_space<vmem_shared>>
    tpu.enqueue_dma source(%dma_start3A_149 : memref<1x3072xf32, #tpu.memory_space<vmem_shared>>) target(%dma_start3A_147 : memref<1x3072xf32, #tpu.memory_space<hbm>>) target_semaphore(%arg8 : memref<!tpu.dma_semaphore, #tpu.memory_space<semaphore_mem>>)
    %slice3A_150 = vector.extract_strided_slice %get3A_121 {offsets = [4], sizes = [1], strides = [1]} : vector<16xi32> to vector<1xi32>
    %squeeze3A_151 = vector.extract %slice3A_150[0] : i32 from vector<1xi32>
    %add3A_152 = arith.constant 20 : i32
    %add3A_153 = arith.addi %mul3A_3, %add3A_152 : i32
    %dma_start3A_154 = tpu.memref_slice %arg4[%add3A_153, %add3A_1] : memref<8192x18432xf32, #tpu.memory_space<hbm>> -> memref<1x3072xf32, #tpu.memory_space<hbm>>
    %dma_start3A_155 = arith.constant 0 : i32
    %dma_start3A_156 = tpu.memref_slice %arg5[%squeeze3A_151, %dma_start3A_155] : memref<128x3072xf32, #tpu.memory_space<vmem_shared>> -> memref<1x3072xf32, #tpu.memory_space<vmem_shared>>
    tpu.enqueue_dma source(%dma_start3A_156 : memref<1x3072xf32, #tpu.memory_space<vmem_shared>>) target(%dma_start3A_154 : memref<1x3072xf32, #tpu.memory_space<hbm>>) target_semaphore(%arg8 : memref<!tpu.dma_semaphore, #tpu.memory_space<semaphore_mem>>)
    %slice3A_157 = vector.extract_strided_slice %get3A_121 {offsets = [5], sizes = [1], strides = [1]} : vector<16xi32> to vector<1xi32>
    %squeeze3A_158 = vector.extract %slice3A_157[0] : i32 from vector<1xi32>
    %add3A_159 = arith.constant 21 : i32
    %add3A_160 = arith.addi %mul3A_3, %add3A_159 : i32
    %dma_start3A_161 = tpu.memref_slice %arg4[%add3A_160, %add3A_1] : memref<8192x18432xf32, #tpu.memory_space<hbm>> -> memref<1x3072xf32, #tpu.memory_space<hbm>>
    %dma_start3A_162 = arith.constant 0 : i32
    %dma_start3A_163 = tpu.memref_slice %arg5[%squeeze3A_158, %dma_start3A_162] : memref<128x3072xf32, #tpu.memory_space<vmem_shared>> -> memref<1x3072xf32, #tpu.memory_space<vmem_shared>>
    tpu.enqueue_dma source(%dma_start3A_163 : memref<1x3072xf32, #tpu.memory_space<vmem_shared>>) target(%dma_start3A_161 : memref<1x3072xf32, #tpu.memory_space<hbm>>) target_semaphore(%arg8 : memref<!tpu.dma_semaphore, #tpu.memory_space<semaphore_mem>>)
    %slice3A_164 = vector.extract_strided_slice %get3A_121 {offsets = [6], sizes = [1], strides = [1]} : vector<16xi32> to vector<1xi32>
    %squeeze3A_165 = vector.extract %slice3A_164[0] : i32 from vector<1xi32>
    %add3A_166 = arith.constant 22 : i32
    %add3A_167 = arith.addi %mul3A_3, %add3A_166 : i32
    %dma_start3A_168 = tpu.memref_slice %arg4[%add3A_167, %add3A_1] : memref<8192x18432xf32, #tpu.memory_space<hbm>> -> memref<1x3072xf32, #tpu.memory_space<hbm>>
    %dma_start3A_169 = arith.constant 0 : i32
    %dma_start3A_170 = tpu.memref_slice %arg5[%squeeze3A_165, %dma_start3A_169] : memref<128x3072xf32, #tpu.memory_space<vmem_shared>> -> memref<1x3072xf32, #tpu.memory_space<vmem_shared>>
    tpu.enqueue_dma source(%dma_start3A_170 : memref<1x3072xf32, #tpu.memory_space<vmem_shared>>) target(%dma_start3A_168 : memref<1x3072xf32, #tpu.memory_space<hbm>>) target_semaphore(%arg8 : memref<!tpu.dma_semaphore, #tpu.memory_space<semaphore_mem>>)
    %slice3A_171 = vector.extract_strided_slice %get3A_121 {offsets = [7], sizes = [1], strides = [1]} : vector<16xi32> to vector<1xi32>
    %squeeze3A_172 = vector.extract %slice3A_171[0] : i32 from vector<1xi32>
    %add3A_173 = arith.constant 23 : i32
    %add3A_174 = arith.addi %mul3A_3, %add3A_173 : i32
    %dma_start3A_175 = tpu.memref_slice %arg4[%add3A_174, %add3A_1] : memref<8192x18432xf32, #tpu.memory_space<hbm>> -> memref<1x3072xf32, #tpu.memory_space<hbm>>
    %dma_start3A_176 = arith.constant 0 : i32
    %dma_start3A_177 = tpu.memref_slice %arg5[%squeeze3A_172, %dma_start3A_176] : memref<128x3072xf32, #tpu.memory_space<vmem_shared>> -> memref<1x3072xf32, #tpu.memory_space<vmem_shared>>
    tpu.enqueue_dma source(%dma_start3A_177 : memref<1x3072xf32, #tpu.memory_space<vmem_shared>>) target(%dma_start3A_175 : memref<1x3072xf32, #tpu.memory_space<hbm>>) target_semaphore(%arg8 : memref<!tpu.dma_semaphore, #tpu.memory_space<semaphore_mem>>)
    %slice3A_178 = vector.extract_strided_slice %get3A_121 {offsets = [8], sizes = [1], strides = [1]} : vector<16xi32> to vector<1xi32>
    %squeeze3A_179 = vector.extract %slice3A_178[0] : i32 from vector<1xi32>
    %add3A_180 = arith.constant 24 : i32
    %add3A_181 = arith.addi %mul3A_3, %add3A_180 : i32
    %dma_start3A_182 = tpu.memref_slice %arg4[%add3A_181, %add3A_1] : memref<8192x18432xf32, #tpu.memory_space<hbm>> -> memref<1x3072xf32, #tpu.memory_space<hbm>>
    %dma_start3A_183 = arith.constant 0 : i32
    %dma_start3A_184 = tpu.memref_slice %arg5[%squeeze3A_179, %dma_start3A_183] : memref<128x3072xf32, #tpu.memory_space<vmem_shared>> -> memref<1x3072xf32, #tpu.memory_space<vmem_shared>>
    tpu.enqueue_dma source(%dma_start3A_184 : memref<1x3072xf32, #tpu.memory_space<vmem_shared>>) target(%dma_start3A_182 : memref<1x3072xf32, #tpu.memory_space<hbm>>) target_semaphore(%arg8 : memref<!tpu.dma_semaphore, #tpu.memory_space<semaphore_mem>>)
    %slice3A_185 = vector.extract_strided_slice %get3A_121 {offsets = [9], sizes = [1], strides = [1]} : vector<16xi32> to vector<1xi32>
    %squeeze3A_186 = vector.extract %slice3A_185[0] : i32 from vector<1xi32>
    %add3A_187 = arith.constant 25 : i32
    %add3A_188 = arith.addi %mul3A_3, %add3A_187 : i32
    %dma_start3A_189 = tpu.memref_slice %arg4[%add3A_188, %add3A_1] : memref<8192x18432xf32, #tpu.memory_space<hbm>> -> memref<1x3072xf32, #tpu.memory_space<hbm>>
    %dma_start3A_190 = arith.constant 0 : i32
    %dma_start3A_191 = tpu.memref_slice %arg5[%squeeze3A_186, %dma_start3A_190] : memref<128x3072xf32, #tpu.memory_space<vmem_shared>> -> memref<1x3072xf32, #tpu.memory_space<vmem_shared>>
    tpu.enqueue_dma source(%dma_start3A_191 : memref<1x3072xf32, #tpu.memory_space<vmem_shared>>) target(%dma_start3A_189 : memref<1x3072xf32, #tpu.memory_space<hbm>>) target_semaphore(%arg8 : memref<!tpu.dma_semaphore, #tpu.memory_space<semaphore_mem>>)
    %slice3A_192 = vector.extract_strided_slice %get3A_121 {offsets = [10], sizes = [1], strides = [1]} : vector<16xi32> to vector<1xi32>
    %squeeze3A_193 = vector.extract %slice3A_192[0] : i32 from vector<1xi32>
    %add3A_194 = arith.constant 26 : i32
    %add3A_195 = arith.addi %mul3A_3, %add3A_194 : i32
    %dma_start3A_196 = tpu.memref_slice %arg4[%add3A_195, %add3A_1] : memref<8192x18432xf32, #tpu.memory_space<hbm>> -> memref<1x3072xf32, #tpu.memory_space<hbm>>
    %dma_start3A_197 = arith.constant 0 : i32
    %dma_start3A_198 = tpu.memref_slice %arg5[%squeeze3A_193, %dma_start3A_197] : memref<128x3072xf32, #tpu.memory_space<vmem_shared>> -> memref<1x3072xf32, #tpu.memory_space<vmem_shared>>
    tpu.enqueue_dma source(%dma_start3A_198 : memref<1x3072xf32, #tpu.memory_space<vmem_shared>>) target(%dma_start3A_196 : memref<1x3072xf32, #tpu.memory_space<hbm>>) target_semaphore(%arg8 : memref<!tpu.dma_semaphore, #tpu.memory_space<semaphore_mem>>)
    %slice3A_199 = vector.extract_strided_slice %get3A_121 {offsets = [11], sizes = [1], strides = [1]} : vector<16xi32> to vector<1xi32>
    %squeeze3A_200 = vector.extract %slice3A_199[0] : i32 from vector<1xi32>
    %add3A_201 = arith.constant 27 : i32
    %add3A_202 = arith.addi %mul3A_3, %add3A_201 : i32
    %dma_start3A_203 = tpu.memref_slice %arg4[%add3A_202, %add3A_1] : memref<8192x18432xf32, #tpu.memory_space<hbm>> -> memref<1x3072xf32, #tpu.memory_space<hbm>>
    %dma_start3A_204 = arith.constant 0 : i32
    %dma_start3A_205 = tpu.memref_slice %arg5[%squeeze3A_200, %dma_start3A_204] : memref<128x3072xf32, #tpu.memory_space<vmem_shared>> -> memref<1x3072xf32, #tpu.memory_space<vmem_shared>>
    tpu.enqueue_dma source(%dma_start3A_205 : memref<1x3072xf32, #tpu.memory_space<vmem_shared>>) target(%dma_start3A_203 : memref<1x3072xf32, #tpu.memory_space<hbm>>) target_semaphore(%arg8 : memref<!tpu.dma_semaphore, #tpu.memory_space<semaphore_mem>>)
    %slice3A_206 = vector.extract_strided_slice %get3A_121 {offsets = [12], sizes = [1], strides = [1]} : vector<16xi32> to vector<1xi32>
    %squeeze3A_207 = vector.extract %slice3A_206[0] : i32 from vector<1xi32>
    %add3A_208 = arith.constant 28 : i32
    %add3A_209 = arith.addi %mul3A_3, %add3A_208 : i32
    %dma_start3A_210 = tpu.memref_slice %arg4[%add3A_209, %add3A_1] : memref<8192x18432xf32, #tpu.memory_space<hbm>> -> memref<1x3072xf32, #tpu.memory_space<hbm>>
    %dma_start3A_211 = arith.constant 0 : i32
    %dma_start3A_212 = tpu.memref_slice %arg5[%squeeze3A_207, %dma_start3A_211] : memref<128x3072xf32, #tpu.memory_space<vmem_shared>> -> memref<1x3072xf32, #tpu.memory_space<vmem_shared>>
    tpu.enqueue_dma source(%dma_start3A_212 : memref<1x3072xf32, #tpu.memory_space<vmem_shared>>) target(%dma_start3A_210 : memref<1x3072xf32, #tpu.memory_space<hbm>>) target_semaphore(%arg8 : memref<!tpu.dma_semaphore, #tpu.memory_space<semaphore_mem>>)
    %slice3A_213 = vector.extract_strided_slice %get3A_121 {offsets = [13], sizes = [1], strides = [1]} : vector<16xi32> to vector<1xi32>
    %squeeze3A_214 = vector.extract %slice3A_213[0] : i32 from vector<1xi32>
    %add3A_215 = arith.constant 29 : i32
    %add3A_216 = arith.addi %mul3A_3, %add3A_215 : i32
    %dma_start3A_217 = tpu.memref_slice %arg4[%add3A_216, %add3A_1] : memref<8192x18432xf32, #tpu.memory_space<hbm>> -> memref<1x3072xf32, #tpu.memory_space<hbm>>
    %dma_start3A_218 = arith.constant 0 : i32
    %dma_start3A_219 = tpu.memref_slice %arg5[%squeeze3A_214, %dma_start3A_218] : memref<128x3072xf32, #tpu.memory_space<vmem_shared>> -> memref<1x3072xf32, #tpu.memory_space<vmem_shared>>
    tpu.enqueue_dma source(%dma_start3A_219 : memref<1x3072xf32, #tpu.memory_space<vmem_shared>>) target(%dma_start3A_217 : memref<1x3072xf32, #tpu.memory_space<hbm>>) target_semaphore(%arg8 : memref<!tpu.dma_semaphore, #tpu.memory_space<semaphore_mem>>)
    %slice3A_220 = vector.extract_strided_slice %get3A_121 {offsets = [14], sizes = [1], strides = [1]} : vector<16xi32> to vector<1xi32>
    %squeeze3A_221 = vector.extract %slice3A_220[0] : i32 from vector<1xi32>
    %add3A_222 = arith.constant 30 : i32
    %add3A_223 = arith.addi %mul3A_3, %add3A_222 : i32
    %dma_start3A_224 = tpu.memref_slice %arg4[%add3A_223, %add3A_1] : memref<8192x18432xf32, #tpu.memory_space<hbm>> -> memref<1x3072xf32, #tpu.memory_space<hbm>>
    %dma_start3A_225 = arith.constant 0 : i32
    %dma_start3A_226 = tpu.memref_slice %arg5[%squeeze3A_221, %dma_start3A_225] : memref<128x3072xf32, #tpu.memory_space<vmem_shared>> -> memref<1x3072xf32, #tpu.memory_space<vmem_shared>>
    tpu.enqueue_dma source(%dma_start3A_226 : memref<1x3072xf32, #tpu.memory_space<vmem_shared>>) target(%dma_start3A_224 : memref<1x3072xf32, #tpu.memory_space<hbm>>) target_semaphore(%arg8 : memref<!tpu.dma_semaphore, #tpu.memory_space<semaphore_mem>>)
    %slice3A_227 = vector.extract_strided_slice %get3A_121 {offsets = [15], sizes = [1], strides = [1]} : vector<16xi32> to vector<1xi32>
    %squeeze3A_228 = vector.extract %slice3A_227[0] : i32 from vector<1xi32>
    %add3A_229 = arith.constant 31 : i32
    %add3A_230 = arith.addi %mul3A_3, %add3A_229 : i32
    %dma_start3A_231 = tpu.memref_slice %arg4[%add3A_230, %add3A_1] : memref<8192x18432xf32, #tpu.memory_space<hbm>> -> memref<1x3072xf32, #tpu.memory_space<hbm>>
    %dma_start3A_232 = arith.constant 0 : i32
    %dma_start3A_233 = tpu.memref_slice %arg5[%squeeze3A_228, %dma_start3A_232] : memref<128x3072xf32, #tpu.memory_space<vmem_shared>> -> memref<1x3072xf32, #tpu.memory_space<vmem_shared>>
    tpu.enqueue_dma source(%dma_start3A_233 : memref<1x3072xf32, #tpu.memory_space<vmem_shared>>) target(%dma_start3A_231 : memref<1x3072xf32, #tpu.memory_space<hbm>>) target_semaphore(%arg8 : memref<!tpu.dma_semaphore, #tpu.memory_space<semaphore_mem>>)
    %scan3A = arith.constant 0 : i32
    %scan3A_234 = arith.constant 0 : i32
    %scan3A_235 = arith.constant 15 : i32
    %scan3A_236 = arith.addi %scan3A_234, %scan3A_235 : i32
    %scan3A_237 = arith.constant 1 : i32
    %scan3A_238 = scf.for %scan3A_469 = %scan3A_234 to %scan3A_236 step %scan3A_237 iter_args(%scan3A_470 = %scan3A) -> (i32)  : i32 {
      %mul3A_471 = arith.constant 2 : i32
      %mul3A_472 = arith.muli %scan3A_469, %mul3A_471 : i32
      %add3A_473 = arith.constant 0 : i32
      %add3A_474 = arith.addi %mul3A_472, %add3A_473 : i32
      %mul3A_475 = arith.constant 16 : i32
      %mul3A_476 = arith.muli %add3A_474, %mul3A_475 : i32
      %get3A_477 = arith.index_cast %mul3A_476 : i32 to index
      %get3A_478 = tpu.vector_load %arg6[%get3A_477] {strides = array<i32>} : memref<512xi32, #tpu.memory_space<vmem>>, vector<16xi32>,
      %get3A_479 = vector.shape_cast %get3A_478 : vector<16xi32> to vector<16xi32>
      %mul3A_480 = arith.constant 16 : i32
      %mul3A_481 = arith.muli %add3A_474, %mul3A_480 : i32
      %add3A_482 = arith.constant 0 : i32
      %add3A_483 = arith.addi %mul3A_481, %add3A_482 : i32
      %slice3A_484 = vector.extract_strided_slice %get3A_479 {offsets = [0], sizes = [1], strides = [1]} : vector<16xi32> to vector<1xi32>
      %squeeze3A_485 = vector.extract %slice3A_484[0] : i32 from vector<1xi32>
      %add3A_486 = arith.addi %mul3A_3, %add3A_483 : i32
      %dma_wait3A_487 = tpu.memref_slice %arg4[%add3A_486, %add3A_1] : memref<8192x18432xf32, #tpu.memory_space<hbm>> -> memref<1x3072xf32, #tpu.memory_space<hbm>>
      %dma_wait3A_488 = arith.constant 0 : i32
      %dma_wait3A_489 = tpu.memref_slice %arg5[%squeeze3A_485, %dma_wait3A_488] : memref<128x3072xf32, #tpu.memory_space<vmem_shared>> -> memref<1x3072xf32, #tpu.memory_space<vmem_shared>>
      tpu.wait_dma2 semaphore(%arg7 : memref<!tpu.dma_semaphore, #tpu.memory_space<semaphore_mem>>) src(%dma_wait3A_489 : memref<1x3072xf32, #tpu.memory_space<vmem_shared>>) dst(%dma_wait3A_487 : memref<1x3072xf32, #tpu.memory_space<hbm>>)
      %mul3A_490 = arith.constant 16 : i32
      %mul3A_491 = arith.muli %add3A_474, %mul3A_490 : i32
      %add3A_492 = arith.constant 1 : i32
      %add3A_493 = arith.addi %mul3A_491, %add3A_492 : i32
      %slice3A_494 = vector.extract_strided_slice %get3A_479 {offsets = [1], sizes = [1], strides = [1]} : vector<16xi32> to vector<1xi32>
      %squeeze3A_495 = vector.extract %slice3A_494[0] : i32 from vector<1xi32>
      %add3A_496 = arith.addi %mul3A_3, %add3A_493 : i32
      %dma_wait3A_497 = tpu.memref_slice %arg4[%add3A_496, %add3A_1] : memref<8192x18432xf32, #tpu.memory_space<hbm>> -> memref<1x3072xf32, #tpu.memory_space<hbm>>
      %dma_wait3A_498 = arith.constant 0 : i32
      %dma_wait3A_499 = tpu.memref_slice %arg5[%squeeze3A_495, %dma_wait3A_498] : memref<128x3072xf32, #tpu.memory_space<vmem_shared>> -> memref<1x3072xf32, #tpu.memory_space<vmem_shared>>
      tpu.wait_dma2 semaphore(%arg7 : memref<!tpu.dma_semaphore, #tpu.memory_space<semaphore_mem>>) src(%dma_wait3A_499 : memref<1x3072xf32, #tpu.memory_space<vmem_shared>>) dst(%dma_wait3A_497 : memref<1x3072xf32, #tpu.memory_space<hbm>>)
      %mul3A_500 = arith.constant 16 : i32
      %mul3A_501 = arith.muli %add3A_474, %mul3A_500 : i32
      %add3A_502 = arith.constant 2 : i32
      %add3A_503 = arith.addi %mul3A_501, %add3A_502 : i32
      %slice3A_504 = vector.extract_strided_slice %get3A_479 {offsets = [2], sizes = [1], strides = [1]} : vector<16xi32> to vector<1xi32>
      %squeeze3A_505 = vector.extract %slice3A_504[0] : i32 from vector<1xi32>
      %add3A_506 = arith.addi %mul3A_3, %add3A_503 : i32
      %dma_wait3A_507 = tpu.memref_slice %arg4[%add3A_506, %add3A_1] : memref<8192x18432xf32, #tpu.memory_space<hbm>> -> memref<1x3072xf32, #tpu.memory_space<hbm>>
      %dma_wait3A_508 = arith.constant 0 : i32
      %dma_wait3A_509 = tpu.memref_slice %arg5[%squeeze3A_505, %dma_wait3A_508] : memref<128x3072xf32, #tpu.memory_space<vmem_shared>> -> memref<1x3072xf32, #tpu.memory_space<vmem_shared>>
      tpu.wait_dma2 semaphore(%arg7 : memref<!tpu.dma_semaphore, #tpu.memory_space<semaphore_mem>>) src(%dma_wait3A_509 : memref<1x3072xf32, #tpu.memory_space<vmem_shared>>) dst(%dma_wait3A_507 : memref<1x3072xf32, #tpu.memory_space<hbm>>)
      %mul3A_510 = arith.constant 16 : i32
      %mul3A_511 = arith.muli %add3A_474, %mul3A_510 : i32
      %add3A_512 = arith.constant 3 : i32
      %add3A_513 = arith.addi %mul3A_511, %add3A_512 : i32
      %slice3A_514 = vector.extract_strided_slice %get3A_479 {offsets = [3], sizes = [1], strides = [1]} : vector<16xi32> to vector<1xi32>
      %squeeze3A_515 = vector.extract %slice3A_514[0] : i32 from vector<1xi32>
      %add3A_516 = arith.addi %mul3A_3, %add3A_513 : i32
      %dma_wait3A_517 = tpu.memref_slice %arg4[%add3A_516, %add3A_1] : memref<8192x18432xf32, #tpu.memory_space<hbm>> -> memref<1x3072xf32, #tpu.memory_space<hbm>>
      %dma_wait3A_518 = arith.constant 0 : i32
      %dma_wait3A_519 = tpu.memref_slice %arg5[%squeeze3A_515, %dma_wait3A_518] : memref<128x3072xf32, #tpu.memory_space<vmem_shared>> -> memref<1x3072xf32, #tpu.memory_space<vmem_shared>>
      tpu.wait_dma2 semaphore(%arg7 : memref<!tpu.dma_semaphore, #tpu.memory_space<semaphore_mem>>) src(%dma_wait3A_519 : memref<1x3072xf32, #tpu.memory_space<vmem_shared>>) dst(%dma_wait3A_517 : memref<1x3072xf32, #tpu.memory_space<hbm>>)
      %mul3A_520 = arith.constant 16 : i32
      %mul3A_521 = arith.muli %add3A_474, %mul3A_520 : i32
      %add3A_522 = arith.constant 4 : i32
      %add3A_523 = arith.addi %mul3A_521, %add3A_522 : i32
      %slice3A_524 = vector.extract_strided_slice %get3A_479 {offsets = [4], sizes = [1], strides = [1]} : vector<16xi32> to vector<1xi32>
      %squeeze3A_525 = vector.extract %slice3A_524[0] : i32 from vector<1xi32>
      %add3A_526 = arith.addi %mul3A_3, %add3A_523 : i32
      %dma_wait3A_527 = tpu.memref_slice %arg4[%add3A_526, %add3A_1] : memref<8192x18432xf32, #tpu.memory_space<hbm>> -> memref<1x3072xf32, #tpu.memory_space<hbm>>
      %dma_wait3A_528 = arith.constant 0 : i32
      %dma_wait3A_529 = tpu.memref_slice %arg5[%squeeze3A_525, %dma_wait3A_528] : memref<128x3072xf32, #tpu.memory_space<vmem_shared>> -> memref<1x3072xf32, #tpu.memory_space<vmem_shared>>
      tpu.wait_dma2 semaphore(%arg7 : memref<!tpu.dma_semaphore, #tpu.memory_space<semaphore_mem>>) src(%dma_wait3A_529 : memref<1x3072xf32, #tpu.memory_space<vmem_shared>>) dst(%dma_wait3A_527 : memref<1x3072xf32, #tpu.memory_space<hbm>>)
      %mul3A_530 = arith.constant 16 : i32
      %mul3A_531 = arith.muli %add3A_474, %mul3A_530 : i32
      %add3A_532 = arith.constant 5 : i32
      %add3A_533 = arith.addi %mul3A_531, %add3A_532 : i32
      %slice3A_534 = vector.extract_strided_slice %get3A_479 {offsets = [5], sizes = [1], strides = [1]} : vector<16xi32> to vector<1xi32>
      %squeeze3A_535 = vector.extract %slice3A_534[0] : i32 from vector<1xi32>
      %add3A_536 = arith.addi %mul3A_3, %add3A_533 : i32
      %dma_wait3A_537 = tpu.memref_slice %arg4[%add3A_536, %add3A_1] : memref<8192x18432xf32, #tpu.memory_space<hbm>> -> memref<1x3072xf32, #tpu.memory_space<hbm>>
      %dma_wait3A_538 = arith.constant 0 : i32
      %dma_wait3A_539 = tpu.memref_slice %arg5[%squeeze3A_535, %dma_wait3A_538] : memref<128x3072xf32, #tpu.memory_space<vmem_shared>> -> memref<1x3072xf32, #tpu.memory_space<vmem_shared>>
      tpu.wait_dma2 semaphore(%arg7 : memref<!tpu.dma_semaphore, #tpu.memory_space<semaphore_mem>>) src(%dma_wait3A_539 : memref<1x3072xf32, #tpu.memory_space<vmem_shared>>) dst(%dma_wait3A_537 : memref<1x3072xf32, #tpu.memory_space<hbm>>)
      %mul3A_540 = arith.constant 16 : i32
      %mul3A_541 = arith.muli %add3A_474, %mul3A_540 : i32
      %add3A_542 = arith.constant 6 : i32
      %add3A_543 = arith.addi %mul3A_541, %add3A_542 : i32
      %slice3A_544 = vector.extract_strided_slice %get3A_479 {offsets = [6], sizes = [1], strides = [1]} : vector<16xi32> to vector<1xi32>
      %squeeze3A_545 = vector.extract %slice3A_544[0] : i32 from vector<1xi32>
      %add3A_546 = arith.addi %mul3A_3, %add3A_543 : i32
      %dma_wait3A_547 = tpu.memref_slice %arg4[%add3A_546, %add3A_1] : memref<8192x18432xf32, #tpu.memory_space<hbm>> -> memref<1x3072xf32, #tpu.memory_space<hbm>>
      %dma_wait3A_548 = arith.constant 0 : i32
      %dma_wait3A_549 = tpu.memref_slice %arg5[%squeeze3A_545, %dma_wait3A_548] : memref<128x3072xf32, #tpu.memory_space<vmem_shared>> -> memref<1x3072xf32, #tpu.memory_space<vmem_shared>>
      tpu.wait_dma2 semaphore(%arg7 : memref<!tpu.dma_semaphore, #tpu.memory_space<semaphore_mem>>) src(%dma_wait3A_549 : memref<1x3072xf32, #tpu.memory_space<vmem_shared>>) dst(%dma_wait3A_547 : memref<1x3072xf32, #tpu.memory_space<hbm>>)
      %mul3A_550 = arith.constant 16 : i32
      %mul3A_551 = arith.muli %add3A_474, %mul3A_550 : i32
      %add3A_552 = arith.constant 7 : i32
      %add3A_553 = arith.addi %mul3A_551, %add3A_552 : i32
      %slice3A_554 = vector.extract_strided_slice %get3A_479 {offsets = [7], sizes = [1], strides = [1]} : vector<16xi32> to vector<1xi32>
      %squeeze3A_555 = vector.extract %slice3A_554[0] : i32 from vector<1xi32>
      %add3A_556 = arith.addi %mul3A_3, %add3A_553 : i32
      %dma_wait3A_557 = tpu.memref_slice %arg4[%add3A_556, %add3A_1] : memref<8192x18432xf32, #tpu.memory_space<hbm>> -> memref<1x3072xf32, #tpu.memory_space<hbm>>
      %dma_wait3A_558 = arith.constant 0 : i32
      %dma_wait3A_559 = tpu.memref_slice %arg5[%squeeze3A_555, %dma_wait3A_558] : memref<128x3072xf32, #tpu.memory_space<vmem_shared>> -> memref<1x3072xf32, #tpu.memory_space<vmem_shared>>
      tpu.wait_dma2 semaphore(%arg7 : memref<!tpu.dma_semaphore, #tpu.memory_space<semaphore_mem>>) src(%dma_wait3A_559 : memref<1x3072xf32, #tpu.memory_space<vmem_shared>>) dst(%dma_wait3A_557 : memref<1x3072xf32, #tpu.memory_space<hbm>>)
      %mul3A_560 = arith.constant 16 : i32
      %mul3A_561 = arith.muli %add3A_474, %mul3A_560 : i32
      %add3A_562 = arith.constant 8 : i32
      %add3A_563 = arith.addi %mul3A_561, %add3A_562 : i32
      %slice3A_564 = vector.extract_strided_slice %get3A_479 {offsets = [8], sizes = [1], strides = [1]} : vector<16xi32> to vector<1xi32>
      %squeeze3A_565 = vector.extract %slice3A_564[0] : i32 from vector<1xi32>
      %add3A_566 = arith.addi %mul3A_3, %add3A_563 : i32
      %dma_wait3A_567 = tpu.memref_slice %arg4[%add3A_566, %add3A_1] : memref<8192x18432xf32, #tpu.memory_space<hbm>> -> memref<1x3072xf32, #tpu.memory_space<hbm>>
      %dma_wait3A_568 = arith.constant 0 : i32
      %dma_wait3A_569 = tpu.memref_slice %arg5[%squeeze3A_565, %dma_wait3A_568] : memref<128x3072xf32, #tpu.memory_space<vmem_shared>> -> memref<1x3072xf32, #tpu.memory_space<vmem_shared>>
      tpu.wait_dma2 semaphore(%arg7 : memref<!tpu.dma_semaphore, #tpu.memory_space<semaphore_mem>>) src(%dma_wait3A_569 : memref<1x3072xf32, #tpu.memory_space<vmem_shared>>) dst(%dma_wait3A_567 : memref<1x3072xf32, #tpu.memory_space<hbm>>)
      %mul3A_570 = arith.constant 16 : i32
      %mul3A_571 = arith.muli %add3A_474, %mul3A_570 : i32
      %add3A_572 = arith.constant 9 : i32
      %add3A_573 = arith.addi %mul3A_571, %add3A_572 : i32
      %slice3A_574 = vector.extract_strided_slice %get3A_479 {offsets = [9], sizes = [1], strides = [1]} : vector<16xi32> to vector<1xi32>
      %squeeze3A_575 = vector.extract %slice3A_574[0] : i32 from vector<1xi32>
      %add3A_576 = arith.addi %mul3A_3, %add3A_573 : i32
      %dma_wait3A_577 = tpu.memref_slice %arg4[%add3A_576, %add3A_1] : memref<8192x18432xf32, #tpu.memory_space<hbm>> -> memref<1x3072xf32, #tpu.memory_space<hbm>>
      %dma_wait3A_578 = arith.constant 0 : i32
      %dma_wait3A_579 = tpu.memref_slice %arg5[%squeeze3A_575, %dma_wait3A_578] : memref<128x3072xf32, #tpu.memory_space<vmem_shared>> -> memref<1x3072xf32, #tpu.memory_space<vmem_shared>>
      tpu.wait_dma2 semaphore(%arg7 : memref<!tpu.dma_semaphore, #tpu.memory_space<semaphore_mem>>) src(%dma_wait3A_579 : memref<1x3072xf32, #tpu.memory_space<vmem_shared>>) dst(%dma_wait3A_577 : memref<1x3072xf32, #tpu.memory_space<hbm>>)
      %mul3A_580 = arith.constant 16 : i32
      %mul3A_581 = arith.muli %add3A_474, %mul3A_580 : i32
      %add3A_582 = arith.constant 10 : i32
      %add3A_583 = arith.addi %mul3A_581, %add3A_582 : i32
      %slice3A_584 = vector.extract_strided_slice %get3A_479 {offsets = [10], sizes = [1], strides = [1]} : vector<16xi32> to vector<1xi32>
      %squeeze3A_585 = vector.extract %slice3A_584[0] : i32 from vector<1xi32>
      %add3A_586 = arith.addi %mul3A_3, %add3A_583 : i32
      %dma_wait3A_587 = tpu.memref_slice %arg4[%add3A_586, %add3A_1] : memref<8192x18432xf32, #tpu.memory_space<hbm>> -> memref<1x3072xf32, #tpu.memory_space<hbm>>
      %dma_wait3A_588 = arith.constant 0 : i32
      %dma_wait3A_589 = tpu.memref_slice %arg5[%squeeze3A_585, %dma_wait3A_588] : memref<128x3072xf32, #tpu.memory_space<vmem_shared>> -> memref<1x3072xf32, #tpu.memory_space<vmem_shared>>
      tpu.wait_dma2 semaphore(%arg7 : memref<!tpu.dma_semaphore, #tpu.memory_space<semaphore_mem>>) src(%dma_wait3A_589 : memref<1x3072xf32, #tpu.memory_space<vmem_shared>>) dst(%dma_wait3A_587 : memref<1x3072xf32, #tpu.memory_space<hbm>>)
      %mul3A_590 = arith.constant 16 : i32
      %mul3A_591 = arith.muli %add3A_474, %mul3A_590 : i32
      %add3A_592 = arith.constant 11 : i32
      %add3A_593 = arith.addi %mul3A_591, %add3A_592 : i32
      %slice3A_594 = vector.extract_strided_slice %get3A_479 {offsets = [11], sizes = [1], strides = [1]} : vector<16xi32> to vector<1xi32>
      %squeeze3A_595 = vector.extract %slice3A_594[0] : i32 from vector<1xi32>
      %add3A_596 = arith.addi %mul3A_3, %add3A_593 : i32
      %dma_wait3A_597 = tpu.memref_slice %arg4[%add3A_596, %add3A_1] : memref<8192x18432xf32, #tpu.memory_space<hbm>> -> memref<1x3072xf32, #tpu.memory_space<hbm>>
      %dma_wait3A_598 = arith.constant 0 : i32
      %dma_wait3A_599 = tpu.memref_slice %arg5[%squeeze3A_595, %dma_wait3A_598] : memref<128x3072xf32, #tpu.memory_space<vmem_shared>> -> memref<1x3072xf32, #tpu.memory_space<vmem_shared>>
      tpu.wait_dma2 semaphore(%arg7 : memref<!tpu.dma_semaphore, #tpu.memory_space<semaphore_mem>>) src(%dma_wait3A_599 : memref<1x3072xf32, #tpu.memory_space<vmem_shared>>) dst(%dma_wait3A_597 : memref<1x3072xf32, #tpu.memory_space<hbm>>)
      %mul3A_600 = arith.constant 16 : i32
      %mul3A_601 = arith.muli %add3A_474, %mul3A_600 : i32
      %add3A_602 = arith.constant 12 : i32
      %add3A_603 = arith.addi %mul3A_601, %add3A_602 : i32
      %slice3A_604 = vector.extract_strided_slice %get3A_479 {offsets = [12], sizes = [1], strides = [1]} : vector<16xi32> to vector<1xi32>
      %squeeze3A_605 = vector.extract %slice3A_604[0] : i32 from vector<1xi32>
      %add3A_606 = arith.addi %mul3A_3, %add3A_603 : i32
      %dma_wait3A_607 = tpu.memref_slice %arg4[%add3A_606, %add3A_1] : memref<8192x18432xf32, #tpu.memory_space<hbm>> -> memref<1x3072xf32, #tpu.memory_space<hbm>>
      %dma_wait3A_608 = arith.constant 0 : i32
      %dma_wait3A_609 = tpu.memref_slice %arg5[%squeeze3A_605, %dma_wait3A_608] : memref<128x3072xf32, #tpu.memory_space<vmem_shared>> -> memref<1x3072xf32, #tpu.memory_space<vmem_shared>>
      tpu.wait_dma2 semaphore(%arg7 : memref<!tpu.dma_semaphore, #tpu.memory_space<semaphore_mem>>) src(%dma_wait3A_609 : memref<1x3072xf32, #tpu.memory_space<vmem_shared>>) dst(%dma_wait3A_607 : memref<1x3072xf32, #tpu.memory_space<hbm>>)
      %mul3A_610 = arith.constant 16 : i32
      %mul3A_611 = arith.muli %add3A_474, %mul3A_610 : i32
      %add3A_612 = arith.constant 13 : i32
      %add3A_613 = arith.addi %mul3A_611, %add3A_612 : i32
      %slice3A_614 = vector.extract_strided_slice %get3A_479 {offsets = [13], sizes = [1], strides = [1]} : vector<16xi32> to vector<1xi32>
      %squeeze3A_615 = vector.extract %slice3A_614[0] : i32 from vector<1xi32>
      %add3A_616 = arith.addi %mul3A_3, %add3A_613 : i32
      %dma_wait3A_617 = tpu.memref_slice %arg4[%add3A_616, %add3A_1] : memref<8192x18432xf32, #tpu.memory_space<hbm>> -> memref<1x3072xf32, #tpu.memory_space<hbm>>
      %dma_wait3A_618 = arith.constant 0 : i32
      %dma_wait3A_619 = tpu.memref_slice %arg5[%squeeze3A_615, %dma_wait3A_618] : memref<128x3072xf32, #tpu.memory_space<vmem_shared>> -> memref<1x3072xf32, #tpu.memory_space<vmem_shared>>
      tpu.wait_dma2 semaphore(%arg7 : memref<!tpu.dma_semaphore, #tpu.memory_space<semaphore_mem>>) src(%dma_wait3A_619 : memref<1x3072xf32, #tpu.memory_space<vmem_shared>>) dst(%dma_wait3A_617 : memref<1x3072xf32, #tpu.memory_space<hbm>>)
      %mul3A_620 = arith.constant 16 : i32
      %mul3A_621 = arith.muli %add3A_474, %mul3A_620 : i32
      %add3A_622 = arith.constant 14 : i32
      %add3A_623 = arith.addi %mul3A_621, %add3A_622 : i32
      %slice3A_624 = vector.extract_strided_slice %get3A_479 {offsets = [14], sizes = [1], strides = [1]} : vector<16xi32> to vector<1xi32>
      %squeeze3A_625 = vector.extract %slice3A_624[0] : i32 from vector<1xi32>
      %add3A_626 = arith.addi %mul3A_3, %add3A_623 : i32
      %dma_wait3A_627 = tpu.memref_slice %arg4[%add3A_626, %add3A_1] : memref<8192x18432xf32, #tpu.memory_space<hbm>> -> memref<1x3072xf32, #tpu.memory_space<hbm>>
      %dma_wait3A_628 = arith.constant 0 : i32
      %dma_wait3A_629 = tpu.memref_slice %arg5[%squeeze3A_625, %dma_wait3A_628] : memref<128x3072xf32, #tpu.memory_space<vmem_shared>> -> memref<1x3072xf32, #tpu.memory_space<vmem_shared>>
      tpu.wait_dma2 semaphore(%arg7 : memref<!tpu.dma_semaphore, #tpu.memory_space<semaphore_mem>>) src(%dma_wait3A_629 : memref<1x3072xf32, #tpu.memory_space<vmem_shared>>) dst(%dma_wait3A_627 : memref<1x3072xf32, #tpu.memory_space<hbm>>)
      %mul3A_630 = arith.constant 16 : i32
      %mul3A_631 = arith.muli %add3A_474, %mul3A_630 : i32
      %add3A_632 = arith.constant 15 : i32
      %add3A_633 = arith.addi %mul3A_631, %add3A_632 : i32
      %slice3A_634 = vector.extract_strided_slice %get3A_479 {offsets = [15], sizes = [1], strides = [1]} : vector<16xi32> to vector<1xi32>
      %squeeze3A_635 = vector.extract %slice3A_634[0] : i32 from vector<1xi32>
      %add3A_636 = arith.addi %mul3A_3, %add3A_633 : i32
      %dma_wait3A_637 = tpu.memref_slice %arg4[%add3A_636, %add3A_1] : memref<8192x18432xf32, #tpu.memory_space<hbm>> -> memref<1x3072xf32, #tpu.memory_space<hbm>>
      %dma_wait3A_638 = arith.constant 0 : i32
      %dma_wait3A_639 = tpu.memref_slice %arg5[%squeeze3A_635, %dma_wait3A_638] : memref<128x3072xf32, #tpu.memory_space<vmem_shared>> -> memref<1x3072xf32, #tpu.memory_space<vmem_shared>>
      tpu.wait_dma2 semaphore(%arg7 : memref<!tpu.dma_semaphore, #tpu.memory_space<semaphore_mem>>) src(%dma_wait3A_639 : memref<1x3072xf32, #tpu.memory_space<vmem_shared>>) dst(%dma_wait3A_637 : memref<1x3072xf32, #tpu.memory_space<hbm>>)
      %add3A_640 = arith.constant 2 : i32
      %add3A_641 = arith.addi %mul3A_472, %add3A_640 : i32
      %add3A_642 = arith.constant 0 : i32
      %add3A_643 = arith.addi %add3A_641, %add3A_642 : i32
      %mul3A_644 = arith.constant 16 : i32
      %mul3A_645 = arith.muli %add3A_643, %mul3A_644 : i32
      %get3A_646 = arith.index_cast %mul3A_645 : i32 to index
      %get3A_647 = tpu.vector_load %arg6[%get3A_646] {strides = array<i32>} : memref<512xi32, #tpu.memory_space<vmem>>, vector<16xi32>,
      %get3A_648 = vector.shape_cast %get3A_647 : vector<16xi32> to vector<16xi32>
      %mul3A_649 = arith.constant 16 : i32
      %mul3A_650 = arith.muli %add3A_643, %mul3A_649 : i32
      %add3A_651 = arith.constant 0 : i32
      %add3A_652 = arith.addi %mul3A_650, %add3A_651 : i32
      %slice3A_653 = vector.extract_strided_slice %get3A_648 {offsets = [0], sizes = [1], strides = [1]} : vector<16xi32> to vector<1xi32>
      %squeeze3A_654 = vector.extract %slice3A_653[0] : i32 from vector<1xi32>
      %add3A_655 = arith.addi %mul3A_3, %add3A_652 : i32
      %dma_start3A_656 = tpu.memref_slice %arg4[%add3A_655, %add3A_1] : memref<8192x18432xf32, #tpu.memory_space<hbm>> -> memref<1x3072xf32, #tpu.memory_space<hbm>>
      %dma_start3A_657 = arith.constant 0 : i32
      %dma_start3A_658 = tpu.memref_slice %arg5[%squeeze3A_654, %dma_start3A_657] : memref<128x3072xf32, #tpu.memory_space<vmem_shared>> -> memref<1x3072xf32, #tpu.memory_space<vmem_shared>>
      tpu.enqueue_dma source(%dma_start3A_658 : memref<1x3072xf32, #tpu.memory_space<vmem_shared>>) target(%dma_start3A_656 : memref<1x3072xf32, #tpu.memory_space<hbm>>) target_semaphore(%arg7 : memref<!tpu.dma_semaphore, #tpu.memory_space<semaphore_mem>>)
      %mul3A_659 = arith.constant 16 : i32
      %mul3A_660 = arith.muli %add3A_643, %mul3A_659 : i32
      %add3A_661 = arith.constant 1 : i32
      %add3A_662 = arith.addi %mul3A_660, %add3A_661 : i32
      %slice3A_663 = vector.extract_strided_slice %get3A_648 {offsets = [1], sizes = [1], strides = [1]} : vector<16xi32> to vector<1xi32>
      %squeeze3A_664 = vector.extract %slice3A_663[0] : i32 from vector<1xi32>
      %add3A_665 = arith.addi %mul3A_3, %add3A_662 : i32
      %dma_start3A_666 = tpu.memref_slice %arg4[%add3A_665, %add3A_1] : memref<8192x18432xf32, #tpu.memory_space<hbm>> -> memref<1x3072xf32, #tpu.memory_space<hbm>>
      %dma_start3A_667 = arith.constant 0 : i32
      %dma_start3A_668 = tpu.memref_slice %arg5[%squeeze3A_664, %dma_start3A_667] : memref<128x3072xf32, #tpu.memory_space<vmem_shared>> -> memref<1x3072xf32, #tpu.memory_space<vmem_shared>>
      tpu.enqueue_dma source(%dma_start3A_668 : memref<1x3072xf32, #tpu.memory_space<vmem_shared>>) target(%dma_start3A_666 : memref<1x3072xf32, #tpu.memory_space<hbm>>) target_semaphore(%arg7 : memref<!tpu.dma_semaphore, #tpu.memory_space<semaphore_mem>>)
      %mul3A_669 = arith.constant 16 : i32
      %mul3A_670 = arith.muli %add3A_643, %mul3A_669 : i32
      %add3A_671 = arith.constant 2 : i32
      %add3A_672 = arith.addi %mul3A_670, %add3A_671 : i32
      %slice3A_673 = vector.extract_strided_slice %get3A_648 {offsets = [2], sizes = [1], strides = [1]} : vector<16xi32> to vector<1xi32>
      %squeeze3A_674 = vector.extract %slice3A_673[0] : i32 from vector<1xi32>
      %add3A_675 = arith.addi %mul3A_3, %add3A_672 : i32
      %dma_start3A_676 = tpu.memref_slice %arg4[%add3A_675, %add3A_1] : memref<8192x18432xf32, #tpu.memory_space<hbm>> -> memref<1x3072xf32, #tpu.memory_space<hbm>>
      %dma_start3A_677 = arith.constant 0 : i32
      %dma_start3A_678 = tpu.memref_slice %arg5[%squeeze3A_674, %dma_start3A_677] : memref<128x3072xf32, #tpu.memory_space<vmem_shared>> -> memref<1x3072xf32, #tpu.memory_space<vmem_shared>>
      tpu.enqueue_dma source(%dma_start3A_678 : memref<1x3072xf32, #tpu.memory_space<vmem_shared>>) target(%dma_start3A_676 : memref<1x3072xf32, #tpu.memory_space<hbm>>) target_semaphore(%arg7 : memref<!tpu.dma_semaphore, #tpu.memory_space<semaphore_mem>>)
      %mul3A_679 = arith.constant 16 : i32
      %mul3A_680 = arith.muli %add3A_643, %mul3A_679 : i32
      %add3A_681 = arith.constant 3 : i32
      %add3A_682 = arith.addi %mul3A_680, %add3A_681 : i32
      %slice3A_683 = vector.extract_strided_slice %get3A_648 {offsets = [3], sizes = [1], strides = [1]} : vector<16xi32> to vector<1xi32>
      %squeeze3A_684 = vector.extract %slice3A_683[0] : i32 from vector<1xi32>
      %add3A_685 = arith.addi %mul3A_3, %add3A_682 : i32
      %dma_start3A_686 = tpu.memref_slice %arg4[%add3A_685, %add3A_1] : memref<8192x18432xf32, #tpu.memory_space<hbm>> -> memref<1x3072xf32, #tpu.memory_space<hbm>>
      %dma_start3A_687 = arith.constant 0 : i32
      %dma_start3A_688 = tpu.memref_slice %arg5[%squeeze3A_684, %dma_start3A_687] : memref<128x3072xf32, #tpu.memory_space<vmem_shared>> -> memref<1x3072xf32, #tpu.memory_space<vmem_shared>>
      tpu.enqueue_dma source(%dma_start3A_688 : memref<1x3072xf32, #tpu.memory_space<vmem_shared>>) target(%dma_start3A_686 : memref<1x3072xf32, #tpu.memory_space<hbm>>) target_semaphore(%arg7 : memref<!tpu.dma_semaphore, #tpu.memory_space<semaphore_mem>>)
      %mul3A_689 = arith.constant 16 : i32
      %mul3A_690 = arith.muli %add3A_643, %mul3A_689 : i32
      %add3A_691 = arith.constant 4 : i32
      %add3A_692 = arith.addi %mul3A_690, %add3A_691 : i32
      %slice3A_693 = vector.extract_strided_slice %get3A_648 {offsets = [4], sizes = [1], strides = [1]} : vector<16xi32> to vector<1xi32>
      %squeeze3A_694 = vector.extract %slice3A_693[0] : i32 from vector<1xi32>
      %add3A_695 = arith.addi %mul3A_3, %add3A_692 : i32
      %dma_start3A_696 = tpu.memref_slice %arg4[%add3A_695, %add3A_1] : memref<8192x18432xf32, #tpu.memory_space<hbm>> -> memref<1x3072xf32, #tpu.memory_space<hbm>>
      %dma_start3A_697 = arith.constant 0 : i32
      %dma_start3A_698 = tpu.memref_slice %arg5[%squeeze3A_694, %dma_start3A_697] : memref<128x3072xf32, #tpu.memory_space<vmem_shared>> -> memref<1x3072xf32, #tpu.memory_space<vmem_shared>>
      tpu.enqueue_dma source(%dma_start3A_698 : memref<1x3072xf32, #tpu.memory_space<vmem_shared>>) target(%dma_start3A_696 : memref<1x3072xf32, #tpu.memory_space<hbm>>) target_semaphore(%arg7 : memref<!tpu.dma_semaphore, #tpu.memory_space<semaphore_mem>>)
      %mul3A_699 = arith.constant 16 : i32
      %mul3A_700 = arith.muli %add3A_643, %mul3A_699 : i32
      %add3A_701 = arith.constant 5 : i32
      %add3A_702 = arith.addi %mul3A_700, %add3A_701 : i32
      %slice3A_703 = vector.extract_strided_slice %get3A_648 {offsets = [5], sizes = [1], strides = [1]} : vector<16xi32> to vector<1xi32>
      %squeeze3A_704 = vector.extract %slice3A_703[0] : i32 from vector<1xi32>
      %add3A_705 = arith.addi %mul3A_3, %add3A_702 : i32
      %dma_start3A_706 = tpu.memref_slice %arg4[%add3A_705, %add3A_1] : memref<8192x18432xf32, #tpu.memory_space<hbm>> -> memref<1x3072xf32, #tpu.memory_space<hbm>>
      %dma_start3A_707 = arith.constant 0 : i32
      %dma_start3A_708 = tpu.memref_slice %arg5[%squeeze3A_704, %dma_start3A_707] : memref<128x3072xf32, #tpu.memory_space<vmem_shared>> -> memref<1x3072xf32, #tpu.memory_space<vmem_shared>>
      tpu.enqueue_dma source(%dma_start3A_708 : memref<1x3072xf32, #tpu.memory_space<vmem_shared>>) target(%dma_start3A_706 : memref<1x3072xf32, #tpu.memory_space<hbm>>) target_semaphore(%arg7 : memref<!tpu.dma_semaphore, #tpu.memory_space<semaphore_mem>>)
      %mul3A_709 = arith.constant 16 : i32
      %mul3A_710 = arith.muli %add3A_643, %mul3A_709 : i32
      %add3A_711 = arith.constant 6 : i32
      %add3A_712 = arith.addi %mul3A_710, %add3A_711 : i32
      %slice3A_713 = vector.extract_strided_slice %get3A_648 {offsets = [6], sizes = [1], strides = [1]} : vector<16xi32> to vector<1xi32>
      %squeeze3A_714 = vector.extract %slice3A_713[0] : i32 from vector<1xi32>
      %add3A_715 = arith.addi %mul3A_3, %add3A_712 : i32
      %dma_start3A_716 = tpu.memref_slice %arg4[%add3A_715, %add3A_1] : memref<8192x18432xf32, #tpu.memory_space<hbm>> -> memref<1x3072xf32, #tpu.memory_space<hbm>>
      %dma_start3A_717 = arith.constant 0 : i32
      %dma_start3A_718 = tpu.memref_slice %arg5[%squeeze3A_714, %dma_start3A_717] : memref<128x3072xf32, #tpu.memory_space<vmem_shared>> -> memref<1x3072xf32, #tpu.memory_space<vmem_shared>>
      tpu.enqueue_dma source(%dma_start3A_718 : memref<1x3072xf32, #tpu.memory_space<vmem_shared>>) target(%dma_start3A_716 : memref<1x3072xf32, #tpu.memory_space<hbm>>) target_semaphore(%arg7 : memref<!tpu.dma_semaphore, #tpu.memory_space<semaphore_mem>>)
      %mul3A_719 = arith.constant 16 : i32
      %mul3A_720 = arith.muli %add3A_643, %mul3A_719 : i32
      %add3A_721 = arith.constant 7 : i32
      %add3A_722 = arith.addi %mul3A_720, %add3A_721 : i32
      %slice3A_723 = vector.extract_strided_slice %get3A_648 {offsets = [7], sizes = [1], strides = [1]} : vector<16xi32> to vector<1xi32>
      %squeeze3A_724 = vector.extract %slice3A_723[0] : i32 from vector<1xi32>
      %add3A_725 = arith.addi %mul3A_3, %add3A_722 : i32
      %dma_start3A_726 = tpu.memref_slice %arg4[%add3A_725, %add3A_1] : memref<8192x18432xf32, #tpu.memory_space<hbm>> -> memref<1x3072xf32, #tpu.memory_space<hbm>>
      %dma_start3A_727 = arith.constant 0 : i32
      %dma_start3A_728 = tpu.memref_slice %arg5[%squeeze3A_724, %dma_start3A_727] : memref<128x3072xf32, #tpu.memory_space<vmem_shared>> -> memref<1x3072xf32, #tpu.memory_space<vmem_shared>>
      tpu.enqueue_dma source(%dma_start3A_728 : memref<1x3072xf32, #tpu.memory_space<vmem_shared>>) target(%dma_start3A_726 : memref<1x3072xf32, #tpu.memory_space<hbm>>) target_semaphore(%arg7 : memref<!tpu.dma_semaphore, #tpu.memory_space<semaphore_mem>>)
      %mul3A_729 = arith.constant 16 : i32
      %mul3A_730 = arith.muli %add3A_643, %mul3A_729 : i32
      %add3A_731 = arith.constant 8 : i32
      %add3A_732 = arith.addi %mul3A_730, %add3A_731 : i32
      %slice3A_733 = vector.extract_strided_slice %get3A_648 {offsets = [8], sizes = [1], strides = [1]} : vector<16xi32> to vector<1xi32>
      %squeeze3A_734 = vector.extract %slice3A_733[0] : i32 from vector<1xi32>
      %add3A_735 = arith.addi %mul3A_3, %add3A_732 : i32
      %dma_start3A_736 = tpu.memref_slice %arg4[%add3A_735, %add3A_1] : memref<8192x18432xf32, #tpu.memory_space<hbm>> -> memref<1x3072xf32, #tpu.memory_space<hbm>>
      %dma_start3A_737 = arith.constant 0 : i32
      %dma_start3A_738 = tpu.memref_slice %arg5[%squeeze3A_734, %dma_start3A_737] : memref<128x3072xf32, #tpu.memory_space<vmem_shared>> -> memref<1x3072xf32, #tpu.memory_space<vmem_shared>>
      tpu.enqueue_dma source(%dma_start3A_738 : memref<1x3072xf32, #tpu.memory_space<vmem_shared>>) target(%dma_start3A_736 : memref<1x3072xf32, #tpu.memory_space<hbm>>) target_semaphore(%arg7 : memref<!tpu.dma_semaphore, #tpu.memory_space<semaphore_mem>>)
      %mul3A_739 = arith.constant 16 : i32
      %mul3A_740 = arith.muli %add3A_643, %mul3A_739 : i32
      %add3A_741 = arith.constant 9 : i32
      %add3A_742 = arith.addi %mul3A_740, %add3A_741 : i32
      %slice3A_743 = vector.extract_strided_slice %get3A_648 {offsets = [9], sizes = [1], strides = [1]} : vector<16xi32> to vector<1xi32>
      %squeeze3A_744 = vector.extract %slice3A_743[0] : i32 from vector<1xi32>
      %add3A_745 = arith.addi %mul3A_3, %add3A_742 : i32
      %dma_start3A_746 = tpu.memref_slice %arg4[%add3A_745, %add3A_1] : memref<8192x18432xf32, #tpu.memory_space<hbm>> -> memref<1x3072xf32, #tpu.memory_space<hbm>>
      %dma_start3A_747 = arith.constant 0 : i32
      %dma_start3A_748 = tpu.memref_slice %arg5[%squeeze3A_744, %dma_start3A_747] : memref<128x3072xf32, #tpu.memory_space<vmem_shared>> -> memref<1x3072xf32, #tpu.memory_space<vmem_shared>>
      tpu.enqueue_dma source(%dma_start3A_748 : memref<1x3072xf32, #tpu.memory_space<vmem_shared>>) target(%dma_start3A_746 : memref<1x3072xf32, #tpu.memory_space<hbm>>) target_semaphore(%arg7 : memref<!tpu.dma_semaphore, #tpu.memory_space<semaphore_mem>>)
      %mul3A_749 = arith.constant 16 : i32
      %mul3A_750 = arith.muli %add3A_643, %mul3A_749 : i32
      %add3A_751 = arith.constant 10 : i32
      %add3A_752 = arith.addi %mul3A_750, %add3A_751 : i32
      %slice3A_753 = vector.extract_strided_slice %get3A_648 {offsets = [10], sizes = [1], strides = [1]} : vector<16xi32> to vector<1xi32>
      %squeeze3A_754 = vector.extract %slice3A_753[0] : i32 from vector<1xi32>
      %add3A_755 = arith.addi %mul3A_3, %add3A_752 : i32
      %dma_start3A_756 = tpu.memref_slice %arg4[%add3A_755, %add3A_1] : memref<8192x18432xf32, #tpu.memory_space<hbm>> -> memref<1x3072xf32, #tpu.memory_space<hbm>>
      %dma_start3A_757 = arith.constant 0 : i32
      %dma_start3A_758 = tpu.memref_slice %arg5[%squeeze3A_754, %dma_start3A_757] : memref<128x3072xf32, #tpu.memory_space<vmem_shared>> -> memref<1x3072xf32, #tpu.memory_space<vmem_shared>>
      tpu.enqueue_dma source(%dma_start3A_758 : memref<1x3072xf32, #tpu.memory_space<vmem_shared>>) target(%dma_start3A_756 : memref<1x3072xf32, #tpu.memory_space<hbm>>) target_semaphore(%arg7 : memref<!tpu.dma_semaphore, #tpu.memory_space<semaphore_mem>>)
      %mul3A_759 = arith.constant 16 : i32
      %mul3A_760 = arith.muli %add3A_643, %mul3A_759 : i32
      %add3A_761 = arith.constant 11 : i32
      %add3A_762 = arith.addi %mul3A_760, %add3A_761 : i32
      %slice3A_763 = vector.extract_strided_slice %get3A_648 {offsets = [11], sizes = [1], strides = [1]} : vector<16xi32> to vector<1xi32>
      %squeeze3A_764 = vector.extract %slice3A_763[0] : i32 from vector<1xi32>
      %add3A_765 = arith.addi %mul3A_3, %add3A_762 : i32
      %dma_start3A_766 = tpu.memref_slice %arg4[%add3A_765, %add3A_1] : memref<8192x18432xf32, #tpu.memory_space<hbm>> -> memref<1x3072xf32, #tpu.memory_space<hbm>>
      %dma_start3A_767 = arith.constant 0 : i32
      %dma_start3A_768 = tpu.memref_slice %arg5[%squeeze3A_764, %dma_start3A_767] : memref<128x3072xf32, #tpu.memory_space<vmem_shared>> -> memref<1x3072xf32, #tpu.memory_space<vmem_shared>>
      tpu.enqueue_dma source(%dma_start3A_768 : memref<1x3072xf32, #tpu.memory_space<vmem_shared>>) target(%dma_start3A_766 : memref<1x3072xf32, #tpu.memory_space<hbm>>) target_semaphore(%arg7 : memref<!tpu.dma_semaphore, #tpu.memory_space<semaphore_mem>>)
      %mul3A_769 = arith.constant 16 : i32
      %mul3A_770 = arith.muli %add3A_643, %mul3A_769 : i32
      %add3A_771 = arith.constant 12 : i32
      %add3A_772 = arith.addi %mul3A_770, %add3A_771 : i32
      %slice3A_773 = vector.extract_strided_slice %get3A_648 {offsets = [12], sizes = [1], strides = [1]} : vector<16xi32> to vector<1xi32>
      %squeeze3A_774 = vector.extract %slice3A_773[0] : i32 from vector<1xi32>
      %add3A_775 = arith.addi %mul3A_3, %add3A_772 : i32
      %dma_start3A_776 = tpu.memref_slice %arg4[%add3A_775, %add3A_1] : memref<8192x18432xf32, #tpu.memory_space<hbm>> -> memref<1x3072xf32, #tpu.memory_space<hbm>>
      %dma_start3A_777 = arith.constant 0 : i32
      %dma_start3A_778 = tpu.memref_slice %arg5[%squeeze3A_774, %dma_start3A_777] : memref<128x3072xf32, #tpu.memory_space<vmem_shared>> -> memref<1x3072xf32, #tpu.memory_space<vmem_shared>>
      tpu.enqueue_dma source(%dma_start3A_778 : memref<1x3072xf32, #tpu.memory_space<vmem_shared>>) target(%dma_start3A_776 : memref<1x3072xf32, #tpu.memory_space<hbm>>) target_semaphore(%arg7 : memref<!tpu.dma_semaphore, #tpu.memory_space<semaphore_mem>>)
      %mul3A_779 = arith.constant 16 : i32
      %mul3A_780 = arith.muli %add3A_643, %mul3A_779 : i32
      %add3A_781 = arith.constant 13 : i32
      %add3A_782 = arith.addi %mul3A_780, %add3A_781 : i32
      %slice3A_783 = vector.extract_strided_slice %get3A_648 {offsets = [13], sizes = [1], strides = [1]} : vector<16xi32> to vector<1xi32>
      %squeeze3A_784 = vector.extract %slice3A_783[0] : i32 from vector<1xi32>
      %add3A_785 = arith.addi %mul3A_3, %add3A_782 : i32
      %dma_start3A_786 = tpu.memref_slice %arg4[%add3A_785, %add3A_1] : memref<8192x18432xf32, #tpu.memory_space<hbm>> -> memref<1x3072xf32, #tpu.memory_space<hbm>>
      %dma_start3A_787 = arith.constant 0 : i32
      %dma_start3A_788 = tpu.memref_slice %arg5[%squeeze3A_784, %dma_start3A_787] : memref<128x3072xf32, #tpu.memory_space<vmem_shared>> -> memref<1x3072xf32, #tpu.memory_space<vmem_shared>>
      tpu.enqueue_dma source(%dma_start3A_788 : memref<1x3072xf32, #tpu.memory_space<vmem_shared>>) target(%dma_start3A_786 : memref<1x3072xf32, #tpu.memory_space<hbm>>) target_semaphore(%arg7 : memref<!tpu.dma_semaphore, #tpu.memory_space<semaphore_mem>>)
      %mul3A_789 = arith.constant 16 : i32
      %mul3A_790 = arith.muli %add3A_643, %mul3A_789 : i32
      %add3A_791 = arith.constant 14 : i32
      %add3A_792 = arith.addi %mul3A_790, %add3A_791 : i32
      %slice3A_793 = vector.extract_strided_slice %get3A_648 {offsets = [14], sizes = [1], strides = [1]} : vector<16xi32> to vector<1xi32>
      %squeeze3A_794 = vector.extract %slice3A_793[0] : i32 from vector<1xi32>
      %add3A_795 = arith.addi %mul3A_3, %add3A_792 : i32
      %dma_start3A_796 = tpu.memref_slice %arg4[%add3A_795, %add3A_1] : memref<8192x18432xf32, #tpu.memory_space<hbm>> -> memref<1x3072xf32, #tpu.memory_space<hbm>>
      %dma_start3A_797 = arith.constant 0 : i32
      %dma_start3A_798 = tpu.memref_slice %arg5[%squeeze3A_794, %dma_start3A_797] : memref<128x3072xf32, #tpu.memory_space<vmem_shared>> -> memref<1x3072xf32, #tpu.memory_space<vmem_shared>>
      tpu.enqueue_dma source(%dma_start3A_798 : memref<1x3072xf32, #tpu.memory_space<vmem_shared>>) target(%dma_start3A_796 : memref<1x3072xf32, #tpu.memory_space<hbm>>) target_semaphore(%arg7 : memref<!tpu.dma_semaphore, #tpu.memory_space<semaphore_mem>>)
      %mul3A_799 = arith.constant 16 : i32
      %mul3A_800 = arith.muli %add3A_643, %mul3A_799 : i32
      %add3A_801 = arith.constant 15 : i32
      %add3A_802 = arith.addi %mul3A_800, %add3A_801 : i32
      %slice3A_803 = vector.extract_strided_slice %get3A_648 {offsets = [15], sizes = [1], strides = [1]} : vector<16xi32> to vector<1xi32>
      %squeeze3A_804 = vector.extract %slice3A_803[0] : i32 from vector<1xi32>
      %add3A_805 = arith.addi %mul3A_3, %add3A_802 : i32
      %dma_start3A_806 = tpu.memref_slice %arg4[%add3A_805, %add3A_1] : memref<8192x18432xf32, #tpu.memory_space<hbm>> -> memref<1x3072xf32, #tpu.memory_space<hbm>>
      %dma_start3A_807 = arith.constant 0 : i32
      %dma_start3A_808 = tpu.memref_slice %arg5[%squeeze3A_804, %dma_start3A_807] : memref<128x3072xf32, #tpu.memory_space<vmem_shared>> -> memref<1x3072xf32, #tpu.memory_space<vmem_shared>>
      tpu.enqueue_dma source(%dma_start3A_808 : memref<1x3072xf32, #tpu.memory_space<vmem_shared>>) target(%dma_start3A_806 : memref<1x3072xf32, #tpu.memory_space<hbm>>) target_semaphore(%arg7 : memref<!tpu.dma_semaphore, #tpu.memory_space<semaphore_mem>>)
      %add3A_809 = arith.constant 1 : i32
      %add3A_810 = arith.addi %mul3A_472, %add3A_809 : i32
      %mul3A_811 = arith.constant 16 : i32
      %mul3A_812 = arith.muli %add3A_810, %mul3A_811 : i32
      %get3A_813 = arith.index_cast %mul3A_812 : i32 to index
      %get3A_814 = tpu.vector_load %arg6[%get3A_813] {strides = array<i32>} : memref<512xi32, #tpu.memory_space<vmem>>, vector<16xi32>,
      %get3A_815 = vector.shape_cast %get3A_814 : vector<16xi32> to vector<16xi32>
      %mul3A_816 = arith.constant 16 : i32
      %mul3A_817 = arith.muli %add3A_810, %mul3A_816 : i32
      %add3A_818 = arith.constant 0 : i32
      %add3A_819 = arith.addi %mul3A_817, %add3A_818 : i32
      %slice3A_820 = vector.extract_strided_slice %get3A_815 {offsets = [0], sizes = [1], strides = [1]} : vector<16xi32> to vector<1xi32>
      %squeeze3A_821 = vector.extract %slice3A_820[0] : i32 from vector<1xi32>
      %add3A_822 = arith.addi %mul3A_3, %add3A_819 : i32
      %dma_wait3A_823 = tpu.memref_slice %arg4[%add3A_822, %add3A_1] : memref<8192x18432xf32, #tpu.memory_space<hbm>> -> memref<1x3072xf32, #tpu.memory_space<hbm>>
      %dma_wait3A_824 = arith.constant 0 : i32
      %dma_wait3A_825 = tpu.memref_slice %arg5[%squeeze3A_821, %dma_wait3A_824] : memref<128x3072xf32, #tpu.memory_space<vmem_shared>> -> memref<1x3072xf32, #tpu.memory_space<vmem_shared>>
      tpu.wait_dma2 semaphore(%arg8 : memref<!tpu.dma_semaphore, #tpu.memory_space<semaphore_mem>>) src(%dma_wait3A_825 : memref<1x3072xf32, #tpu.memory_space<vmem_shared>>) dst(%dma_wait3A_823 : memref<1x3072xf32, #tpu.memory_space<hbm>>)
      %mul3A_826 = arith.constant 16 : i32
      %mul3A_827 = arith.muli %add3A_810, %mul3A_826 : i32
      %add3A_828 = arith.constant 1 : i32
      %add3A_829 = arith.addi %mul3A_827, %add3A_828 : i32
      %slice3A_830 = vector.extract_strided_slice %get3A_815 {offsets = [1], sizes = [1], strides = [1]} : vector<16xi32> to vector<1xi32>
      %squeeze3A_831 = vector.extract %slice3A_830[0] : i32 from vector<1xi32>
      %add3A_832 = arith.addi %mul3A_3, %add3A_829 : i32
      %dma_wait3A_833 = tpu.memref_slice %arg4[%add3A_832, %add3A_1] : memref<8192x18432xf32, #tpu.memory_space<hbm>> -> memref<1x3072xf32, #tpu.memory_space<hbm>>
      %dma_wait3A_834 = arith.constant 0 : i32
      %dma_wait3A_835 = tpu.memref_slice %arg5[%squeeze3A_831, %dma_wait3A_834] : memref<128x3072xf32, #tpu.memory_space<vmem_shared>> -> memref<1x3072xf32, #tpu.memory_space<vmem_shared>>
      tpu.wait_dma2 semaphore(%arg8 : memref<!tpu.dma_semaphore, #tpu.memory_space<semaphore_mem>>) src(%dma_wait3A_835 : memref<1x3072xf32, #tpu.memory_space<vmem_shared>>) dst(%dma_wait3A_833 : memref<1x3072xf32, #tpu.memory_space<hbm>>)
      %mul3A_836 = arith.constant 16 : i32
      %mul3A_837 = arith.muli %add3A_810, %mul3A_836 : i32
      %add3A_838 = arith.constant 2 : i32
      %add3A_839 = arith.addi %mul3A_837, %add3A_838 : i32
      %slice3A_840 = vector.extract_strided_slice %get3A_815 {offsets = [2], sizes = [1], strides = [1]} : vector<16xi32> to vector<1xi32>
      %squeeze3A_841 = vector.extract %slice3A_840[0] : i32 from vector<1xi32>
      %add3A_842 = arith.addi %mul3A_3, %add3A_839 : i32
      %dma_wait3A_843 = tpu.memref_slice %arg4[%add3A_842, %add3A_1] : memref<8192x18432xf32, #tpu.memory_space<hbm>> -> memref<1x3072xf32, #tpu.memory_space<hbm>>
      %dma_wait3A_844 = arith.constant 0 : i32
      %dma_wait3A_845 = tpu.memref_slice %arg5[%squeeze3A_841, %dma_wait3A_844] : memref<128x3072xf32, #tpu.memory_space<vmem_shared>> -> memref<1x3072xf32, #tpu.memory_space<vmem_shared>>
      tpu.wait_dma2 semaphore(%arg8 : memref<!tpu.dma_semaphore, #tpu.memory_space<semaphore_mem>>) src(%dma_wait3A_845 : memref<1x3072xf32, #tpu.memory_space<vmem_shared>>) dst(%dma_wait3A_843 : memref<1x3072xf32, #tpu.memory_space<hbm>>)
      %mul3A_846 = arith.constant 16 : i32
      %mul3A_847 = arith.muli %add3A_810, %mul3A_846 : i32
      %add3A_848 = arith.constant 3 : i32
      %add3A_849 = arith.addi %mul3A_847, %add3A_848 : i32
      %slice3A_850 = vector.extract_strided_slice %get3A_815 {offsets = [3], sizes = [1], strides = [1]} : vector<16xi32> to vector<1xi32>
      %squeeze3A_851 = vector.extract %slice3A_850[0] : i32 from vector<1xi32>
      %add3A_852 = arith.addi %mul3A_3, %add3A_849 : i32
      %dma_wait3A_853 = tpu.memref_slice %arg4[%add3A_852, %add3A_1] : memref<8192x18432xf32, #tpu.memory_space<hbm>> -> memref<1x3072xf32, #tpu.memory_space<hbm>>
      %dma_wait3A_854 = arith.constant 0 : i32
      %dma_wait3A_855 = tpu.memref_slice %arg5[%squeeze3A_851, %dma_wait3A_854] : memref<128x3072xf32, #tpu.memory_space<vmem_shared>> -> memref<1x3072xf32, #tpu.memory_space<vmem_shared>>
      tpu.wait_dma2 semaphore(%arg8 : memref<!tpu.dma_semaphore, #tpu.memory_space<semaphore_mem>>) src(%dma_wait3A_855 : memref<1x3072xf32, #tpu.memory_space<vmem_shared>>) dst(%dma_wait3A_853 : memref<1x3072xf32, #tpu.memory_space<hbm>>)
      %mul3A_856 = arith.constant 16 : i32
      %mul3A_857 = arith.muli %add3A_810, %mul3A_856 : i32
      %add3A_858 = arith.constant 4 : i32
      %add3A_859 = arith.addi %mul3A_857, %add3A_858 : i32
      %slice3A_860 = vector.extract_strided_slice %get3A_815 {offsets = [4], sizes = [1], strides = [1]} : vector<16xi32> to vector<1xi32>
      %squeeze3A_861 = vector.extract %slice3A_860[0] : i32 from vector<1xi32>
      %add3A_862 = arith.addi %mul3A_3, %add3A_859 : i32
      %dma_wait3A_863 = tpu.memref_slice %arg4[%add3A_862, %add3A_1] : memref<8192x18432xf32, #tpu.memory_space<hbm>> -> memref<1x3072xf32, #tpu.memory_space<hbm>>
      %dma_wait3A_864 = arith.constant 0 : i32
      %dma_wait3A_865 = tpu.memref_slice %arg5[%squeeze3A_861, %dma_wait3A_864] : memref<128x3072xf32, #tpu.memory_space<vmem_shared>> -> memref<1x3072xf32, #tpu.memory_space<vmem_shared>>
      tpu.wait_dma2 semaphore(%arg8 : memref<!tpu.dma_semaphore, #tpu.memory_space<semaphore_mem>>) src(%dma_wait3A_865 : memref<1x3072xf32, #tpu.memory_space<vmem_shared>>) dst(%dma_wait3A_863 : memref<1x3072xf32, #tpu.memory_space<hbm>>)
      %mul3A_866 = arith.constant 16 : i32
      %mul3A_867 = arith.muli %add3A_810, %mul3A_866 : i32
      %add3A_868 = arith.constant 5 : i32
      %add3A_869 = arith.addi %mul3A_867, %add3A_868 : i32
      %slice3A_870 = vector.extract_strided_slice %get3A_815 {offsets = [5], sizes = [1], strides = [1]} : vector<16xi32> to vector<1xi32>
      %squeeze3A_871 = vector.extract %slice3A_870[0] : i32 from vector<1xi32>
      %add3A_872 = arith.addi %mul3A_3, %add3A_869 : i32
      %dma_wait3A_873 = tpu.memref_slice %arg4[%add3A_872, %add3A_1] : memref<8192x18432xf32, #tpu.memory_space<hbm>> -> memref<1x3072xf32, #tpu.memory_space<hbm>>
      %dma_wait3A_874 = arith.constant 0 : i32
      %dma_wait3A_875 = tpu.memref_slice %arg5[%squeeze3A_871, %dma_wait3A_874] : memref<128x3072xf32, #tpu.memory_space<vmem_shared>> -> memref<1x3072xf32, #tpu.memory_space<vmem_shared>>
      tpu.wait_dma2 semaphore(%arg8 : memref<!tpu.dma_semaphore, #tpu.memory_space<semaphore_mem>>) src(%dma_wait3A_875 : memref<1x3072xf32, #tpu.memory_space<vmem_shared>>) dst(%dma_wait3A_873 : memref<1x3072xf32, #tpu.memory_space<hbm>>)
      %mul3A_876 = arith.constant 16 : i32
      %mul3A_877 = arith.muli %add3A_810, %mul3A_876 : i32
      %add3A_878 = arith.constant 6 : i32
      %add3A_879 = arith.addi %mul3A_877, %add3A_878 : i32
      %slice3A_880 = vector.extract_strided_slice %get3A_815 {offsets = [6], sizes = [1], strides = [1]} : vector<16xi32> to vector<1xi32>
      %squeeze3A_881 = vector.extract %slice3A_880[0] : i32 from vector<1xi32>
      %add3A_882 = arith.addi %mul3A_3, %add3A_879 : i32
      %dma_wait3A_883 = tpu.memref_slice %arg4[%add3A_882, %add3A_1] : memref<8192x18432xf32, #tpu.memory_space<hbm>> -> memref<1x3072xf32, #tpu.memory_space<hbm>>
      %dma_wait3A_884 = arith.constant 0 : i32
      %dma_wait3A_885 = tpu.memref_slice %arg5[%squeeze3A_881, %dma_wait3A_884] : memref<128x3072xf32, #tpu.memory_space<vmem_shared>> -> memref<1x3072xf32, #tpu.memory_space<vmem_shared>>
      tpu.wait_dma2 semaphore(%arg8 : memref<!tpu.dma_semaphore, #tpu.memory_space<semaphore_mem>>) src(%dma_wait3A_885 : memref<1x3072xf32, #tpu.memory_space<vmem_shared>>) dst(%dma_wait3A_883 : memref<1x3072xf32, #tpu.memory_space<hbm>>)
      %mul3A_886 = arith.constant 16 : i32
      %mul3A_887 = arith.muli %add3A_810, %mul3A_886 : i32
      %add3A_888 = arith.constant 7 : i32
      %add3A_889 = arith.addi %mul3A_887, %add3A_888 : i32
      %slice3A_890 = vector.extract_strided_slice %get3A_815 {offsets = [7], sizes = [1], strides = [1]} : vector<16xi32> to vector<1xi32>
      %squeeze3A_891 = vector.extract %slice3A_890[0] : i32 from vector<1xi32>
      %add3A_892 = arith.addi %mul3A_3, %add3A_889 : i32
      %dma_wait3A_893 = tpu.memref_slice %arg4[%add3A_892, %add3A_1] : memref<8192x18432xf32, #tpu.memory_space<hbm>> -> memref<1x3072xf32, #tpu.memory_space<hbm>>
      %dma_wait3A_894 = arith.constant 0 : i32
      %dma_wait3A_895 = tpu.memref_slice %arg5[%squeeze3A_891, %dma_wait3A_894] : memref<128x3072xf32, #tpu.memory_space<vmem_shared>> -> memref<1x3072xf32, #tpu.memory_space<vmem_shared>>
      tpu.wait_dma2 semaphore(%arg8 : memref<!tpu.dma_semaphore, #tpu.memory_space<semaphore_mem>>) src(%dma_wait3A_895 : memref<1x3072xf32, #tpu.memory_space<vmem_shared>>) dst(%dma_wait3A_893 : memref<1x3072xf32, #tpu.memory_space<hbm>>)
      %mul3A_896 = arith.constant 16 : i32
      %mul3A_897 = arith.muli %add3A_810, %mul3A_896 : i32
      %add3A_898 = arith.constant 8 : i32
      %add3A_899 = arith.addi %mul3A_897, %add3A_898 : i32
      %slice3A_900 = vector.extract_strided_slice %get3A_815 {offsets = [8], sizes = [1], strides = [1]} : vector<16xi32> to vector<1xi32>
      %squeeze3A_901 = vector.extract %slice3A_900[0] : i32 from vector<1xi32>
      %add3A_902 = arith.addi %mul3A_3, %add3A_899 : i32
      %dma_wait3A_903 = tpu.memref_slice %arg4[%add3A_902, %add3A_1] : memref<8192x18432xf32, #tpu.memory_space<hbm>> -> memref<1x3072xf32, #tpu.memory_space<hbm>>
      %dma_wait3A_904 = arith.constant 0 : i32
      %dma_wait3A_905 = tpu.memref_slice %arg5[%squeeze3A_901, %dma_wait3A_904] : memref<128x3072xf32, #tpu.memory_space<vmem_shared>> -> memref<1x3072xf32, #tpu.memory_space<vmem_shared>>
      tpu.wait_dma2 semaphore(%arg8 : memref<!tpu.dma_semaphore, #tpu.memory_space<semaphore_mem>>) src(%dma_wait3A_905 : memref<1x3072xf32, #tpu.memory_space<vmem_shared>>) dst(%dma_wait3A_903 : memref<1x3072xf32, #tpu.memory_space<hbm>>)
      %mul3A_906 = arith.constant 16 : i32
      %mul3A_907 = arith.muli %add3A_810, %mul3A_906 : i32
      %add3A_908 = arith.constant 9 : i32
      %add3A_909 = arith.addi %mul3A_907, %add3A_908 : i32
      %slice3A_910 = vector.extract_strided_slice %get3A_815 {offsets = [9], sizes = [1], strides = [1]} : vector<16xi32> to vector<1xi32>
      %squeeze3A_911 = vector.extract %slice3A_910[0] : i32 from vector<1xi32>
      %add3A_912 = arith.addi %mul3A_3, %add3A_909 : i32
      %dma_wait3A_913 = tpu.memref_slice %arg4[%add3A_912, %add3A_1] : memref<8192x18432xf32, #tpu.memory_space<hbm>> -> memref<1x3072xf32, #tpu.memory_space<hbm>>
      %dma_wait3A_914 = arith.constant 0 : i32
      %dma_wait3A_915 = tpu.memref_slice %arg5[%squeeze3A_911, %dma_wait3A_914] : memref<128x3072xf32, #tpu.memory_space<vmem_shared>> -> memref<1x3072xf32, #tpu.memory_space<vmem_shared>>
      tpu.wait_dma2 semaphore(%arg8 : memref<!tpu.dma_semaphore, #tpu.memory_space<semaphore_mem>>) src(%dma_wait3A_915 : memref<1x3072xf32, #tpu.memory_space<vmem_shared>>) dst(%dma_wait3A_913 : memref<1x3072xf32, #tpu.memory_space<hbm>>)
      %mul3A_916 = arith.constant 16 : i32
      %mul3A_917 = arith.muli %add3A_810, %mul3A_916 : i32
      %add3A_918 = arith.constant 10 : i32
      %add3A_919 = arith.addi %mul3A_917, %add3A_918 : i32
      %slice3A_920 = vector.extract_strided_slice %get3A_815 {offsets = [10], sizes = [1], strides = [1]} : vector<16xi32> to vector<1xi32>
      %squeeze3A_921 = vector.extract %slice3A_920[0] : i32 from vector<1xi32>
      %add3A_922 = arith.addi %mul3A_3, %add3A_919 : i32
      %dma_wait3A_923 = tpu.memref_slice %arg4[%add3A_922, %add3A_1] : memref<8192x18432xf32, #tpu.memory_space<hbm>> -> memref<1x3072xf32, #tpu.memory_space<hbm>>
      %dma_wait3A_924 = arith.constant 0 : i32
      %dma_wait3A_925 = tpu.memref_slice %arg5[%squeeze3A_921, %dma_wait3A_924] : memref<128x3072xf32, #tpu.memory_space<vmem_shared>> -> memref<1x3072xf32, #tpu.memory_space<vmem_shared>>
      tpu.wait_dma2 semaphore(%arg8 : memref<!tpu.dma_semaphore, #tpu.memory_space<semaphore_mem>>) src(%dma_wait3A_925 : memref<1x3072xf32, #tpu.memory_space<vmem_shared>>) dst(%dma_wait3A_923 : memref<1x3072xf32, #tpu.memory_space<hbm>>)
      %mul3A_926 = arith.constant 16 : i32
      %mul3A_927 = arith.muli %add3A_810, %mul3A_926 : i32
      %add3A_928 = arith.constant 11 : i32
      %add3A_929 = arith.addi %mul3A_927, %add3A_928 : i32
      %slice3A_930 = vector.extract_strided_slice %get3A_815 {offsets = [11], sizes = [1], strides = [1]} : vector<16xi32> to vector<1xi32>
      %squeeze3A_931 = vector.extract %slice3A_930[0] : i32 from vector<1xi32>
      %add3A_932 = arith.addi %mul3A_3, %add3A_929 : i32
      %dma_wait3A_933 = tpu.memref_slice %arg4[%add3A_932, %add3A_1] : memref<8192x18432xf32, #tpu.memory_space<hbm>> -> memref<1x3072xf32, #tpu.memory_space<hbm>>
      %dma_wait3A_934 = arith.constant 0 : i32
      %dma_wait3A_935 = tpu.memref_slice %arg5[%squeeze3A_931, %dma_wait3A_934] : memref<128x3072xf32, #tpu.memory_space<vmem_shared>> -> memref<1x3072xf32, #tpu.memory_space<vmem_shared>>
      tpu.wait_dma2 semaphore(%arg8 : memref<!tpu.dma_semaphore, #tpu.memory_space<semaphore_mem>>) src(%dma_wait3A_935 : memref<1x3072xf32, #tpu.memory_space<vmem_shared>>) dst(%dma_wait3A_933 : memref<1x3072xf32, #tpu.memory_space<hbm>>)
      %mul3A_936 = arith.constant 16 : i32
      %mul3A_937 = arith.muli %add3A_810, %mul3A_936 : i32
      %add3A_938 = arith.constant 12 : i32
      %add3A_939 = arith.addi %mul3A_937, %add3A_938 : i32
      %slice3A_940 = vector.extract_strided_slice %get3A_815 {offsets = [12], sizes = [1], strides = [1]} : vector<16xi32> to vector<1xi32>
      %squeeze3A_941 = vector.extract %slice3A_940[0] : i32 from vector<1xi32>
      %add3A_942 = arith.addi %mul3A_3, %add3A_939 : i32
      %dma_wait3A_943 = tpu.memref_slice %arg4[%add3A_942, %add3A_1] : memref<8192x18432xf32, #tpu.memory_space<hbm>> -> memref<1x3072xf32, #tpu.memory_space<hbm>>
      %dma_wait3A_944 = arith.constant 0 : i32
      %dma_wait3A_945 = tpu.memref_slice %arg5[%squeeze3A_941, %dma_wait3A_944] : memref<128x3072xf32, #tpu.memory_space<vmem_shared>> -> memref<1x3072xf32, #tpu.memory_space<vmem_shared>>
      tpu.wait_dma2 semaphore(%arg8 : memref<!tpu.dma_semaphore, #tpu.memory_space<semaphore_mem>>) src(%dma_wait3A_945 : memref<1x3072xf32, #tpu.memory_space<vmem_shared>>) dst(%dma_wait3A_943 : memref<1x3072xf32, #tpu.memory_space<hbm>>)
      %mul3A_946 = arith.constant 16 : i32
      %mul3A_947 = arith.muli %add3A_810, %mul3A_946 : i32
      %add3A_948 = arith.constant 13 : i32
      %add3A_949 = arith.addi %mul3A_947, %add3A_948 : i32
      %slice3A_950 = vector.extract_strided_slice %get3A_815 {offsets = [13], sizes = [1], strides = [1]} : vector<16xi32> to vector<1xi32>
      %squeeze3A_951 = vector.extract %slice3A_950[0] : i32 from vector<1xi32>
      %add3A_952 = arith.addi %mul3A_3, %add3A_949 : i32
      %dma_wait3A_953 = tpu.memref_slice %arg4[%add3A_952, %add3A_1] : memref<8192x18432xf32, #tpu.memory_space<hbm>> -> memref<1x3072xf32, #tpu.memory_space<hbm>>
      %dma_wait3A_954 = arith.constant 0 : i32
      %dma_wait3A_955 = tpu.memref_slice %arg5[%squeeze3A_951, %dma_wait3A_954] : memref<128x3072xf32, #tpu.memory_space<vmem_shared>> -> memref<1x3072xf32, #tpu.memory_space<vmem_shared>>
      tpu.wait_dma2 semaphore(%arg8 : memref<!tpu.dma_semaphore, #tpu.memory_space<semaphore_mem>>) src(%dma_wait3A_955 : memref<1x3072xf32, #tpu.memory_space<vmem_shared>>) dst(%dma_wait3A_953 : memref<1x3072xf32, #tpu.memory_space<hbm>>)
      %mul3A_956 = arith.constant 16 : i32
      %mul3A_957 = arith.muli %add3A_810, %mul3A_956 : i32
      %add3A_958 = arith.constant 14 : i32
      %add3A_959 = arith.addi %mul3A_957, %add3A_958 : i32
      %slice3A_960 = vector.extract_strided_slice %get3A_815 {offsets = [14], sizes = [1], strides = [1]} : vector<16xi32> to vector<1xi32>
      %squeeze3A_961 = vector.extract %slice3A_960[0] : i32 from vector<1xi32>
      %add3A_962 = arith.addi %mul3A_3, %add3A_959 : i32
      %dma_wait3A_963 = tpu.memref_slice %arg4[%add3A_962, %add3A_1] : memref<8192x18432xf32, #tpu.memory_space<hbm>> -> memref<1x3072xf32, #tpu.memory_space<hbm>>
      %dma_wait3A_964 = arith.constant 0 : i32
      %dma_wait3A_965 = tpu.memref_slice %arg5[%squeeze3A_961, %dma_wait3A_964] : memref<128x3072xf32, #tpu.memory_space<vmem_shared>> -> memref<1x3072xf32, #tpu.memory_space<vmem_shared>>
      tpu.wait_dma2 semaphore(%arg8 : memref<!tpu.dma_semaphore, #tpu.memory_space<semaphore_mem>>) src(%dma_wait3A_965 : memref<1x3072xf32, #tpu.memory_space<vmem_shared>>) dst(%dma_wait3A_963 : memref<1x3072xf32, #tpu.memory_space<hbm>>)
      %mul3A_966 = arith.constant 16 : i32
      %mul3A_967 = arith.muli %add3A_810, %mul3A_966 : i32
      %add3A_968 = arith.constant 15 : i32
      %add3A_969 = arith.addi %mul3A_967, %add3A_968 : i32
      %slice3A_970 = vector.extract_strided_slice %get3A_815 {offsets = [15], sizes = [1], strides = [1]} : vector<16xi32> to vector<1xi32>
      %squeeze3A_971 = vector.extract %slice3A_970[0] : i32 from vector<1xi32>
      %add3A_972 = arith.addi %mul3A_3, %add3A_969 : i32
      %dma_wait3A_973 = tpu.memref_slice %arg4[%add3A_972, %add3A_1] : memref<8192x18432xf32, #tpu.memory_space<hbm>> -> memref<1x3072xf32, #tpu.memory_space<hbm>>
      %dma_wait3A_974 = arith.constant 0 : i32
      %dma_wait3A_975 = tpu.memref_slice %arg5[%squeeze3A_971, %dma_wait3A_974] : memref<128x3072xf32, #tpu.memory_space<vmem_shared>> -> memref<1x3072xf32, #tpu.memory_space<vmem_shared>>
      tpu.wait_dma2 semaphore(%arg8 : memref<!tpu.dma_semaphore, #tpu.memory_space<semaphore_mem>>) src(%dma_wait3A_975 : memref<1x3072xf32, #tpu.memory_space<vmem_shared>>) dst(%dma_wait3A_973 : memref<1x3072xf32, #tpu.memory_space<hbm>>)
      %add3A_976 = arith.constant 2 : i32
      %add3A_977 = arith.addi %mul3A_472, %add3A_976 : i32
      %add3A_978 = arith.constant 1 : i32
      %add3A_979 = arith.addi %add3A_977, %add3A_978 : i32
      %mul3A_980 = arith.constant 16 : i32
      %mul3A_981 = arith.muli %add3A_979, %mul3A_980 : i32
      %get3A_982 = arith.index_cast %mul3A_981 : i32 to index
      %get3A_983 = tpu.vector_load %arg6[%get3A_982] {strides = array<i32>} : memref<512xi32, #tpu.memory_space<vmem>>, vector<16xi32>,
      %get3A_984 = vector.shape_cast %get3A_983 : vector<16xi32> to vector<16xi32>
      %mul3A_985 = arith.constant 16 : i32
      %mul3A_986 = arith.muli %add3A_979, %mul3A_985 : i32
      %add3A_987 = arith.constant 0 : i32
      %add3A_988 = arith.addi %mul3A_986, %add3A_987 : i32
      %slice3A_989 = vector.extract_strided_slice %get3A_984 {offsets = [0], sizes = [1], strides = [1]} : vector<16xi32> to vector<1xi32>
      %squeeze3A_990 = vector.extract %slice3A_989[0] : i32 from vector<1xi32>
      %add3A_991 = arith.addi %mul3A_3, %add3A_988 : i32
      %dma_start3A_992 = tpu.memref_slice %arg4[%add3A_991, %add3A_1] : memref<8192x18432xf32, #tpu.memory_space<hbm>> -> memref<1x3072xf32, #tpu.memory_space<hbm>>
      %dma_start3A_993 = arith.constant 0 : i32
      %dma_start3A_994 = tpu.memref_slice %arg5[%squeeze3A_990, %dma_start3A_993] : memref<128x3072xf32, #tpu.memory_space<vmem_shared>> -> memref<1x3072xf32, #tpu.memory_space<vmem_shared>>
      tpu.enqueue_dma source(%dma_start3A_994 : memref<1x3072xf32, #tpu.memory_space<vmem_shared>>) target(%dma_start3A_992 : memref<1x3072xf32, #tpu.memory_space<hbm>>) target_semaphore(%arg8 : memref<!tpu.dma_semaphore, #tpu.memory_space<semaphore_mem>>)
      %mul3A_995 = arith.constant 16 : i32
      %mul3A_996 = arith.muli %add3A_979, %mul3A_995 : i32
      %add3A_997 = arith.constant 1 : i32
      %add3A_998 = arith.addi %mul3A_996, %add3A_997 : i32
      %slice3A_999 = vector.extract_strided_slice %get3A_984 {offsets = [1], sizes = [1], strides = [1]} : vector<16xi32> to vector<1xi32>
      %squeeze3A_1000 = vector.extract %slice3A_999[0] : i32 from vector<1xi32>
      %add3A_1001 = arith.addi %mul3A_3, %add3A_998 : i32
      %dma_start3A_1002 = tpu.memref_slice %arg4[%add3A_1001, %add3A_1] : memref<8192x18432xf32, #tpu.memory_space<hbm>> -> memref<1x3072xf32, #tpu.memory_space<hbm>>
      %dma_start3A_1003 = arith.constant 0 : i32
      %dma_start3A_1004 = tpu.memref_slice %arg5[%squeeze3A_1000, %dma_start3A_1003] : memref<128x3072xf32, #tpu.memory_space<vmem_shared>> -> memref<1x3072xf32, #tpu.memory_space<vmem_shared>>
      tpu.enqueue_dma source(%dma_start3A_1004 : memref<1x3072xf32, #tpu.memory_space<vmem_shared>>) target(%dma_start3A_1002 : memref<1x3072xf32, #tpu.memory_space<hbm>>) target_semaphore(%arg8 : memref<!tpu.dma_semaphore, #tpu.memory_space<semaphore_mem>>)
      %mul3A_1005 = arith.constant 16 : i32
      %mul3A_1006 = arith.muli %add3A_979, %mul3A_1005 : i32
      %add3A_1007 = arith.constant 2 : i32
      %add3A_1008 = arith.addi %mul3A_1006, %add3A_1007 : i32
      %slice3A_1009 = vector.extract_strided_slice %get3A_984 {offsets = [2], sizes = [1], strides = [1]} : vector<16xi32> to vector<1xi32>
      %squeeze3A_1010 = vector.extract %slice3A_1009[0] : i32 from vector<1xi32>
      %add3A_1011 = arith.addi %mul3A_3, %add3A_1008 : i32
      %dma_start3A_1012 = tpu.memref_slice %arg4[%add3A_1011, %add3A_1] : memref<8192x18432xf32, #tpu.memory_space<hbm>> -> memref<1x3072xf32, #tpu.memory_space<hbm>>
      %dma_start3A_1013 = arith.constant 0 : i32
      %dma_start3A_1014 = tpu.memref_slice %arg5[%squeeze3A_1010, %dma_start3A_1013] : memref<128x3072xf32, #tpu.memory_space<vmem_shared>> -> memref<1x3072xf32, #tpu.memory_space<vmem_shared>>
      tpu.enqueue_dma source(%dma_start3A_1014 : memref<1x3072xf32, #tpu.memory_space<vmem_shared>>) target(%dma_start3A_1012 : memref<1x3072xf32, #tpu.memory_space<hbm>>) target_semaphore(%arg8 : memref<!tpu.dma_semaphore, #tpu.memory_space<semaphore_mem>>)
      %mul3A_1015 = arith.constant 16 : i32
      %mul3A_1016 = arith.muli %add3A_979, %mul3A_1015 : i32
      %add3A_1017 = arith.constant 3 : i32
      %add3A_1018 = arith.addi %mul3A_1016, %add3A_1017 : i32
      %slice3A_1019 = vector.extract_strided_slice %get3A_984 {offsets = [3], sizes = [1], strides = [1]} : vector<16xi32> to vector<1xi32>
      %squeeze3A_1020 = vector.extract %slice3A_1019[0] : i32 from vector<1xi32>
      %add3A_1021 = arith.addi %mul3A_3, %add3A_1018 : i32
      %dma_start3A_1022 = tpu.memref_slice %arg4[%add3A_1021, %add3A_1] : memref<8192x18432xf32, #tpu.memory_space<hbm>> -> memref<1x3072xf32, #tpu.memory_space<hbm>>
      %dma_start3A_1023 = arith.constant 0 : i32
      %dma_start3A_1024 = tpu.memref_slice %arg5[%squeeze3A_1020, %dma_start3A_1023] : memref<128x3072xf32, #tpu.memory_space<vmem_shared>> -> memref<1x3072xf32, #tpu.memory_space<vmem_shared>>
      tpu.enqueue_dma source(%dma_start3A_1024 : memref<1x3072xf32, #tpu.memory_space<vmem_shared>>) target(%dma_start3A_1022 : memref<1x3072xf32, #tpu.memory_space<hbm>>) target_semaphore(%arg8 : memref<!tpu.dma_semaphore, #tpu.memory_space<semaphore_mem>>)
      %mul3A_1025 = arith.constant 16 : i32
      %mul3A_1026 = arith.muli %add3A_979, %mul3A_1025 : i32
      %add3A_1027 = arith.constant 4 : i32
      %add3A_1028 = arith.addi %mul3A_1026, %add3A_1027 : i32
      %slice3A_1029 = vector.extract_strided_slice %get3A_984 {offsets = [4], sizes = [1], strides = [1]} : vector<16xi32> to vector<1xi32>
      %squeeze3A_1030 = vector.extract %slice3A_1029[0] : i32 from vector<1xi32>
      %add3A_1031 = arith.addi %mul3A_3, %add3A_1028 : i32
      %dma_start3A_1032 = tpu.memref_slice %arg4[%add3A_1031, %add3A_1] : memref<8192x18432xf32, #tpu.memory_space<hbm>> -> memref<1x3072xf32, #tpu.memory_space<hbm>>
      %dma_start3A_1033 = arith.constant 0 : i32
      %dma_start3A_1034 = tpu.memref_slice %arg5[%squeeze3A_1030, %dma_start3A_1033] : memref<128x3072xf32, #tpu.memory_space<vmem_shared>> -> memref<1x3072xf32, #tpu.memory_space<vmem_shared>>
      tpu.enqueue_dma source(%dma_start3A_1034 : memref<1x3072xf32, #tpu.memory_space<vmem_shared>>) target(%dma_start3A_1032 : memref<1x3072xf32, #tpu.memory_space<hbm>>) target_semaphore(%arg8 : memref<!tpu.dma_semaphore, #tpu.memory_space<semaphore_mem>>)
      %mul3A_1035 = arith.constant 16 : i32
      %mul3A_1036 = arith.muli %add3A_979, %mul3A_1035 : i32
      %add3A_1037 = arith.constant 5 : i32
      %add3A_1038 = arith.addi %mul3A_1036, %add3A_1037 : i32
      %slice3A_1039 = vector.extract_strided_slice %get3A_984 {offsets = [5], sizes = [1], strides = [1]} : vector<16xi32> to vector<1xi32>
      %squeeze3A_1040 = vector.extract %slice3A_1039[0] : i32 from vector<1xi32>
      %add3A_1041 = arith.addi %mul3A_3, %add3A_1038 : i32
      %dma_start3A_1042 = tpu.memref_slice %arg4[%add3A_1041, %add3A_1] : memref<8192x18432xf32, #tpu.memory_space<hbm>> -> memref<1x3072xf32, #tpu.memory_space<hbm>>
      %dma_start3A_1043 = arith.constant 0 : i32
      %dma_start3A_1044 = tpu.memref_slice %arg5[%squeeze3A_1040, %dma_start3A_1043] : memref<128x3072xf32, #tpu.memory_space<vmem_shared>> -> memref<1x3072xf32, #tpu.memory_space<vmem_shared>>
      tpu.enqueue_dma source(%dma_start3A_1044 : memref<1x3072xf32, #tpu.memory_space<vmem_shared>>) target(%dma_start3A_1042 : memref<1x3072xf32, #tpu.memory_space<hbm>>) target_semaphore(%arg8 : memref<!tpu.dma_semaphore, #tpu.memory_space<semaphore_mem>>)
      %mul3A_1045 = arith.constant 16 : i32
      %mul3A_1046 = arith.muli %add3A_979, %mul3A_1045 : i32
      %add3A_1047 = arith.constant 6 : i32
      %add3A_1048 = arith.addi %mul3A_1046, %add3A_1047 : i32
      %slice3A_1049 = vector.extract_strided_slice %get3A_984 {offsets = [6], sizes = [1], strides = [1]} : vector<16xi32> to vector<1xi32>
      %squeeze3A_1050 = vector.extract %slice3A_1049[0] : i32 from vector<1xi32>
      %add3A_1051 = arith.addi %mul3A_3, %add3A_1048 : i32
      %dma_start3A_1052 = tpu.memref_slice %arg4[%add3A_1051, %add3A_1] : memref<8192x18432xf32, #tpu.memory_space<hbm>> -> memref<1x3072xf32, #tpu.memory_space<hbm>>
      %dma_start3A_1053 = arith.constant 0 : i32
      %dma_start3A_1054 = tpu.memref_slice %arg5[%squeeze3A_1050, %dma_start3A_1053] : memref<128x3072xf32, #tpu.memory_space<vmem_shared>> -> memref<1x3072xf32, #tpu.memory_space<vmem_shared>>
      tpu.enqueue_dma source(%dma_start3A_1054 : memref<1x3072xf32, #tpu.memory_space<vmem_shared>>) target(%dma_start3A_1052 : memref<1x3072xf32, #tpu.memory_space<hbm>>) target_semaphore(%arg8 : memref<!tpu.dma_semaphore, #tpu.memory_space<semaphore_mem>>)
      %mul3A_1055 = arith.constant 16 : i32
      %mul3A_1056 = arith.muli %add3A_979, %mul3A_1055 : i32
      %add3A_1057 = arith.constant 7 : i32
      %add3A_1058 = arith.addi %mul3A_1056, %add3A_1057 : i32
      %slice3A_1059 = vector.extract_strided_slice %get3A_984 {offsets = [7], sizes = [1], strides = [1]} : vector<16xi32> to vector<1xi32>
      %squeeze3A_1060 = vector.extract %slice3A_1059[0] : i32 from vector<1xi32>
      %add3A_1061 = arith.addi %mul3A_3, %add3A_1058 : i32
      %dma_start3A_1062 = tpu.memref_slice %arg4[%add3A_1061, %add3A_1] : memref<8192x18432xf32, #tpu.memory_space<hbm>> -> memref<1x3072xf32, #tpu.memory_space<hbm>>
      %dma_start3A_1063 = arith.constant 0 : i32
      %dma_start3A_1064 = tpu.memref_slice %arg5[%squeeze3A_1060, %dma_start3A_1063] : memref<128x3072xf32, #tpu.memory_space<vmem_shared>> -> memref<1x3072xf32, #tpu.memory_space<vmem_shared>>
      tpu.enqueue_dma source(%dma_start3A_1064 : memref<1x3072xf32, #tpu.memory_space<vmem_shared>>) target(%dma_start3A_1062 : memref<1x3072xf32, #tpu.memory_space<hbm>>) target_semaphore(%arg8 : memref<!tpu.dma_semaphore, #tpu.memory_space<semaphore_mem>>)
      %mul3A_1065 = arith.constant 16 : i32
      %mul3A_1066 = arith.muli %add3A_979, %mul3A_1065 : i32
      %add3A_1067 = arith.constant 8 : i32
      %add3A_1068 = arith.addi %mul3A_1066, %add3A_1067 : i32
      %slice3A_1069 = vector.extract_strided_slice %get3A_984 {offsets = [8], sizes = [1], strides = [1]} : vector<16xi32> to vector<1xi32>
      %squeeze3A_1070 = vector.extract %slice3A_1069[0] : i32 from vector<1xi32>
      %add3A_1071 = arith.addi %mul3A_3, %add3A_1068 : i32
      %dma_start3A_1072 = tpu.memref_slice %arg4[%add3A_1071, %add3A_1] : memref<8192x18432xf32, #tpu.memory_space<hbm>> -> memref<1x3072xf32, #tpu.memory_space<hbm>>
      %dma_start3A_1073 = arith.constant 0 : i32
      %dma_start3A_1074 = tpu.memref_slice %arg5[%squeeze3A_1070, %dma_start3A_1073] : memref<128x3072xf32, #tpu.memory_space<vmem_shared>> -> memref<1x3072xf32, #tpu.memory_space<vmem_shared>>
      tpu.enqueue_dma source(%dma_start3A_1074 : memref<1x3072xf32, #tpu.memory_space<vmem_shared>>) target(%dma_start3A_1072 : memref<1x3072xf32, #tpu.memory_space<hbm>>) target_semaphore(%arg8 : memref<!tpu.dma_semaphore, #tpu.memory_space<semaphore_mem>>)
      %mul3A_1075 = arith.constant 16 : i32
      %mul3A_1076 = arith.muli %add3A_979, %mul3A_1075 : i32
      %add3A_1077 = arith.constant 9 : i32
      %add3A_1078 = arith.addi %mul3A_1076, %add3A_1077 : i32
      %slice3A_1079 = vector.extract_strided_slice %get3A_984 {offsets = [9], sizes = [1], strides = [1]} : vector<16xi32> to vector<1xi32>
      %squeeze3A_1080 = vector.extract %slice3A_1079[0] : i32 from vector<1xi32>
      %add3A_1081 = arith.addi %mul3A_3, %add3A_1078 : i32
      %dma_start3A_1082 = tpu.memref_slice %arg4[%add3A_1081, %add3A_1] : memref<8192x18432xf32, #tpu.memory_space<hbm>> -> memref<1x3072xf32, #tpu.memory_space<hbm>>
      %dma_start3A_1083 = arith.constant 0 : i32
      %dma_start3A_1084 = tpu.memref_slice %arg5[%squeeze3A_1080, %dma_start3A_1083] : memref<128x3072xf32, #tpu.memory_space<vmem_shared>> -> memref<1x3072xf32, #tpu.memory_space<vmem_shared>>
      tpu.enqueue_dma source(%dma_start3A_1084 : memref<1x3072xf32, #tpu.memory_space<vmem_shared>>) target(%dma_start3A_1082 : memref<1x3072xf32, #tpu.memory_space<hbm>>) target_semaphore(%arg8 : memref<!tpu.dma_semaphore, #tpu.memory_space<semaphore_mem>>)
      %mul3A_1085 = arith.constant 16 : i32
      %mul3A_1086 = arith.muli %add3A_979, %mul3A_1085 : i32
      %add3A_1087 = arith.constant 10 : i32
      %add3A_1088 = arith.addi %mul3A_1086, %add3A_1087 : i32
      %slice3A_1089 = vector.extract_strided_slice %get3A_984 {offsets = [10], sizes = [1], strides = [1]} : vector<16xi32> to vector<1xi32>
      %squeeze3A_1090 = vector.extract %slice3A_1089[0] : i32 from vector<1xi32>
      %add3A_1091 = arith.addi %mul3A_3, %add3A_1088 : i32
      %dma_start3A_1092 = tpu.memref_slice %arg4[%add3A_1091, %add3A_1] : memref<8192x18432xf32, #tpu.memory_space<hbm>> -> memref<1x3072xf32, #tpu.memory_space<hbm>>
      %dma_start3A_1093 = arith.constant 0 : i32
      %dma_start3A_1094 = tpu.memref_slice %arg5[%squeeze3A_1090, %dma_start3A_1093] : memref<128x3072xf32, #tpu.memory_space<vmem_shared>> -> memref<1x3072xf32, #tpu.memory_space<vmem_shared>>
      tpu.enqueue_dma source(%dma_start3A_1094 : memref<1x3072xf32, #tpu.memory_space<vmem_shared>>) target(%dma_start3A_1092 : memref<1x3072xf32, #tpu.memory_space<hbm>>) target_semaphore(%arg8 : memref<!tpu.dma_semaphore, #tpu.memory_space<semaphore_mem>>)
      %mul3A_1095 = arith.constant 16 : i32
      %mul3A_1096 = arith.muli %add3A_979, %mul3A_1095 : i32
      %add3A_1097 = arith.constant 11 : i32
      %add3A_1098 = arith.addi %mul3A_1096, %add3A_1097 : i32
      %slice3A_1099 = vector.extract_strided_slice %get3A_984 {offsets = [11], sizes = [1], strides = [1]} : vector<16xi32> to vector<1xi32>
      %squeeze3A_1100 = vector.extract %slice3A_1099[0] : i32 from vector<1xi32>
      %add3A_1101 = arith.addi %mul3A_3, %add3A_1098 : i32
      %dma_start3A_1102 = tpu.memref_slice %arg4[%add3A_1101, %add3A_1] : memref<8192x18432xf32, #tpu.memory_space<hbm>> -> memref<1x3072xf32, #tpu.memory_space<hbm>>
      %dma_start3A_1103 = arith.constant 0 : i32
      %dma_start3A_1104 = tpu.memref_slice %arg5[%squeeze3A_1100, %dma_start3A_1103] : memref<128x3072xf32, #tpu.memory_space<vmem_shared>> -> memref<1x3072xf32, #tpu.memory_space<vmem_shared>>
      tpu.enqueue_dma source(%dma_start3A_1104 : memref<1x3072xf32, #tpu.memory_space<vmem_shared>>) target(%dma_start3A_1102 : memref<1x3072xf32, #tpu.memory_space<hbm>>) target_semaphore(%arg8 : memref<!tpu.dma_semaphore, #tpu.memory_space<semaphore_mem>>)
      %mul3A_1105 = arith.constant 16 : i32
      %mul3A_1106 = arith.muli %add3A_979, %mul3A_1105 : i32
      %add3A_1107 = arith.constant 12 : i32
      %add3A_1108 = arith.addi %mul3A_1106, %add3A_1107 : i32
      %slice3A_1109 = vector.extract_strided_slice %get3A_984 {offsets = [12], sizes = [1], strides = [1]} : vector<16xi32> to vector<1xi32>
      %squeeze3A_1110 = vector.extract %slice3A_1109[0] : i32 from vector<1xi32>
      %add3A_1111 = arith.addi %mul3A_3, %add3A_1108 : i32
      %dma_start3A_1112 = tpu.memref_slice %arg4[%add3A_1111, %add3A_1] : memref<8192x18432xf32, #tpu.memory_space<hbm>> -> memref<1x3072xf32, #tpu.memory_space<hbm>>
      %dma_start3A_1113 = arith.constant 0 : i32
      %dma_start3A_1114 = tpu.memref_slice %arg5[%squeeze3A_1110, %dma_start3A_1113] : memref<128x3072xf32, #tpu.memory_space<vmem_shared>> -> memref<1x3072xf32, #tpu.memory_space<vmem_shared>>
      tpu.enqueue_dma source(%dma_start3A_1114 : memref<1x3072xf32, #tpu.memory_space<vmem_shared>>) target(%dma_start3A_1112 : memref<1x3072xf32, #tpu.memory_space<hbm>>) target_semaphore(%arg8 : memref<!tpu.dma_semaphore, #tpu.memory_space<semaphore_mem>>)
      %mul3A_1115 = arith.constant 16 : i32
      %mul3A_1116 = arith.muli %add3A_979, %mul3A_1115 : i32
      %add3A_1117 = arith.constant 13 : i32
      %add3A_1118 = arith.addi %mul3A_1116, %add3A_1117 : i32
      %slice3A_1119 = vector.extract_strided_slice %get3A_984 {offsets = [13], sizes = [1], strides = [1]} : vector<16xi32> to vector<1xi32>
      %squeeze3A_1120 = vector.extract %slice3A_1119[0] : i32 from vector<1xi32>
      %add3A_1121 = arith.addi %mul3A_3, %add3A_1118 : i32
      %dma_start3A_1122 = tpu.memref_slice %arg4[%add3A_1121, %add3A_1] : memref<8192x18432xf32, #tpu.memory_space<hbm>> -> memref<1x3072xf32, #tpu.memory_space<hbm>>
      %dma_start3A_1123 = arith.constant 0 : i32
      %dma_start3A_1124 = tpu.memref_slice %arg5[%squeeze3A_1120, %dma_start3A_1123] : memref<128x3072xf32, #tpu.memory_space<vmem_shared>> -> memref<1x3072xf32, #tpu.memory_space<vmem_shared>>
      tpu.enqueue_dma source(%dma_start3A_1124 : memref<1x3072xf32, #tpu.memory_space<vmem_shared>>) target(%dma_start3A_1122 : memref<1x3072xf32, #tpu.memory_space<hbm>>) target_semaphore(%arg8 : memref<!tpu.dma_semaphore, #tpu.memory_space<semaphore_mem>>)
      %mul3A_1125 = arith.constant 16 : i32
      %mul3A_1126 = arith.muli %add3A_979, %mul3A_1125 : i32
      %add3A_1127 = arith.constant 14 : i32
      %add3A_1128 = arith.addi %mul3A_1126, %add3A_1127 : i32
      %slice3A_1129 = vector.extract_strided_slice %get3A_984 {offsets = [14], sizes = [1], strides = [1]} : vector<16xi32> to vector<1xi32>
      %squeeze3A_1130 = vector.extract %slice3A_1129[0] : i32 from vector<1xi32>
      %add3A_1131 = arith.addi %mul3A_3, %add3A_1128 : i32
      %dma_start3A_1132 = tpu.memref_slice %arg4[%add3A_1131, %add3A_1] : memref<8192x18432xf32, #tpu.memory_space<hbm>> -> memref<1x3072xf32, #tpu.memory_space<hbm>>
      %dma_start3A_1133 = arith.constant 0 : i32
      %dma_start3A_1134 = tpu.memref_slice %arg5[%squeeze3A_1130, %dma_start3A_1133] : memref<128x3072xf32, #tpu.memory_space<vmem_shared>> -> memref<1x3072xf32, #tpu.memory_space<vmem_shared>>
      tpu.enqueue_dma source(%dma_start3A_1134 : memref<1x3072xf32, #tpu.memory_space<vmem_shared>>) target(%dma_start3A_1132 : memref<1x3072xf32, #tpu.memory_space<hbm>>) target_semaphore(%arg8 : memref<!tpu.dma_semaphore, #tpu.memory_space<semaphore_mem>>)
      %mul3A_1135 = arith.constant 16 : i32
      %mul3A_1136 = arith.muli %add3A_979, %mul3A_1135 : i32
      %add3A_1137 = arith.constant 15 : i32
      %add3A_1138 = arith.addi %mul3A_1136, %add3A_1137 : i32
      %slice3A_1139 = vector.extract_strided_slice %get3A_984 {offsets = [15], sizes = [1], strides = [1]} : vector<16xi32> to vector<1xi32>
      %squeeze3A_1140 = vector.extract %slice3A_1139[0] : i32 from vector<1xi32>
      %add3A_1141 = arith.addi %mul3A_3, %add3A_1138 : i32
      %dma_start3A_1142 = tpu.memref_slice %arg4[%add3A_1141, %add3A_1] : memref<8192x18432xf32, #tpu.memory_space<hbm>> -> memref<1x3072xf32, #tpu.memory_space<hbm>>
      %dma_start3A_1143 = arith.constant 0 : i32
      %dma_start3A_1144 = tpu.memref_slice %arg5[%squeeze3A_1140, %dma_start3A_1143] : memref<128x3072xf32, #tpu.memory_space<vmem_shared>> -> memref<1x3072xf32, #tpu.memory_space<vmem_shared>>
      tpu.enqueue_dma source(%dma_start3A_1144 : memref<1x3072xf32, #tpu.memory_space<vmem_shared>>) target(%dma_start3A_1142 : memref<1x3072xf32, #tpu.memory_space<hbm>>) target_semaphore(%arg8 : memref<!tpu.dma_semaphore, #tpu.memory_space<semaphore_mem>>)
      %scan3A_1145 = arith.constant 0 : i32
      scf.yield %scan3A_1145 : i32
    }
    %scan3A_239 = arith.constant 15 : i32
    %get3A_240 = arith.constant 480 : index
    %get3A_241 = tpu.vector_load %arg6[%get3A_240] {strides = array<i32>} : memref<512xi32, #tpu.memory_space<vmem>>, vector<16xi32>,
    %get3A_242 = vector.shape_cast %get3A_241 : vector<16xi32> to vector<16xi32>
    %slice3A_243 = vector.extract_strided_slice %get3A_242 {offsets = [0], sizes = [1], strides = [1]} : vector<16xi32> to vector<1xi32>
    %squeeze3A_244 = vector.extract %slice3A_243[0] : i32 from vector<1xi32>
    %add3A_245 = arith.constant 480 : i32
    %add3A_246 = arith.addi %mul3A_3, %add3A_245 : i32
    %dma_wait3A = tpu.memref_slice %arg4[%add3A_246, %add3A_1] : memref<8192x18432xf32, #tpu.memory_space<hbm>> -> memref<1x3072xf32, #tpu.memory_space<hbm>>
    %dma_wait3A_247 = arith.constant 0 : i32
    %dma_wait3A_248 = tpu.memref_slice %arg5[%squeeze3A_244, %dma_wait3A_247] : memref<128x3072xf32, #tpu.memory_space<vmem_shared>> -> memref<1x3072xf32, #tpu.memory_space<vmem_shared>>
    tpu.wait_dma2 semaphore(%arg7 : memref<!tpu.dma_semaphore, #tpu.memory_space<semaphore_mem>>) src(%dma_wait3A_248 : memref<1x3072xf32, #tpu.memory_space<vmem_shared>>) dst(%dma_wait3A : memref<1x3072xf32, #tpu.memory_space<hbm>>)
    %slice3A_249 = vector.extract_strided_slice %get3A_242 {offsets = [1], sizes = [1], strides = [1]} : vector<16xi32> to vector<1xi32>
    %squeeze3A_250 = vector.extract %slice3A_249[0] : i32 from vector<1xi32>
    %add3A_251 = arith.constant 481 : i32
    %add3A_252 = arith.addi %mul3A_3, %add3A_251 : i32
    %dma_wait3A_253 = tpu.memref_slice %arg4[%add3A_252, %add3A_1] : memref<8192x18432xf32, #tpu.memory_space<hbm>> -> memref<1x3072xf32, #tpu.memory_space<hbm>>
    %dma_wait3A_254 = arith.constant 0 : i32
    %dma_wait3A_255 = tpu.memref_slice %arg5[%squeeze3A_250, %dma_wait3A_254] : memref<128x3072xf32, #tpu.memory_space<vmem_shared>> -> memref<1x3072xf32, #tpu.memory_space<vmem_shared>>
    tpu.wait_dma2 semaphore(%arg7 : memref<!tpu.dma_semaphore, #tpu.memory_space<semaphore_mem>>) src(%dma_wait3A_255 : memref<1x3072xf32, #tpu.memory_space<vmem_shared>>) dst(%dma_wait3A_253 : memref<1x3072xf32, #tpu.memory_space<hbm>>)
    %slice3A_256 = vector.extract_strided_slice %get3A_242 {offsets = [2], sizes = [1], strides = [1]} : vector<16xi32> to vector<1xi32>
    %squeeze3A_257 = vector.extract %slice3A_256[0] : i32 from vector<1xi32>
    %add3A_258 = arith.constant 482 : i32
    %add3A_259 = arith.addi %mul3A_3, %add3A_258 : i32
    %dma_wait3A_260 = tpu.memref_slice %arg4[%add3A_259, %add3A_1] : memref<8192x18432xf32, #tpu.memory_space<hbm>> -> memref<1x3072xf32, #tpu.memory_space<hbm>>
    %dma_wait3A_261 = arith.constant 0 : i32
    %dma_wait3A_262 = tpu.memref_slice %arg5[%squeeze3A_257, %dma_wait3A_261] : memref<128x3072xf32, #tpu.memory_space<vmem_shared>> -> memref<1x3072xf32, #tpu.memory_space<vmem_shared>>
    tpu.wait_dma2 semaphore(%arg7 : memref<!tpu.dma_semaphore, #tpu.memory_space<semaphore_mem>>) src(%dma_wait3A_262 : memref<1x3072xf32, #tpu.memory_space<vmem_shared>>) dst(%dma_wait3A_260 : memref<1x3072xf32, #tpu.memory_space<hbm>>)
    %slice3A_263 = vector.extract_strided_slice %get3A_242 {offsets = [3], sizes = [1], strides = [1]} : vector<16xi32> to vector<1xi32>
    %squeeze3A_264 = vector.extract %slice3A_263[0] : i32 from vector<1xi32>
    %add3A_265 = arith.constant 483 : i32
    %add3A_266 = arith.addi %mul3A_3, %add3A_265 : i32
    %dma_wait3A_267 = tpu.memref_slice %arg4[%add3A_266, %add3A_1] : memref<8192x18432xf32, #tpu.memory_space<hbm>> -> memref<1x3072xf32, #tpu.memory_space<hbm>>
    %dma_wait3A_268 = arith.constant 0 : i32
    %dma_wait3A_269 = tpu.memref_slice %arg5[%squeeze3A_264, %dma_wait3A_268] : memref<128x3072xf32, #tpu.memory_space<vmem_shared>> -> memref<1x3072xf32, #tpu.memory_space<vmem_shared>>
    tpu.wait_dma2 semaphore(%arg7 : memref<!tpu.dma_semaphore, #tpu.memory_space<semaphore_mem>>) src(%dma_wait3A_269 : memref<1x3072xf32, #tpu.memory_space<vmem_shared>>) dst(%dma_wait3A_267 : memref<1x3072xf32, #tpu.memory_space<hbm>>)
    %slice3A_270 = vector.extract_strided_slice %get3A_242 {offsets = [4], sizes = [1], strides = [1]} : vector<16xi32> to vector<1xi32>
    %squeeze3A_271 = vector.extract %slice3A_270[0] : i32 from vector<1xi32>
    %add3A_272 = arith.constant 484 : i32
    %add3A_273 = arith.addi %mul3A_3, %add3A_272 : i32
    %dma_wait3A_274 = tpu.memref_slice %arg4[%add3A_273, %add3A_1] : memref<8192x18432xf32, #tpu.memory_space<hbm>> -> memref<1x3072xf32, #tpu.memory_space<hbm>>
    %dma_wait3A_275 = arith.constant 0 : i32
    %dma_wait3A_276 = tpu.memref_slice %arg5[%squeeze3A_271, %dma_wait3A_275] : memref<128x3072xf32, #tpu.memory_space<vmem_shared>> -> memref<1x3072xf32, #tpu.memory_space<vmem_shared>>
    tpu.wait_dma2 semaphore(%arg7 : memref<!tpu.dma_semaphore, #tpu.memory_space<semaphore_mem>>) src(%dma_wait3A_276 : memref<1x3072xf32, #tpu.memory_space<vmem_shared>>) dst(%dma_wait3A_274 : memref<1x3072xf32, #tpu.memory_space<hbm>>)
    %slice3A_277 = vector.extract_strided_slice %get3A_242 {offsets = [5], sizes = [1], strides = [1]} : vector<16xi32> to vector<1xi32>
    %squeeze3A_278 = vector.extract %slice3A_277[0] : i32 from vector<1xi32>
    %add3A_279 = arith.constant 485 : i32
    %add3A_280 = arith.addi %mul3A_3, %add3A_279 : i32
    %dma_wait3A_281 = tpu.memref_slice %arg4[%add3A_280, %add3A_1] : memref<8192x18432xf32, #tpu.memory_space<hbm>> -> memref<1x3072xf32, #tpu.memory_space<hbm>>
    %dma_wait3A_282 = arith.constant 0 : i32
    %dma_wait3A_283 = tpu.memref_slice %arg5[%squeeze3A_278, %dma_wait3A_282] : memref<128x3072xf32, #tpu.memory_space<vmem_shared>> -> memref<1x3072xf32, #tpu.memory_space<vmem_shared>>
    tpu.wait_dma2 semaphore(%arg7 : memref<!tpu.dma_semaphore, #tpu.memory_space<semaphore_mem>>) src(%dma_wait3A_283 : memref<1x3072xf32, #tpu.memory_space<vmem_shared>>) dst(%dma_wait3A_281 : memref<1x3072xf32, #tpu.memory_space<hbm>>)
    %slice3A_284 = vector.extract_strided_slice %get3A_242 {offsets = [6], sizes = [1], strides = [1]} : vector<16xi32> to vector<1xi32>
    %squeeze3A_285 = vector.extract %slice3A_284[0] : i32 from vector<1xi32>
    %add3A_286 = arith.constant 486 : i32
    %add3A_287 = arith.addi %mul3A_3, %add3A_286 : i32
    %dma_wait3A_288 = tpu.memref_slice %arg4[%add3A_287, %add3A_1] : memref<8192x18432xf32, #tpu.memory_space<hbm>> -> memref<1x3072xf32, #tpu.memory_space<hbm>>
    %dma_wait3A_289 = arith.constant 0 : i32
    %dma_wait3A_290 = tpu.memref_slice %arg5[%squeeze3A_285, %dma_wait3A_289] : memref<128x3072xf32, #tpu.memory_space<vmem_shared>> -> memref<1x3072xf32, #tpu.memory_space<vmem_shared>>
    tpu.wait_dma2 semaphore(%arg7 : memref<!tpu.dma_semaphore, #tpu.memory_space<semaphore_mem>>) src(%dma_wait3A_290 : memref<1x3072xf32, #tpu.memory_space<vmem_shared>>) dst(%dma_wait3A_288 : memref<1x3072xf32, #tpu.memory_space<hbm>>)
    %slice3A_291 = vector.extract_strided_slice %get3A_242 {offsets = [7], sizes = [1], strides = [1]} : vector<16xi32> to vector<1xi32>
    %squeeze3A_292 = vector.extract %slice3A_291[0] : i32 from vector<1xi32>
    %add3A_293 = arith.constant 487 : i32
    %add3A_294 = arith.addi %mul3A_3, %add3A_293 : i32
    %dma_wait3A_295 = tpu.memref_slice %arg4[%add3A_294, %add3A_1] : memref<8192x18432xf32, #tpu.memory_space<hbm>> -> memref<1x3072xf32, #tpu.memory_space<hbm>>
    %dma_wait3A_296 = arith.constant 0 : i32
    %dma_wait3A_297 = tpu.memref_slice %arg5[%squeeze3A_292, %dma_wait3A_296] : memref<128x3072xf32, #tpu.memory_space<vmem_shared>> -> memref<1x3072xf32, #tpu.memory_space<vmem_shared>>
    tpu.wait_dma2 semaphore(%arg7 : memref<!tpu.dma_semaphore, #tpu.memory_space<semaphore_mem>>) src(%dma_wait3A_297 : memref<1x3072xf32, #tpu.memory_space<vmem_shared>>) dst(%dma_wait3A_295 : memref<1x3072xf32, #tpu.memory_space<hbm>>)
    %slice3A_298 = vector.extract_strided_slice %get3A_242 {offsets = [8], sizes = [1], strides = [1]} : vector<16xi32> to vector<1xi32>
    %squeeze3A_299 = vector.extract %slice3A_298[0] : i32 from vector<1xi32>
    %add3A_300 = arith.constant 488 : i32
    %add3A_301 = arith.addi %mul3A_3, %add3A_300 : i32
    %dma_wait3A_302 = tpu.memref_slice %arg4[%add3A_301, %add3A_1] : memref<8192x18432xf32, #tpu.memory_space<hbm>> -> memref<1x3072xf32, #tpu.memory_space<hbm>>
    %dma_wait3A_303 = arith.constant 0 : i32
    %dma_wait3A_304 = tpu.memref_slice %arg5[%squeeze3A_299, %dma_wait3A_303] : memref<128x3072xf32, #tpu.memory_space<vmem_shared>> -> memref<1x3072xf32, #tpu.memory_space<vmem_shared>>
    tpu.wait_dma2 semaphore(%arg7 : memref<!tpu.dma_semaphore, #tpu.memory_space<semaphore_mem>>) src(%dma_wait3A_304 : memref<1x3072xf32, #tpu.memory_space<vmem_shared>>) dst(%dma_wait3A_302 : memref<1x3072xf32, #tpu.memory_space<hbm>>)
    %slice3A_305 = vector.extract_strided_slice %get3A_242 {offsets = [9], sizes = [1], strides = [1]} : vector<16xi32> to vector<1xi32>
    %squeeze3A_306 = vector.extract %slice3A_305[0] : i32 from vector<1xi32>
    %add3A_307 = arith.constant 489 : i32
    %add3A_308 = arith.addi %mul3A_3, %add3A_307 : i32
    %dma_wait3A_309 = tpu.memref_slice %arg4[%add3A_308, %add3A_1] : memref<8192x18432xf32, #tpu.memory_space<hbm>> -> memref<1x3072xf32, #tpu.memory_space<hbm>>
    %dma_wait3A_310 = arith.constant 0 : i32
    %dma_wait3A_311 = tpu.memref_slice %arg5[%squeeze3A_306, %dma_wait3A_310] : memref<128x3072xf32, #tpu.memory_space<vmem_shared>> -> memref<1x3072xf32, #tpu.memory_space<vmem_shared>>
    tpu.wait_dma2 semaphore(%arg7 : memref<!tpu.dma_semaphore, #tpu.memory_space<semaphore_mem>>) src(%dma_wait3A_311 : memref<1x3072xf32, #tpu.memory_space<vmem_shared>>) dst(%dma_wait3A_309 : memref<1x3072xf32, #tpu.memory_space<hbm>>)
    %slice3A_312 = vector.extract_strided_slice %get3A_242 {offsets = [10], sizes = [1], strides = [1]} : vector<16xi32> to vector<1xi32>
    %squeeze3A_313 = vector.extract %slice3A_312[0] : i32 from vector<1xi32>
    %add3A_314 = arith.constant 490 : i32
    %add3A_315 = arith.addi %mul3A_3, %add3A_314 : i32
    %dma_wait3A_316 = tpu.memref_slice %arg4[%add3A_315, %add3A_1] : memref<8192x18432xf32, #tpu.memory_space<hbm>> -> memref<1x3072xf32, #tpu.memory_space<hbm>>
    %dma_wait3A_317 = arith.constant 0 : i32
    %dma_wait3A_318 = tpu.memref_slice %arg5[%squeeze3A_313, %dma_wait3A_317] : memref<128x3072xf32, #tpu.memory_space<vmem_shared>> -> memref<1x3072xf32, #tpu.memory_space<vmem_shared>>
    tpu.wait_dma2 semaphore(%arg7 : memref<!tpu.dma_semaphore, #tpu.memory_space<semaphore_mem>>) src(%dma_wait3A_318 : memref<1x3072xf32, #tpu.memory_space<vmem_shared>>) dst(%dma_wait3A_316 : memref<1x3072xf32, #tpu.memory_space<hbm>>)
    %slice3A_319 = vector.extract_strided_slice %get3A_242 {offsets = [11], sizes = [1], strides = [1]} : vector<16xi32> to vector<1xi32>
    %squeeze3A_320 = vector.extract %slice3A_319[0] : i32 from vector<1xi32>
    %add3A_321 = arith.constant 491 : i32
    %add3A_322 = arith.addi %mul3A_3, %add3A_321 : i32
    %dma_wait3A_323 = tpu.memref_slice %arg4[%add3A_322, %add3A_1] : memref<8192x18432xf32, #tpu.memory_space<hbm>> -> memref<1x3072xf32, #tpu.memory_space<hbm>>
    %dma_wait3A_324 = arith.constant 0 : i32
    %dma_wait3A_325 = tpu.memref_slice %arg5[%squeeze3A_320, %dma_wait3A_324] : memref<128x3072xf32, #tpu.memory_space<vmem_shared>> -> memref<1x3072xf32, #tpu.memory_space<vmem_shared>>
    tpu.wait_dma2 semaphore(%arg7 : memref<!tpu.dma_semaphore, #tpu.memory_space<semaphore_mem>>) src(%dma_wait3A_325 : memref<1x3072xf32, #tpu.memory_space<vmem_shared>>) dst(%dma_wait3A_323 : memref<1x3072xf32, #tpu.memory_space<hbm>>)
    %slice3A_326 = vector.extract_strided_slice %get3A_242 {offsets = [12], sizes = [1], strides = [1]} : vector<16xi32> to vector<1xi32>
    %squeeze3A_327 = vector.extract %slice3A_326[0] : i32 from vector<1xi32>
    %add3A_328 = arith.constant 492 : i32
    %add3A_329 = arith.addi %mul3A_3, %add3A_328 : i32
    %dma_wait3A_330 = tpu.memref_slice %arg4[%add3A_329, %add3A_1] : memref<8192x18432xf32, #tpu.memory_space<hbm>> -> memref<1x3072xf32, #tpu.memory_space<hbm>>
    %dma_wait3A_331 = arith.constant 0 : i32
    %dma_wait3A_332 = tpu.memref_slice %arg5[%squeeze3A_327, %dma_wait3A_331] : memref<128x3072xf32, #tpu.memory_space<vmem_shared>> -> memref<1x3072xf32, #tpu.memory_space<vmem_shared>>
    tpu.wait_dma2 semaphore(%arg7 : memref<!tpu.dma_semaphore, #tpu.memory_space<semaphore_mem>>) src(%dma_wait3A_332 : memref<1x3072xf32, #tpu.memory_space<vmem_shared>>) dst(%dma_wait3A_330 : memref<1x3072xf32, #tpu.memory_space<hbm>>)
    %slice3A_333 = vector.extract_strided_slice %get3A_242 {offsets = [13], sizes = [1], strides = [1]} : vector<16xi32> to vector<1xi32>
    %squeeze3A_334 = vector.extract %slice3A_333[0] : i32 from vector<1xi32>
    %add3A_335 = arith.constant 493 : i32
    %add3A_336 = arith.addi %mul3A_3, %add3A_335 : i32
    %dma_wait3A_337 = tpu.memref_slice %arg4[%add3A_336, %add3A_1] : memref<8192x18432xf32, #tpu.memory_space<hbm>> -> memref<1x3072xf32, #tpu.memory_space<hbm>>
    %dma_wait3A_338 = arith.constant 0 : i32
    %dma_wait3A_339 = tpu.memref_slice %arg5[%squeeze3A_334, %dma_wait3A_338] : memref<128x3072xf32, #tpu.memory_space<vmem_shared>> -> memref<1x3072xf32, #tpu.memory_space<vmem_shared>>
    tpu.wait_dma2 semaphore(%arg7 : memref<!tpu.dma_semaphore, #tpu.memory_space<semaphore_mem>>) src(%dma_wait3A_339 : memref<1x3072xf32, #tpu.memory_space<vmem_shared>>) dst(%dma_wait3A_337 : memref<1x3072xf32, #tpu.memory_space<hbm>>)
    %slice3A_340 = vector.extract_strided_slice %get3A_242 {offsets = [14], sizes = [1], strides = [1]} : vector<16xi32> to vector<1xi32>
    %squeeze3A_341 = vector.extract %slice3A_340[0] : i32 from vector<1xi32>
    %add3A_342 = arith.constant 494 : i32
    %add3A_343 = arith.addi %mul3A_3, %add3A_342 : i32
    %dma_wait3A_344 = tpu.memref_slice %arg4[%add3A_343, %add3A_1] : memref<8192x18432xf32, #tpu.memory_space<hbm>> -> memref<1x3072xf32, #tpu.memory_space<hbm>>
    %dma_wait3A_345 = arith.constant 0 : i32
    %dma_wait3A_346 = tpu.memref_slice %arg5[%squeeze3A_341, %dma_wait3A_345] : memref<128x3072xf32, #tpu.memory_space<vmem_shared>> -> memref<1x3072xf32, #tpu.memory_space<vmem_shared>>
    tpu.wait_dma2 semaphore(%arg7 : memref<!tpu.dma_semaphore, #tpu.memory_space<semaphore_mem>>) src(%dma_wait3A_346 : memref<1x3072xf32, #tpu.memory_space<vmem_shared>>) dst(%dma_wait3A_344 : memref<1x3072xf32, #tpu.memory_space<hbm>>)
    %slice3A_347 = vector.extract_strided_slice %get3A_242 {offsets = [15], sizes = [1], strides = [1]} : vector<16xi32> to vector<1xi32>
    %squeeze3A_348 = vector.extract %slice3A_347[0] : i32 from vector<1xi32>
    %add3A_349 = arith.constant 495 : i32
    %add3A_350 = arith.addi %mul3A_3, %add3A_349 : i32
    %dma_wait3A_351 = tpu.memref_slice %arg4[%add3A_350, %add3A_1] : memref<8192x18432xf32, #tpu.memory_space<hbm>> -> memref<1x3072xf32, #tpu.memory_space<hbm>>
    %dma_wait3A_352 = arith.constant 0 : i32
    %dma_wait3A_353 = tpu.memref_slice %arg5[%squeeze3A_348, %dma_wait3A_352] : memref<128x3072xf32, #tpu.memory_space<vmem_shared>> -> memref<1x3072xf32, #tpu.memory_space<vmem_shared>>
    tpu.wait_dma2 semaphore(%arg7 : memref<!tpu.dma_semaphore, #tpu.memory_space<semaphore_mem>>) src(%dma_wait3A_353 : memref<1x3072xf32, #tpu.memory_space<vmem_shared>>) dst(%dma_wait3A_351 : memref<1x3072xf32, #tpu.memory_space<hbm>>)
    %get3A_354 = arith.constant 496 : index
    %get3A_355 = tpu.vector_load %arg6[%get3A_354] {strides = array<i32>} : memref<512xi32, #tpu.memory_space<vmem>>, vector<16xi32>,
    %get3A_356 = vector.shape_cast %get3A_355 : vector<16xi32> to vector<16xi32>
    %slice3A_357 = vector.extract_strided_slice %get3A_356 {offsets = [0], sizes = [1], strides = [1]} : vector<16xi32> to vector<1xi32>
    %squeeze3A_358 = vector.extract %slice3A_357[0] : i32 from vector<1xi32>
    %add3A_359 = arith.constant 496 : i32
    %add3A_360 = arith.addi %mul3A_3, %add3A_359 : i32
    %dma_wait3A_361 = tpu.memref_slice %arg4[%add3A_360, %add3A_1] : memref<8192x18432xf32, #tpu.memory_space<hbm>> -> memref<1x3072xf32, #tpu.memory_space<hbm>>
    %dma_wait3A_362 = arith.constant 0 : i32
    %dma_wait3A_363 = tpu.memref_slice %arg5[%squeeze3A_358, %dma_wait3A_362] : memref<128x3072xf32, #tpu.memory_space<vmem_shared>> -> memref<1x3072xf32, #tpu.memory_space<vmem_shared>>
    tpu.wait_dma2 semaphore(%arg8 : memref<!tpu.dma_semaphore, #tpu.memory_space<semaphore_mem>>) src(%dma_wait3A_363 : memref<1x3072xf32, #tpu.memory_space<vmem_shared>>) dst(%dma_wait3A_361 : memref<1x3072xf32, #tpu.memory_space<hbm>>)
    %slice3A_364 = vector.extract_strided_slice %get3A_356 {offsets = [1], sizes = [1], strides = [1]} : vector<16xi32> to vector<1xi32>
    %squeeze3A_365 = vector.extract %slice3A_364[0] : i32 from vector<1xi32>
    %add3A_366 = arith.constant 497 : i32
    %add3A_367 = arith.addi %mul3A_3, %add3A_366 : i32
    %dma_wait3A_368 = tpu.memref_slice %arg4[%add3A_367, %add3A_1] : memref<8192x18432xf32, #tpu.memory_space<hbm>> -> memref<1x3072xf32, #tpu.memory_space<hbm>>
    %dma_wait3A_369 = arith.constant 0 : i32
    %dma_wait3A_370 = tpu.memref_slice %arg5[%squeeze3A_365, %dma_wait3A_369] : memref<128x3072xf32, #tpu.memory_space<vmem_shared>> -> memref<1x3072xf32, #tpu.memory_space<vmem_shared>>
    tpu.wait_dma2 semaphore(%arg8 : memref<!tpu.dma_semaphore, #tpu.memory_space<semaphore_mem>>) src(%dma_wait3A_370 : memref<1x3072xf32, #tpu.memory_space<vmem_shared>>) dst(%dma_wait3A_368 : memref<1x3072xf32, #tpu.memory_space<hbm>>)
    %slice3A_371 = vector.extract_strided_slice %get3A_356 {offsets = [2], sizes = [1], strides = [1]} : vector<16xi32> to vector<1xi32>
    %squeeze3A_372 = vector.extract %slice3A_371[0] : i32 from vector<1xi32>
    %add3A_373 = arith.constant 498 : i32
    %add3A_374 = arith.addi %mul3A_3, %add3A_373 : i32
    %dma_wait3A_375 = tpu.memref_slice %arg4[%add3A_374, %add3A_1] : memref<8192x18432xf32, #tpu.memory_space<hbm>> -> memref<1x3072xf32, #tpu.memory_space<hbm>>
    %dma_wait3A_376 = arith.constant 0 : i32
    %dma_wait3A_377 = tpu.memref_slice %arg5[%squeeze3A_372, %dma_wait3A_376] : memref<128x3072xf32, #tpu.memory_space<vmem_shared>> -> memref<1x3072xf32, #tpu.memory_space<vmem_shared>>
    tpu.wait_dma2 semaphore(%arg8 : memref<!tpu.dma_semaphore, #tpu.memory_space<semaphore_mem>>) src(%dma_wait3A_377 : memref<1x3072xf32, #tpu.memory_space<vmem_shared>>) dst(%dma_wait3A_375 : memref<1x3072xf32, #tpu.memory_space<hbm>>)
    %slice3A_378 = vector.extract_strided_slice %get3A_356 {offsets = [3], sizes = [1], strides = [1]} : vector<16xi32> to vector<1xi32>
    %squeeze3A_379 = vector.extract %slice3A_378[0] : i32 from vector<1xi32>
    %add3A_380 = arith.constant 499 : i32
    %add3A_381 = arith.addi %mul3A_3, %add3A_380 : i32
    %dma_wait3A_382 = tpu.memref_slice %arg4[%add3A_381, %add3A_1] : memref<8192x18432xf32, #tpu.memory_space<hbm>> -> memref<1x3072xf32, #tpu.memory_space<hbm>>
    %dma_wait3A_383 = arith.constant 0 : i32
    %dma_wait3A_384 = tpu.memref_slice %arg5[%squeeze3A_379, %dma_wait3A_383] : memref<128x3072xf32, #tpu.memory_space<vmem_shared>> -> memref<1x3072xf32, #tpu.memory_space<vmem_shared>>
    tpu.wait_dma2 semaphore(%arg8 : memref<!tpu.dma_semaphore, #tpu.memory_space<semaphore_mem>>) src(%dma_wait3A_384 : memref<1x3072xf32, #tpu.memory_space<vmem_shared>>) dst(%dma_wait3A_382 : memref<1x3072xf32, #tpu.memory_space<hbm>>)
    %slice3A_385 = vector.extract_strided_slice %get3A_356 {offsets = [4], sizes = [1], strides = [1]} : vector<16xi32> to vector<1xi32>
    %squeeze3A_386 = vector.extract %slice3A_385[0] : i32 from vector<1xi32>
    %add3A_387 = arith.constant 500 : i32
    %add3A_388 = arith.addi %mul3A_3, %add3A_387 : i32
    %dma_wait3A_389 = tpu.memref_slice %arg4[%add3A_388, %add3A_1] : memref<8192x18432xf32, #tpu.memory_space<hbm>> -> memref<1x3072xf32, #tpu.memory_space<hbm>>
    %dma_wait3A_390 = arith.constant 0 : i32
    %dma_wait3A_391 = tpu.memref_slice %arg5[%squeeze3A_386, %dma_wait3A_390] : memref<128x3072xf32, #tpu.memory_space<vmem_shared>> -> memref<1x3072xf32, #tpu.memory_space<vmem_shared>>
    tpu.wait_dma2 semaphore(%arg8 : memref<!tpu.dma_semaphore, #tpu.memory_space<semaphore_mem>>) src(%dma_wait3A_391 : memref<1x3072xf32, #tpu.memory_space<vmem_shared>>) dst(%dma_wait3A_389 : memref<1x3072xf32, #tpu.memory_space<hbm>>)
    %slice3A_392 = vector.extract_strided_slice %get3A_356 {offsets = [5], sizes = [1], strides = [1]} : vector<16xi32> to vector<1xi32>
    %squeeze3A_393 = vector.extract %slice3A_392[0] : i32 from vector<1xi32>
    %add3A_394 = arith.constant 501 : i32
    %add3A_395 = arith.addi %mul3A_3, %add3A_394 : i32
    %dma_wait3A_396 = tpu.memref_slice %arg4[%add3A_395, %add3A_1] : memref<8192x18432xf32, #tpu.memory_space<hbm>> -> memref<1x3072xf32, #tpu.memory_space<hbm>>
    %dma_wait3A_397 = arith.constant 0 : i32
    %dma_wait3A_398 = tpu.memref_slice %arg5[%squeeze3A_393, %dma_wait3A_397] : memref<128x3072xf32, #tpu.memory_space<vmem_shared>> -> memref<1x3072xf32, #tpu.memory_space<vmem_shared>>
    tpu.wait_dma2 semaphore(%arg8 : memref<!tpu.dma_semaphore, #tpu.memory_space<semaphore_mem>>) src(%dma_wait3A_398 : memref<1x3072xf32, #tpu.memory_space<vmem_shared>>) dst(%dma_wait3A_396 : memref<1x3072xf32, #tpu.memory_space<hbm>>)
    %slice3A_399 = vector.extract_strided_slice %get3A_356 {offsets = [6], sizes = [1], strides = [1]} : vector<16xi32> to vector<1xi32>
    %squeeze3A_400 = vector.extract %slice3A_399[0] : i32 from vector<1xi32>
    %add3A_401 = arith.constant 502 : i32
    %add3A_402 = arith.addi %mul3A_3, %add3A_401 : i32
    %dma_wait3A_403 = tpu.memref_slice %arg4[%add3A_402, %add3A_1] : memref<8192x18432xf32, #tpu.memory_space<hbm>> -> memref<1x3072xf32, #tpu.memory_space<hbm>>
    %dma_wait3A_404 = arith.constant 0 : i32
    %dma_wait3A_405 = tpu.memref_slice %arg5[%squeeze3A_400, %dma_wait3A_404] : memref<128x3072xf32, #tpu.memory_space<vmem_shared>> -> memref<1x3072xf32, #tpu.memory_space<vmem_shared>>
    tpu.wait_dma2 semaphore(%arg8 : memref<!tpu.dma_semaphore, #tpu.memory_space<semaphore_mem>>) src(%dma_wait3A_405 : memref<1x3072xf32, #tpu.memory_space<vmem_shared>>) dst(%dma_wait3A_403 : memref<1x3072xf32, #tpu.memory_space<hbm>>)
    %slice3A_406 = vector.extract_strided_slice %get3A_356 {offsets = [7], sizes = [1], strides = [1]} : vector<16xi32> to vector<1xi32>
    %squeeze3A_407 = vector.extract %slice3A_406[0] : i32 from vector<1xi32>
    %add3A_408 = arith.constant 503 : i32
    %add3A_409 = arith.addi %mul3A_3, %add3A_408 : i32
    %dma_wait3A_410 = tpu.memref_slice %arg4[%add3A_409, %add3A_1] : memref<8192x18432xf32, #tpu.memory_space<hbm>> -> memref<1x3072xf32, #tpu.memory_space<hbm>>
    %dma_wait3A_411 = arith.constant 0 : i32
    %dma_wait3A_412 = tpu.memref_slice %arg5[%squeeze3A_407, %dma_wait3A_411] : memref<128x3072xf32, #tpu.memory_space<vmem_shared>> -> memref<1x3072xf32, #tpu.memory_space<vmem_shared>>
    tpu.wait_dma2 semaphore(%arg8 : memref<!tpu.dma_semaphore, #tpu.memory_space<semaphore_mem>>) src(%dma_wait3A_412 : memref<1x3072xf32, #tpu.memory_space<vmem_shared>>) dst(%dma_wait3A_410 : memref<1x3072xf32, #tpu.memory_space<hbm>>)
    %slice3A_413 = vector.extract_strided_slice %get3A_356 {offsets = [8], sizes = [1], strides = [1]} : vector<16xi32> to vector<1xi32>
    %squeeze3A_414 = vector.extract %slice3A_413[0] : i32 from vector<1xi32>
    %add3A_415 = arith.constant 504 : i32
    %add3A_416 = arith.addi %mul3A_3, %add3A_415 : i32
    %dma_wait3A_417 = tpu.memref_slice %arg4[%add3A_416, %add3A_1] : memref<8192x18432xf32, #tpu.memory_space<hbm>> -> memref<1x3072xf32, #tpu.memory_space<hbm>>
    %dma_wait3A_418 = arith.constant 0 : i32
    %dma_wait3A_419 = tpu.memref_slice %arg5[%squeeze3A_414, %dma_wait3A_418] : memref<128x3072xf32, #tpu.memory_space<vmem_shared>> -> memref<1x3072xf32, #tpu.memory_space<vmem_shared>>
    tpu.wait_dma2 semaphore(%arg8 : memref<!tpu.dma_semaphore, #tpu.memory_space<semaphore_mem>>) src(%dma_wait3A_419 : memref<1x3072xf32, #tpu.memory_space<vmem_shared>>) dst(%dma_wait3A_417 : memref<1x3072xf32, #tpu.memory_space<hbm>>)
    %slice3A_420 = vector.extract_strided_slice %get3A_356 {offsets = [9], sizes = [1], strides = [1]} : vector<16xi32> to vector<1xi32>
    %squeeze3A_421 = vector.extract %slice3A_420[0] : i32 from vector<1xi32>
    %add3A_422 = arith.constant 505 : i32
    %add3A_423 = arith.addi %mul3A_3, %add3A_422 : i32
    %dma_wait3A_424 = tpu.memref_slice %arg4[%add3A_423, %add3A_1] : memref<8192x18432xf32, #tpu.memory_space<hbm>> -> memref<1x3072xf32, #tpu.memory_space<hbm>>
    %dma_wait3A_425 = arith.constant 0 : i32
    %dma_wait3A_426 = tpu.memref_slice %arg5[%squeeze3A_421, %dma_wait3A_425] : memref<128x3072xf32, #tpu.memory_space<vmem_shared>> -> memref<1x3072xf32, #tpu.memory_space<vmem_shared>>
    tpu.wait_dma2 semaphore(%arg8 : memref<!tpu.dma_semaphore, #tpu.memory_space<semaphore_mem>>) src(%dma_wait3A_426 : memref<1x3072xf32, #tpu.memory_space<vmem_shared>>) dst(%dma_wait3A_424 : memref<1x3072xf32, #tpu.memory_space<hbm>>)
    %slice3A_427 = vector.extract_strided_slice %get3A_356 {offsets = [10], sizes = [1], strides = [1]} : vector<16xi32> to vector<1xi32>
    %squeeze3A_428 = vector.extract %slice3A_427[0] : i32 from vector<1xi32>
    %add3A_429 = arith.constant 506 : i32
    %add3A_430 = arith.addi %mul3A_3, %add3A_429 : i32
    %dma_wait3A_431 = tpu.memref_slice %arg4[%add3A_430, %add3A_1] : memref<8192x18432xf32, #tpu.memory_space<hbm>> -> memref<1x3072xf32, #tpu.memory_space<hbm>>
    %dma_wait3A_432 = arith.constant 0 : i32
    %dma_wait3A_433 = tpu.memref_slice %arg5[%squeeze3A_428, %dma_wait3A_432] : memref<128x3072xf32, #tpu.memory_space<vmem_shared>> -> memref<1x3072xf32, #tpu.memory_space<vmem_shared>>
    tpu.wait_dma2 semaphore(%arg8 : memref<!tpu.dma_semaphore, #tpu.memory_space<semaphore_mem>>) src(%dma_wait3A_433 : memref<1x3072xf32, #tpu.memory_space<vmem_shared>>) dst(%dma_wait3A_431 : memref<1x3072xf32, #tpu.memory_space<hbm>>)
    %slice3A_434 = vector.extract_strided_slice %get3A_356 {offsets = [11], sizes = [1], strides = [1]} : vector<16xi32> to vector<1xi32>
    %squeeze3A_435 = vector.extract %slice3A_434[0] : i32 from vector<1xi32>
    %add3A_436 = arith.constant 507 : i32
    %add3A_437 = arith.addi %mul3A_3, %add3A_436 : i32
    %dma_wait3A_438 = tpu.memref_slice %arg4[%add3A_437, %add3A_1] : memref<8192x18432xf32, #tpu.memory_space<hbm>> -> memref<1x3072xf32, #tpu.memory_space<hbm>>
    %dma_wait3A_439 = arith.constant 0 : i32
    %dma_wait3A_440 = tpu.memref_slice %arg5[%squeeze3A_435, %dma_wait3A_439] : memref<128x3072xf32, #tpu.memory_space<vmem_shared>> -> memref<1x3072xf32, #tpu.memory_space<vmem_shared>>
    tpu.wait_dma2 semaphore(%arg8 : memref<!tpu.dma_semaphore, #tpu.memory_space<semaphore_mem>>) src(%dma_wait3A_440 : memref<1x3072xf32, #tpu.memory_space<vmem_shared>>) dst(%dma_wait3A_438 : memref<1x3072xf32, #tpu.memory_space<hbm>>)
    %slice3A_441 = vector.extract_strided_slice %get3A_356 {offsets = [12], sizes = [1], strides = [1]} : vector<16xi32> to vector<1xi32>
    %squeeze3A_442 = vector.extract %slice3A_441[0] : i32 from vector<1xi32>
    %add3A_443 = arith.constant 508 : i32
    %add3A_444 = arith.addi %mul3A_3, %add3A_443 : i32
    %dma_wait3A_445 = tpu.memref_slice %arg4[%add3A_444, %add3A_1] : memref<8192x18432xf32, #tpu.memory_space<hbm>> -> memref<1x3072xf32, #tpu.memory_space<hbm>>
    %dma_wait3A_446 = arith.constant 0 : i32
    %dma_wait3A_447 = tpu.memref_slice %arg5[%squeeze3A_442, %dma_wait3A_446] : memref<128x3072xf32, #tpu.memory_space<vmem_shared>> -> memref<1x3072xf32, #tpu.memory_space<vmem_shared>>
    tpu.wait_dma2 semaphore(%arg8 : memref<!tpu.dma_semaphore, #tpu.memory_space<semaphore_mem>>) src(%dma_wait3A_447 : memref<1x3072xf32, #tpu.memory_space<vmem_shared>>) dst(%dma_wait3A_445 : memref<1x3072xf32, #tpu.memory_space<hbm>>)
    %slice3A_448 = vector.extract_strided_slice %get3A_356 {offsets = [13], sizes = [1], strides = [1]} : vector<16xi32> to vector<1xi32>
    %squeeze3A_449 = vector.extract %slice3A_448[0] : i32 from vector<1xi32>
    %add3A_450 = arith.constant 509 : i32
    %add3A_451 = arith.addi %mul3A_3, %add3A_450 : i32
    %dma_wait3A_452 = tpu.memref_slice %arg4[%add3A_451, %add3A_1] : memref<8192x18432xf32, #tpu.memory_space<hbm>> -> memref<1x3072xf32, #tpu.memory_space<hbm>>
    %dma_wait3A_453 = arith.constant 0 : i32
    %dma_wait3A_454 = tpu.memref_slice %arg5[%squeeze3A_449, %dma_wait3A_453] : memref<128x3072xf32, #tpu.memory_space<vmem_shared>> -> memref<1x3072xf32, #tpu.memory_space<vmem_shared>>
    tpu.wait_dma2 semaphore(%arg8 : memref<!tpu.dma_semaphore, #tpu.memory_space<semaphore_mem>>) src(%dma_wait3A_454 : memref<1x3072xf32, #tpu.memory_space<vmem_shared>>) dst(%dma_wait3A_452 : memref<1x3072xf32, #tpu.memory_space<hbm>>)
    %slice3A_455 = vector.extract_strided_slice %get3A_356 {offsets = [14], sizes = [1], strides = [1]} : vector<16xi32> to vector<1xi32>
    %squeeze3A_456 = vector.extract %slice3A_455[0] : i32 from vector<1xi32>
    %add3A_457 = arith.constant 510 : i32
    %add3A_458 = arith.addi %mul3A_3, %add3A_457 : i32
    %dma_wait3A_459 = tpu.memref_slice %arg4[%add3A_458, %add3A_1] : memref<8192x18432xf32, #tpu.memory_space<hbm>> -> memref<1x3072xf32, #tpu.memory_space<hbm>>
    %dma_wait3A_460 = arith.constant 0 : i32
    %dma_wait3A_461 = tpu.memref_slice %arg5[%squeeze3A_456, %dma_wait3A_460] : memref<128x3072xf32, #tpu.memory_space<vmem_shared>> -> memref<1x3072xf32, #tpu.memory_space<vmem_shared>>
    tpu.wait_dma2 semaphore(%arg8 : memref<!tpu.dma_semaphore, #tpu.memory_space<semaphore_mem>>) src(%dma_wait3A_461 : memref<1x3072xf32, #tpu.memory_space<vmem_shared>>) dst(%dma_wait3A_459 : memref<1x3072xf32, #tpu.memory_space<hbm>>)
    %slice3A_462 = vector.extract_strided_slice %get3A_356 {offsets = [15], sizes = [1], strides = [1]} : vector<16xi32> to vector<1xi32>
    %squeeze3A_463 = vector.extract %slice3A_462[0] : i32 from vector<1xi32>
    %add3A_464 = arith.constant 511 : i32
    %add3A_465 = arith.addi %mul3A_3, %add3A_464 : i32
    %dma_wait3A_466 = tpu.memref_slice %arg4[%add3A_465, %add3A_1] : memref<8192x18432xf32, #tpu.memory_space<hbm>> -> memref<1x3072xf32, #tpu.memory_space<hbm>>
    %dma_wait3A_467 = arith.constant 0 : i32
    %dma_wait3A_468 = tpu.memref_slice %arg5[%squeeze3A_463, %dma_wait3A_467] : memref<128x3072xf32, #tpu.memory_space<vmem_shared>> -> memref<1x3072xf32, #tpu.memory_space<vmem_shared>>
    tpu.wait_dma2 semaphore(%arg8 : memref<!tpu.dma_semaphore, #tpu.memory_space<semaphore_mem>>) src(%dma_wait3A_468 : memref<1x3072xf32, #tpu.memory_space<vmem_shared>>) dst(%dma_wait3A_466 : memref<1x3072xf32, #tpu.memory_space<hbm>>)
    return
  }
}

module attributes {stable_mosaic.version = 14 : i64} {
  func.func @_tc_body(%arg0: i32, %arg1: memref<2x1x128xi32, #tpu.memory_space<vmem>>, %arg2: memref<128x12288xf32, #tpu.memory_space<vmem>>, %arg3: memref<64x128x18432xf32, #tpu.memory_space<any>>, %arg4: memref<2x128x12288xf32, #tpu.memory_space<vmem>>) attributes {dimension_semantics = [#tpu.dimension_semantics<arbitrary>], iteration_bounds = array<i64: 32>, scalar_prefetch = 0 : i64, scratch_operands = 0 : i64, tpu.core_type = #tpu.core_type<tc>, window_params = [{transform_indices = @transform_0, window_bounds = array<i64: 2, 1, 128>}, {transform_indices = @transform_1, window_bounds = array<i64: 128, 12288>}, {}, {transform_indices = @transform_3, window_bounds = array<i64: 2, 128, 12288>}]} {
    %iota3A = tpu.iota {dimensions = array<i32: 0>} : vector<128x128xi32>
    %get3A = arith.constant 0 : index
    %get3A_0 = arith.constant 0 : index
    %get3A_1 = arith.constant 0 : index
    %get3A_2 = vector.load %arg1[%get3A, %get3A_0, %get3A_1] : memref<2x1x128xi32, #tpu.memory_space<vmem>>, vector<1x1x128xi32>
    %get3A_3 = vector.shape_cast %get3A_2 : vector<1x1x128xi32> to vector<128xi32>
    %broadcast_in_dim3A = vector.shape_cast %get3A_3 : vector<128xi32> to vector<1x128xi32>
    %eq3A = vector.broadcast %broadcast_in_dim3A : vector<1x128xi32> to vector<128x128xi32>
    %eq3A_4 = arith.cmpi eq, %eq3A, %iota3A : vector<128x128xi32>
    %convert_element_type3A = arith.extui %eq3A_4 : vector<128x128xi1> to vector<128x128xi32>
    %convert_element_type3A_5 = arith.sitofp %convert_element_type3A : vector<128x128xi32> to vector<128x128xf32>
    %get3A_6 = arith.constant 0 : index
    %get3A_7 = arith.constant 0 : index
    %get3A_8 = vector.load %arg2[%get3A_6, %get3A_7] : memref<128x12288xf32, #tpu.memory_space<vmem>>, vector<128x12288xf32>
    %dot_general3A = arith.constant dense<0.000000e+00> : vector<128x12288xf32>
    %dot_general3A_9 = tpu.matmul %convert_element_type3A_5, %get3A_8, %dot_general3A {dimension_numbers = #tpu.dot_dimension_numbers<[0], [0], [1], [1], [0, 1, 1, 1], [], []>, transpose_lhs_hint = false} : vector<128x128xf32>, vector<128x12288xf32>, vector<128x12288xf32> -> vector<128x12288xf32>
    %swap3A = arith.constant 0 : index
    %swap3A_10 = arith.constant 0 : index
    %swap3A_11 = arith.constant 0 : index
    %swap3A_12 = vector.load %arg4[%swap3A, %swap3A_10, %swap3A_11] : memref<2x128x12288xf32, #tpu.memory_space<vmem>>, vector<1x128x12288xf32>
    %swap3A_13 = vector.shape_cast %swap3A_12 : vector<1x128x12288xf32> to vector<128x12288xf32>
    %swap3A_14 = vector.shape_cast %dot_general3A_9 : vector<128x12288xf32> to vector<1x128x12288xf32>
    tpu.vector_store %arg4[%swap3A, %swap3A_10, %swap3A_11], %swap3A_14 {strides = array<i32>} : memref<2x128x12288xf32, #tpu.memory_space<vmem>>, vector<1x128x12288xf32>,
    %get3A_15 = arith.constant 1 : index
    %get3A_16 = arith.constant 0 : index
    %get3A_17 = arith.constant 0 : index
    %get3A_18 = vector.load %arg1[%get3A_15, %get3A_16, %get3A_17] : memref<2x1x128xi32, #tpu.memory_space<vmem>>, vector<1x1x128xi32>
    %get3A_19 = vector.shape_cast %get3A_18 : vector<1x1x128xi32> to vector<128xi32>
    %broadcast_in_dim3A_20 = vector.shape_cast %get3A_19 : vector<128xi32> to vector<1x128xi32>
    %eq3A_21 = vector.broadcast %broadcast_in_dim3A_20 : vector<1x128xi32> to vector<128x128xi32>
    %eq3A_22 = arith.cmpi eq, %eq3A_21, %iota3A : vector<128x128xi32>
    %convert_element_type3A_23 = arith.extui %eq3A_22 : vector<128x128xi1> to vector<128x128xi32>
    %convert_element_type3A_24 = arith.sitofp %convert_element_type3A_23 : vector<128x128xi32> to vector<128x128xf32>
    %get3A_25 = arith.constant 0 : index
    %get3A_26 = arith.constant 0 : index
    %get3A_27 = vector.load %arg2[%get3A_25, %get3A_26] : memref<128x12288xf32, #tpu.memory_space<vmem>>, vector<128x12288xf32>
    %dot_general3A_28 = arith.constant dense<0.000000e+00> : vector<128x12288xf32>
    %dot_general3A_29 = tpu.matmul %convert_element_type3A_24, %get3A_27, %dot_general3A_28 {dimension_numbers = #tpu.dot_dimension_numbers<[0], [0], [1], [1], [0, 1, 1, 1], [], []>, transpose_lhs_hint = false} : vector<128x128xf32>, vector<128x12288xf32>, vector<128x12288xf32> -> vector<128x12288xf32>
    %swap3A_30 = arith.constant 1 : index
    %swap3A_31 = arith.constant 0 : index
    %swap3A_32 = arith.constant 0 : index
    %swap3A_33 = vector.load %arg4[%swap3A_30, %swap3A_31, %swap3A_32] : memref<2x128x12288xf32, #tpu.memory_space<vmem>>, vector<1x128x12288xf32>
    %swap3A_34 = vector.shape_cast %swap3A_33 : vector<1x128x12288xf32> to vector<128x12288xf32>
    %swap3A_35 = vector.shape_cast %dot_general3A_29 : vector<128x12288xf32> to vector<1x128x12288xf32>
    tpu.vector_store %arg4[%swap3A_30, %swap3A_31, %swap3A_32], %swap3A_35 {strides = array<i32>} : memref<2x128x12288xf32, #tpu.memory_space<vmem>>, vector<1x128x12288xf32>,
    return
  }
  func.func @transform_0(%arg0: i32) -> (i32, i32, i32) {
    %c0_i32 = arith.constant 0 : i32
    %c0_i32_0 = arith.constant 0 : i32
    %c0_i32_1 = arith.constant 0 : i32
    return %arg0, %c0_i32, %c0_i32_0 : i32, i32, i32
  }
  func.func @transform_1(%arg0: i32) -> (i32, i32) {
    %c0_i32 = arith.constant 0 : i32
    %c0_i32_0 = arith.constant 0 : i32
    %c0_i32_1 = arith.constant 0 : i32
    return %c0_i32, %c0_i32_0 : i32, i32
  }
  func.func @transform_3(%arg0: i32) -> (i32, i32, i32) {
    %c0_i32 = arith.constant 0 : i32
    %c0_i32_0 = arith.constant 0 : i32
    %c0_i32_1 = arith.constant 0 : i32
    return %arg0, %c0_i32, %c0_i32_0 : i32, i32, i32
  }
}

</mosaic_0001>

<sc_bundles>
// kernel: _gather.4.cloned.1.call-start
scs
__scs_entry_jumppad:
0x0: {  	(pc) =	sbr.rel $0x88, $3  }
0x1: {  	(tag) =	ssettag $0x0;
	lr =	simm.s32 $0x1  }
0x2: {  	[smem:$0x3F9F] =	sst lr;
	_ =	strace $0xD0000000  }
0x3: {  	_ = 	snop  }
0x4: {  	_ = 	snop  }
0x5: {  	_ = 	snop  }
0x6: {  	_ = 	snop  }
0x7: {  	_ = 	snop  }
__scs_overlays_trampoline_lowered:
0x8: {  	[smem:$0x3FAE] =	sst s0  }
0x9: {  	[smem:$0x3FAF] =	sst s1  }
0xa: {  	[smem:$0x3FB0] =	sst s2  }
0xb: {  	[smem:$0x3FB1] =	sst s3  }
0xc: {  	[smem:$0x3FB2] =	sst s4  }
0xd: {  	[smem:$0x3FB3] =	sst s5  }
0xe: {  	[smem:$0x3FB4] =	sst s6  }
0xf: {  	[smem:$0x3FB5] =	sst s7  }
0x10: {  	[smem:$0x3FB6] =	sst s8  }
0x11: {  	[smem:$0x3FB7] =	sst s9;
	s0 =	simm.s32 @!p0 $0x0  }
0x12: {  	s1 =	sld [smem:$0x3F9D];
	s0 =	simm.s32 @p0 $0x1  }
0x13: {  	[smem:$0x3FB8] =	sst s0;
	s0 =	simm.s32 @!p1 $0x0  }
0x14: {  	s2 =	sld [smem:$0x3F9C];
	s0 =	simm.s32 @p1 $0x1  }
0x15: {  	[smem:$0x3FB9] =	sst s0;
	s0 =	simm.s32 @!p2 $0x0  }
0x16: {  	s3 =	sld [smem:$0x3FDB];
	s0 =	simm.s32 @p2 $0x1  }
0x17: {  	s4 =	simm.s32 $0x1BF5;
	[smem:$0x3FBB] =	sst s0  }
0x18: {  	s0 =	sld [smem:$0x3F9E];
	_ =	swait.ge [sflag:s4], $0x0  }
0x19: {  	s7 =	sld [smem:$0x3F9F]  }
0x1a: {  	s8 =	sadd.s32 $0xFFFFE003, lr  }
0x1b: {  	s9 =	sadd.s32 $0xFFFFFEF7, lr;
	s5 =	simm.s32 $0xFFFFFFFF;
	p2 =	slt.u32 s8, $0xFFFFF086  }
0x1c: {  	p1 =	slt.u32 s9, $0xF7A;
	s5 =	simm.s32 @!p2 $0x0  }
0x1d: {  	s5 =	simm.s32 @p1 $0x1;
	p0 =	seq.s32 s7, s2  }
0x1e: {  	s7 =	smul.u32 @!p0 $0xF7A, s2;
	p2 =	seq.s32 @!p0 s5, $0x0  }
0x1f: {  	s9 =	smul.u32 $0xF7A, s1;
	s8 =	simm.s32 @!p0 $0x1BF5;
	p2 =	por !p2, p0  }
0x20: {  	[sflag:s8] =	ssyncset.s32 @!p0 $0xFFFFF086;
	s6 =	sadd.s32 @!p0 s3, s7;
	s7 =	simm.s32 @!p0 $0x108  }
0x21: {  	s3 =	sadd.s32 s3, s9;
	s6 =	sadd.s32 @!p0 $0x88, s6;
	s7 =	simm.s32 @p2 $0x1082  }
0x22: {  	[simem:s7], [sflag:s8] =	dma.local @!p0 [hbm:s6], $0xF7A  }
0x23: {  	s9 =	sor.u32 $0xD0000000, s2;
	s6 =	simm.s32 $0x108;
	_ =	swait.ge @!p0 [sflag:s8], $0x0  }
0x24: {  	s3 =	sadd.s32 $0x88, s3;
	s6 =	simm.s32 @!p1 $0x1082;
	[sflag:s4] =	ssyncset.s32 $0xFFFFF086  }
0x25: {  	[simem:s6], [sflag:s4] =	dma.local [hbm:s3], $0xF7A  }
0x26: {  	[smem:$0x3F9F] =	sst s1;
	(tag) =	ssettag s2;
	_ =	strace s9  }
0x27: {  	s1 =	sld [smem:$0x3FAF]  }
0x28: {  	s2 =	sld [smem:$0x3FB0]  }
0x29: {  	s4 =	sld [smem:$0x3FB2]  }
0x2a: {  	p0 =	seq.s32 s5, $0x0;
	s5 =	sld [smem:$0x3FB3]  }
0x2b: {  	s6 =	sld [smem:$0x3FB4]  }
0x2c: {  	s7 =	sld [smem:$0x3FB5]  }
0x2d: {  	s3 =	simm.s32 $0x108;
	s8 =	sld [smem:$0x3FB6]  }
0x2e: {  	s3 =	simm.s32 @!p0 $0x1082;
	s9 =	sld [smem:$0x3FB7]  }
0x2f: {  	lr =	sadd.s32 s0, s3;
	s0 =	sld [smem:$0x3FAE]  }
0x30: {  	s3 =	sld [smem:$0x3FB1]  }
0x31: {  	[smem:$0x3FBA] =	sst s10  }
0x32: {  	s10 =	sld [smem:$0x3FB8];
	_ =	sdelay $0x3  }
0x33: {  	p0 =	seq.s32 s10, $0x1;
	s10 =	sld [smem:$0x3FBA];
	_ =	sdelay $0x3  }
0x34: {  	[smem:$0x3FBA] =	sst s10  }
0x35: {  	s10 =	sld [smem:$0x3FB9];
	_ =	sdelay $0x3  }
0x36: {  	p1 =	seq.s32 s10, $0x1;
	s10 =	sld [smem:$0x3FBA];
	_ =	sdelay $0x3  }
0x37: {  	[smem:$0x3FBA] =	sst s10  }
0x38: {  	s10 =	sld [smem:$0x3FBB]  }
0x39: {  	_ = 	snop;
	(pc) =	sbr.ind lr, $3  }
0x3a: {  	_ = 	snop  }
0x3b: {  	_ = 	snop  }
0x3c: {  	p2 =	seq.s32 s10, $0x1;
	s10 =	sld [smem:$0x3FBA]  }
0x3d: {  	_ =	shalt  }
0x3e: {  	_ =	shalt  }
0x3f: {  	_ =	shalt  }
0x40: {  	_ =	shalt  }
0x41: {  	_ =	shalt  }
0x42: {  	_ =	shalt  }
0x43: {  	_ =	shalt  }
0x44: {  	_ =	shalt  }
0x45: {  	_ =	shalt  }
0x46: {  	_ =	shalt  }
0x47: {  	_ =	shalt  }
0x48: {  	_ =	shalt  }
0x49: {  	_ =	shalt  }
0x4a: {  	_ =	shalt  }
0x4b: {  	_ =	shalt  }
0x4c: {  	_ =	shalt  }
0x4d: {  	_ =	shalt  }
0x4e: {  	_ =	shalt  }
0x4f: {  	_ =	shalt  }
0x50: {  	_ =	shalt  }
0x51: {  	_ =	shalt  }
0x52: {  	_ =	shalt  }
0x53: {  	_ =	shalt  }
0x54: {  	_ =	shalt  }
0x55: {  	_ =	shalt  }
0x56: {  	_ =	shalt  }
0x57: {  	_ =	shalt  }
0x58: {  	_ =	shalt  }
0x59: {  	_ =	shalt  }
0x5a: {  	_ =	shalt  }
0x5b: {  	_ =	shalt  }
0x5c: {  	_ =	shalt  }
0x5d: {  	_ =	shalt  }
0x5e: {  	_ =	shalt  }
0x5f: {  	_ =	shalt  }
0x60: {  	_ =	shalt  }
0x61: {  	_ =	shalt  }
0x62: {  	_ =	shalt  }
0x63: {  	_ =	shalt  }
0x64: {  	_ =	shalt  }
0x65: {  	_ =	shalt  }
0x66: {  	_ =	shalt  }
0x67: {  	_ =	shalt  }
0x68: {  	_ =	shalt  }
0x69: {  	_ =	shalt  }
0x6a: {  	_ =	shalt  }
0x6b: {  	_ =	shalt  }
0x6c: {  	_ =	shalt  }
0x6d: {  	_ =	shalt  }
0x6e: {  	_ =	shalt  }
0x6f: {  	_ =	shalt  }
0x70: {  	_ =	shalt  }
0x71: {  	_ =	shalt  }
0x72: {  	_ =	shalt  }
0x73: {  	_ =	shalt  }
0x74: {  	_ =	shalt  }
0x75: {  	_ =	shalt  }
0x76: {  	_ =	shalt  }
0x77: {  	_ =	shalt  }
0x78: {  	_ =	shalt  }
0x79: {  	_ =	shalt  }
0x7a: {  	_ =	shalt  }
0x7b: {  	_ =	shalt  }
0x7c: {  	_ =	shalt  }
0x7d: {  	_ =	shalt  }
0x7e: {  	_ =	shalt  }
0x7f: {  	_ =	shalt  }
0x80: {  	_ =	shalt  }
0x81: {  	_ =	shalt  }
0x82: {  	_ =	shalt  }
0x83: {  	_ =	shalt  }
0x84: {  	_ =	shalt  }
0x85: {  	_ =	shalt  }
0x86: {  	_ =	shalt  }
0x87: {  	_ =	shalt  }
.Lfunc_end0:
.L_simem_size_0:
called_computation_lowered:
.L_overlay_start_0:
0x88: {  	s2 =	sld [smem:$0x3FD9]  }
0x89: {  	s3 =	sld [smem:$0x3FFE];
	_ =	sdelay $0x1  }
0x8a: {  	s1 =	srdreg.scid  }
0x8b: {  	s0 =	sand.u32 $0x1, s1  }
0x8c: {  	s18 =	sshll.u32 s0, $0xA;
	s2 =	sadd.s32 s3, s2  }
0x8d: {  	s2 =	sadd.s32 s2, s18  }
0x8e: {  	[smem:$0x3FC6] =	sst s2  }
0x8f: {  	_ = 	snop  }
0x90: {  	s2 =	sld [smem:$0x3FC9]  }
0x91: {  	s19 =	sld [smem:$0x3FC8]  }
0x92: {  	s4 =	sld [smem:$0x3FD0];
	(tm) =	ssettm $0x1  }
0x93: {  	s5 =	sld [smem:$0x3FFB];
	_ =	sdelay $0x3  }
0x94: {  	_ =	strace s5  }
0x95: {  	s5 =	sld [smem:$0x3FFC];
	_ =	sdelay $0x3  }
0x96: {  	_ =	strace s5  }
0x97: {  	s5 =	sld [smem:$0x3FFD];
	_ =	sdelay $0x3  }
0x98: {  	_ =	strace s5  }
0x99: {  	_ =	strace $0x8FFFFFFF  }
0x9a: {  	s20 =	sld [smem:$0x3FDB];
	_ =	sdelay $0x1  }
0x9b: {  	s6 =	simm.s32 $_scs_section_size  }
0x9c: {  	s7 =	simm.s32 $_size__tile_overlayer_lowered;
	s8 =	simm.s32 $_tile_overlayer_lowered  }
0x9d: {  	s23 =	simm.s32 $0x1BFF;
	s22 =	sshll.u32 s8, $0x1;
	s5 =	sadd.s32 s6, s20  }
0x9e: {  	s9 =	simm.s32 $0x0;
	s21 =	sshll.u32 s7, $0x1;
	s7 =	sadd.s32 s22, s5  }
0x9f: {  	[timem:s9], [sflag:s23] =	dma.local [hbm:s7], s21  }
0xa0: {  	_ =	swait.ge [sflag:s23], s21  }
0xa1: {  	s6 =	ssub.s32 $0x0, s21;
	[sflag:s23] =	ssyncset.done $0x0  }
0xa2: {  	[sflag:s23] =	ssyncadd.s32 s6;
	_ =	sdelay $0x1  }
0xa3: {  	s24 =	simm.s32 $0x1B8B  }
0xa4: {  	_ =	swait.ge [sflag:s24], $0x1  }
0xa5: {  	[sflag:s24] =	ssyncset.done $0x0  }
0xa6: {  	s25 =	simm.s32 $0x1B8E;
	[sflag:s24] =	ssyncadd.s32 $0xFFFFFFFF  }
0xa7: {  	s26 =	simm.s32 $execute0_lowered;
	[smem:$0x3FD2] =	sst s25  }
0xa8: {  	s6 =	sshll.u32 s26, $0x1;
	_ =	strace $0x80000046;
	[dreg:$0x1] =	wrdreg $0xFFFFFFFF  }
0xa9: {  	s28 =	simm.s32 $_size_execute0_lowered;
	s5 =	sadd.s32 s5, s6;
	[dreg:$0x0] =	wrdreg $0x0  }
0xaa: {  	s6 =	sshll.u32 s28, $0x1;
	[dreg:$0x2] =	wrdreg s5  }
0xab: {  	[dreg:$0x3] =	wrdreg s6  }
0xac: {  	[dreg:$0x4] =	wrdreg $0xC0  }
0xad: {  	_ =	task [dreg:s9], $0x5FFFF  }
0xae: {  	[dreg:$0x1] =	wrdreg $0xFFFFFFFF  }
0xaf: {  	[dreg:$0x0] =	wrdreg $0x60  }
0xb0: {  	[dreg:$0x2] =	wrdreg s19  }
0xb1: {  	[dreg:$0x3] =	wrdreg s2  }
0xb2: {  	[dreg:$0x4] =	wrdreg s4  }
0xb3: {  	[dreg:$0x5] =	wrdreg $0x0  }
0xb4: {  	[dreg:$0x6] =	wrdreg $0x9  }
0xb5: {  	_ =	task.clear_ibuf [dreg:s9], $0x7FFFF;
	_ =	strace $0x90000046  }
0xb6: {  	s29 =	simm.s32 $0x9;
	_ =	strace $0x80000048  }
0xb7: {  	_ =	swait.ge [sflag:s29], $0x1  }
0xb8: {  	[sflag:s29] =	ssyncadd.s32 $0xFFFFFFFF  }
0xb9: {  	_ =	strace $0x90000048  }
0xba: {  	_ =	sfence  }
0xbb: {  	s30 =	sld [smem:$0x0];
	_ =	sdelay $0x2  }
0xbc: {  	s31 =	sshll.u32 s1, $0xD;
	s1 =	sshrl.u32 s1, $0x2  }
0xbd: {  	s3 =	sand.u32 $0x4000, s31;
	s1 =	sadd.s32 s1, s30  }
0xbe: {  	s0 =	sor.u32 s3, s0;
	s1 =	sshll.u32 s1, $0x11  }
0xbf: {  	s0 =	sor.u32 s1, s0  }
0xc0: {  	s0 =	sadd.s32 $0x8F2B, s0  }
0xc1: {  	[sflag:s0] =	ssyncadd.remote.s32 $0x1  }
0xc2: {  	_ =	sfence.sel $0xFFFF  }
0xc3: {  	[dreg:$0x0] =	wrdreg $0xFFFFFFFF;
	(pc) =	sbr.abs _section_cstart, $3  }
0xc4: {  	[dreg:$0x1] =	wrdreg $0xFFFFFFFF  }
0xc5: {  	_ =	task.clear_ibuf [dreg:s9], $0x2FFFF;
	_ =	strace $0x9FFFFFFF  }
0xc6: {  	(tm) =	ssettm $0x7FFFFFFF  }
0xc7: {  	_ =	shalt  }
tec
execute0_lowered:
.L_overlay_start_1:
0x0: {  	(tag) =	ssettag $0x1  }
0x1: {  	s0 =	rddreg [dreg:$0x0]  }
0x2: {  	s8 =	rddreg [dreg:$0x1]  }
0x3: {  	s7 =	rddreg [dreg:$0x2]  }
0x4: {  	s1 =	srdreg.scid;
	s16 =	stileid.u32  }
0x5: {  	s2 =	rddreg [dreg:$0x3];
	s4 =	smul.u32 $0x24000, s16  }
0x6: {  	s5 =	simm.s32 $0x0;
	s1 =	sand.u32 $0x1, s1;
	s18 =	smul.u32 $0x900000, s16  }
0x7: {  	[smem:$0x7FF] =	sst s5;
	s3 =	smul.u32 $0x6000, s1  }
0x8: {  	s12 =	sadd.s32 $0x50, s7;
	s13 =	sadd.s32 $0x60, s7;
	s1 =	ssub.s32 $0x2, s1  }
0x9: {  	_ =	strace $0x80000047;
	s9 =	sshrl.u32 s1, $0x1;
	s6 =	sor.u32 $0x18000, s3  }
0xa: {  	s9 =	ssub.s32 s1, s9;
	s1 =	sadd.s32 $0x20, s7;
	s4 =	sadd.s32 s4, s6  }
0xb: {  	s5 =	sor.u32 s3, s18;
	s6 =	sor.u32 s18, s6;
	s4 =	sshrl.u32 s4, $0x3  }
0xc: {  	s24 =	sadd.s32 $0x114000, s5;
	s10 =	sshrl.u32 s6, $0x3;
	s0 =	sadd.s32 s0, s4  }
0xd: {  	s14 =	sor.u32 $0xF0000, s5;
	s19 =	sadd.s32 s7, s10;
	[dreg:$0x9] =	wrdreg s0  }
0xe: {  	s15 =	sadd.s32 $0xCC000, s5;
	s20 =	sadd.s32 s10, s1;
	[dreg:$0xa] =	wrdreg s19  }
0xf: {  	s3 =	sshrl.u32 s24, $0x3;
	s23 =	sadd.s32 s10, s12;
	[dreg:$0xc] =	wrdreg s20  }
0x10: {  	s14 =	sshrl.u32 s14, $0x3;
	s3 =	sadd.s32 s3, s7;
	[dreg:$0xf] =	wrdreg s23  }
0x11: {  	s26 =	sshrl.u32 s15, $0x3;
	s17 =	sadd.s32 s10, s13;
	[dreg:$0x8] =	wrdreg s3  }
0x12: {  	s4 =	sadd.s32 $0x30, s7;
	s25 =	sadd.s32 s14, s7;
	[dreg:$0x10] =	wrdreg s17  }
0x13: {  	s18 =	sadd.s32 s26, s7;
	s0 =	sadd.s32 $0x10, s7;
	[dreg:$0x7] =	wrdreg s25  }
0x14: {  	s21 =	sadd.s32 s10, s4;
	[dreg:$0x6] =	wrdreg s18;
	s19 =	sadd.s32 $0x24000, s6  }
0x15: {  	s11 =	sadd.s32 s10, s0;
	[dreg:$0xd] =	wrdreg s21;
	s3 =	sshrl.u32 s19, $0x3  }
0x16: {  	s9 =	smax.u32 s9, $0x1;
	[dreg:$0xb] =	wrdreg s11;
	s21 =	sadd.s32 s7, s3  }
0x17: {  	s15 =	simm.s32 $0x2;
	s23 =	sadd.s32 s3, s1;
	[dreg:$0x12] =	wrdreg s21  }
0x18: {  	s14 =	sadd.s32 $0x70, s7;
	s24 =	sadd.s32 s3, s4;
	[dreg:$0x14] =	wrdreg s23  }
0x19: {  	s20 =	sadd.s32 $0x48000, s6;
	s26 =	sadd.s32 s3, s12;
	[dreg:$0x15] =	wrdreg s24  }
0x1a: {  	s11 =	sadd.s32 $0x40, s7;
	s17 =	sadd.s32 s3, s13;
	[dreg:$0x17] =	wrdreg s26  }
0x1b: {  	s6 =	sadd.s32 $0x6C000, s6;
	s22 =	sadd.s32 s10, s11;
	[dreg:$0x18] =	wrdreg s17  }
0x1c: {  	s6 =	sshrl.u32 s6, $0x3;
	s10 =	sadd.s32 s10, s14;
	[dreg:$0xe] =	wrdreg s22  }
0x1d: {  	s30 =	sadd.s32 s6, s0;
	s25 =	sadd.s32 s3, s11;
	[dreg:$0x11] =	wrdreg s10  }
0x1e: {  	s31 =	sadd.s32 s6, s1;
	s22 =	sadd.s32 s3, s0;
	[dreg:$0x16] =	wrdreg s25  }
0x1f: {  	s21 =	sor.u32 $0xA8000, s5;
	s3 =	sadd.s32 s3, s14;
	[dreg:$0x13] =	wrdreg s22  }
0x20: {  	s5 =	sadd.s32 s6, s14;
	s10 =	sshrl.u32 s20, $0x3;
	[dreg:$0x19] =	wrdreg s3  }
0x21: {  	s18 =	sadd.s32 s7, s10;
	s19 =	sadd.s32 s10, s0;
	s20 =	sadd.s32 s10, s1  }
0x22: {  	s24 =	sadd.s32 s10, s4;
	s25 =	sadd.s32 s10, s11;
	s26 =	sadd.s32 s10, s12  }
0x23: {  	s28 =	sadd.s32 s10, s13;
	s29 =	sadd.s32 s10, s14;
	s0 =	sadd.s32 s6, s4  }
0x24: {  	s1 =	sadd.s32 s6, s11;
	s3 =	sadd.s32 s6, s12;
	s4 =	sadd.s32 s6, s13  }
0x25: {  	s22 =	smul.u32 $0x18000, s16;
	s6 =	sadd.s32 s7, s6;
	[dreg:$0x1a] =	wrdreg s18  }
0x26: {  	s10 =	sshrl.u32 s21, $0x3;
	s12 =	simm.s32 $0x3;
	[dreg:$0x1b] =	wrdreg s19  }
0x27: {  	s13 =	simm.s32 $0x1;
	s14 =	simm.s32 $0x80;
	[dreg:$0x1c] =	wrdreg s20  }
0x28: {  	s10 =	sadd.s32 s10, s7;
	s7 =	sshll.u32 s16, $0x6;
	s11 =	sshrl.u32 s22, $0x2  }
0x29: {  	s16 =	simm.s32 $0x0;
	[dreg:$0x5] =	wrdreg s10;
	s23 =	sadd.s32 s11, s2  }
0x2a: {  	s8 =	sadd.s32 s8, s7;
	s11 =	sor.u32 $0x1C03, s7;
	s10 =	sshrl.u32 s23, $0x3  }
.LBB2_1:
0x2b: {  	s17 =	rddreg [dreg:$0x9]  }
0x2c: {  	[spmem:s10], [sflag:s11] =	dma.local [hbm:s17], $0xC00  }
0x2d: {  	_ =	swait.ge [sflag:s12], $0xC00  }
0x2e: {  	[sflag:s12] =	ssyncset.done $0x0  }
0x2f: {  	s20 =	simm.s32 $0x0;
	s18 =	simm.s32 $0x6000;
	[sflag:s12] =	ssyncadd.s32 $0xFFFFF400  }
0x30: {  	[tilespmem:s18], [sflag:$0x3] =	stream.linear.gather [hbm4b:s8+s20], $0x200, $0x38;
	[tilespmem:$0x6200] =	vst v63  }
0x31: {  	_ =	swait.ge [sflag:s12], $0x200  }
0x32: {  	[sflag:s12] =	ssyncset.done $0x0  }
0x33: {  	[sflag:s12] =	ssyncadd.s32 $0xFFFFFE00  }
0x34: {  	[bflag:$0x0] =	sbarrier.arrive $0xFFFF  }
0x35: {  	v0 =	vld [tilespmem:$0x6000];
	_ =	sdelay $0x4  }
0x36: {  	(v2sf) =	vpush v0, $0x0;
	_ =	sdelay $0xe  }
0x37: {  	s21 =	spop (v2sf)  }
0x38: {  	s22 =	sshrl.u32 s21, $0x3  }
0x39: {  	s18 =	smul.u32 $0x18000, s22;
	_ =	sdelay $0x1  }
0x3a: {  	s17 =	sshll.u32 s21, $0x7;
	s18 =	sshra.s32 s18, $0x2  }
0x3b: {  	s17 =	sand.u32 $0x380, s17;
	s18 =	sadd.s32 s18, s2  }
0x3c: {  	s18 =	sadd.s32 s17, s18  }
0x3d: {  	s19 =	rddreg [dreg:$0xa];
	s17 =	sor.u32 $0x1C01, s7;
	s18 =	sshrl.u32 s18, $0x3  }
0x3e: {  	[hbm:s19@s14], [sflag:s17] =	dma.strided [spmem:s18@s14], $0x180, s13, $0x10   }
0x3f: {  	(v2sf) =	vpush v0, $0x1;
	_ =	sdelay $0xe  }
0x40: {  	s18 =	spop (v2sf)  }
0x41: {  	s23 =	sshrl.u32 s18, $0x3  }
0x42: {  	s19 =	smul.u32 $0x18000, s23;
	_ =	sdelay $0x1  }
0x43: {  	s18 =	sshll.u32 s18, $0x7;
	s19 =	sshra.s32 s19, $0x2  }
0x44: {  	s18 =	sand.u32 $0x380, s18;
	s19 =	sadd.s32 s19, s2  }
0x45: {  	s18 =	sadd.s32 s18, s19  }
0x46: {  	s20 =	rddreg [dreg:$0xb];
	s18 =	sshrl.u32 s18, $0x3  }
0x47: {  	[hbm:s20@s14], [sflag:s17] =	dma.strided [spmem:s18@s14], $0x180, s13, $0x10   }
0x48: {  	(v2sf) =	vpush v0, $0x2;
	_ =	sdelay $0xe  }
0x49: {  	s18 =	spop (v2sf)  }
0x4a: {  	s21 =	sshrl.u32 s18, $0x3  }
0x4b: {  	s19 =	smul.u32 $0x18000, s21;
	_ =	sdelay $0x1  }
0x4c: {  	s18 =	sshll.u32 s18, $0x7;
	s19 =	sshra.s32 s19, $0x2  }
0x4d: {  	s18 =	sand.u32 $0x380, s18;
	s19 =	sadd.s32 s19, s2  }
0x4e: {  	s18 =	sadd.s32 s18, s19  }
0x4f: {  	s22 =	rddreg [dreg:$0xc];
	s18 =	sshrl.u32 s18, $0x3  }
0x50: {  	[hbm:s22@s14], [sflag:s17] =	dma.strided [spmem:s18@s14], $0x180, s13, $0x10   }
0x51: {  	(v2sf) =	vpush v0, $0x3;
	_ =	sdelay $0xe  }
0x52: {  	s18 =	spop (v2sf)  }
0x53: {  	s23 =	sshrl.u32 s18, $0x3  }
0x54: {  	s19 =	smul.u32 $0x18000, s23;
	_ =	sdelay $0x1  }
0x55: {  	s18 =	sshll.u32 s18, $0x7;
	s19 =	sshra.s32 s19, $0x2  }
0x56: {  	s18 =	sand.u32 $0x380, s18;
	s19 =	sadd.s32 s19, s2  }
0x57: {  	s18 =	sadd.s32 s18, s19  }
0x58: {  	s20 =	rddreg [dreg:$0xd];
	s18 =	sshrl.u32 s18, $0x3  }
0x59: {  	[hbm:s20@s14], [sflag:s17] =	dma.strided [spmem:s18@s14], $0x180, s13, $0x10   }
0x5a: {  	(v2sf) =	vpush v0, $0x4;
	_ =	sdelay $0xe  }
0x5b: {  	s18 =	spop (v2sf)  }
0x5c: {  	s21 =	sshrl.u32 s18, $0x3  }
0x5d: {  	s19 =	smul.u32 $0x18000, s21;
	_ =	sdelay $0x1  }
0x5e: {  	s18 =	sshll.u32 s18, $0x7;
	s19 =	sshra.s32 s19, $0x2  }
0x5f: {  	s18 =	sand.u32 $0x380, s18;
	s19 =	sadd.s32 s19, s2  }
0x60: {  	s18 =	sadd.s32 s18, s19  }
0x61: {  	s22 =	rddreg [dreg:$0xe];
	s18 =	sshrl.u32 s18, $0x3  }
0x62: {  	[hbm:s22@s14], [sflag:s17] =	dma.strided [spmem:s18@s14], $0x180, s13, $0x10   }
0x63: {  	(v2sf) =	vpush v0, $0x5;
	_ =	sdelay $0xe  }
0x64: {  	s18 =	spop (v2sf)  }
0x65: {  	s23 =	sshrl.u32 s18, $0x3  }
0x66: {  	s19 =	smul.u32 $0x18000, s23;
	_ =	sdelay $0x1  }
0x67: {  	s18 =	sshll.u32 s18, $0x7;
	s19 =	sshra.s32 s19, $0x2  }
0x68: {  	s18 =	sand.u32 $0x380, s18;
	s19 =	sadd.s32 s19, s2  }
0x69: {  	s18 =	sadd.s32 s18, s19  }
0x6a: {  	s20 =	rddreg [dreg:$0xf];
	s18 =	sshrl.u32 s18, $0x3  }
0x6b: {  	[hbm:s20@s14], [sflag:s17] =	dma.strided [spmem:s18@s14], $0x180, s13, $0x10   }
0x6c: {  	(v2sf) =	vpush v0, $0x6;
	_ =	sdelay $0xe  }
0x6d: {  	s18 =	spop (v2sf)  }
0x6e: {  	s21 =	sshrl.u32 s18, $0x3  }
0x6f: {  	s19 =	smul.u32 $0x18000, s21;
	_ =	sdelay $0x1  }
0x70: {  	s18 =	sshll.u32 s18, $0x7;
	s19 =	sshra.s32 s19, $0x2  }
0x71: {  	s18 =	sand.u32 $0x380, s18;
	s19 =	sadd.s32 s19, s2  }
0x72: {  	s18 =	sadd.s32 s18, s19  }
0x73: {  	s22 =	rddreg [dreg:$0x10];
	s18 =	sshrl.u32 s18, $0x3  }
0x74: {  	[hbm:s22@s14], [sflag:s17] =	dma.strided [spmem:s18@s14], $0x180, s13, $0x10   }
0x75: {  	(v2sf) =	vpush v0, $0x7;
	_ =	sdelay $0xe  }
0x76: {  	s18 =	spop (v2sf)  }
0x77: {  	s23 =	sshrl.u32 s18, $0x3  }
0x78: {  	s19 =	smul.u32 $0x18000, s23;
	_ =	sdelay $0x1  }
0x79: {  	s18 =	sshll.u32 s18, $0x7;
	s19 =	sshra.s32 s19, $0x2  }
0x7a: {  	s18 =	sand.u32 $0x380, s18;
	s19 =	sadd.s32 s19, s2  }
0x7b: {  	s18 =	sadd.s32 s18, s19  }
0x7c: {  	s20 =	rddreg [dreg:$0x11];
	s18 =	sshrl.u32 s18, $0x3  }
0x7d: {  	[hbm:s20@s14], [sflag:s17] =	dma.strided [spmem:s18@s14], $0x180, s13, $0x10   }
0x7e: {  	(v2sf) =	vpush v0, $0x8;
	_ =	sdelay $0xe  }
0x7f: {  	s18 =	spop (v2sf)  }
0x80: {  	s21 =	sshrl.u32 s18, $0x3  }
0x81: {  	s19 =	smul.u32 $0x18000, s21;
	_ =	sdelay $0x1  }
0x82: {  	s18 =	sshll.u32 s18, $0x7;
	s19 =	sshra.s32 s19, $0x2  }
0x83: {  	s18 =	sand.u32 $0x380, s18;
	s19 =	sadd.s32 s19, s2  }
0x84: {  	s18 =	sadd.s32 s18, s19  }
0x85: {  	s22 =	rddreg [dreg:$0x12];
	s18 =	sshrl.u32 s18, $0x3  }
0x86: {  	[hbm:s22@s14], [sflag:s17] =	dma.strided [spmem:s18@s14], $0x180, s13, $0x10   }
0x87: {  	(v2sf) =	vpush v0, $0x9;
	_ =	sdelay $0xe  }
0x88: {  	s18 =	spop (v2sf)  }
0x89: {  	s23 =	sshrl.u32 s18, $0x3  }
0x8a: {  	s19 =	smul.u32 $0x18000, s23;
	_ =	sdelay $0x1  }
0x8b: {  	s18 =	sshll.u32 s18, $0x7;
	s19 =	sshra.s32 s19, $0x2  }
0x8c: {  	s18 =	sand.u32 $0x380, s18;
	s19 =	sadd.s32 s19, s2  }
0x8d: {  	s18 =	sadd.s32 s18, s19  }
0x8e: {  	s20 =	rddreg [dreg:$0x13];
	s18 =	sshrl.u32 s18, $0x3  }
0x8f: {  	[hbm:s20@s14], [sflag:s17] =	dma.strided [spmem:s18@s14], $0x180, s13, $0x10   }
0x90: {  	(v2sf) =	vpush v0, $0xA;
	_ =	sdelay $0xe  }
0x91: {  	s18 =	spop (v2sf)  }
0x92: {  	s21 =	sshrl.u32 s18, $0x3  }
0x93: {  	s19 =	smul.u32 $0x18000, s21;
	_ =	sdelay $0x1  }
0x94: {  	s18 =	sshll.u32 s18, $0x7;
	s19 =	sshra.s32 s19, $0x2  }
0x95: {  	s18 =	sand.u32 $0x380, s18;
	s19 =	sadd.s32 s19, s2  }
0x96: {  	s18 =	sadd.s32 s18, s19  }
0x97: {  	s22 =	rddreg [dreg:$0x14];
	s18 =	sshrl.u32 s18, $0x3  }
0x98: {  	[hbm:s22@s14], [sflag:s17] =	dma.strided [spmem:s18@s14], $0x180, s13, $0x10   }
0x99: {  	(v2sf) =	vpush v0, $0xB;
	_ =	sdelay $0xe  }
0x9a: {  	s18 =	spop (v2sf)  }
0x9b: {  	s23 =	sshrl.u32 s18, $0x3  }
0x9c: {  	s19 =	smul.u32 $0x18000, s23;
	_ =	sdelay $0x1  }
0x9d: {  	s18 =	sshll.u32 s18, $0x7;
	s19 =	sshra.s32 s19, $0x2  }
0x9e: {  	s18 =	sand.u32 $0x380, s18;
	s19 =	sadd.s32 s19, s2  }
0x9f: {  	s18 =	sadd.s32 s18, s19  }
0xa0: {  	s20 =	rddreg [dreg:$0x15];
	s18 =	sshrl.u32 s18, $0x3  }
0xa1: {  	[hbm:s20@s14], [sflag:s17] =	dma.strided [spmem:s18@s14], $0x180, s13, $0x10   }
0xa2: {  	(v2sf) =	vpush v0, $0xC;
	_ =	sdelay $0xe  }
0xa3: {  	s18 =	spop (v2sf)  }
0xa4: {  	s21 =	sshrl.u32 s18, $0x3  }
0xa5: {  	s19 =	smul.u32 $0x18000, s21;
	_ =	sdelay $0x1  }
0xa6: {  	s18 =	sshll.u32 s18, $0x7;
	s19 =	sshra.s32 s19, $0x2  }
0xa7: {  	s18 =	sand.u32 $0x380, s18;
	s19 =	sadd.s32 s19, s2  }
0xa8: {  	s18 =	sadd.s32 s18, s19  }
0xa9: {  	s22 =	rddreg [dreg:$0x16];
	s18 =	sshrl.u32 s18, $0x3  }
0xaa: {  	[hbm:s22@s14], [sflag:s17] =	dma.strided [spmem:s18@s14], $0x180, s13, $0x10   }
0xab: {  	(v2sf) =	vpush v0, $0xD;
	_ =	sdelay $0xe  }
0xac: {  	s18 =	spop (v2sf)  }
0xad: {  	s23 =	sshrl.u32 s18, $0x3  }
0xae: {  	s19 =	smul.u32 $0x18000, s23;
	_ =	sdelay $0x1  }
0xaf: {  	s18 =	sshll.u32 s18, $0x7;
	s19 =	sshra.s32 s19, $0x2  }
0xb0: {  	s18 =	sand.u32 $0x380, s18;
	s19 =	sadd.s32 s19, s2  }
0xb1: {  	s18 =	sadd.s32 s18, s19  }
0xb2: {  	s20 =	rddreg [dreg:$0x17];
	s18 =	sshrl.u32 s18, $0x3  }
0xb3: {  	[hbm:s20@s14], [sflag:s17] =	dma.strided [spmem:s18@s14], $0x180, s13, $0x10   }
0xb4: {  	(v2sf) =	vpush v0, $0xE;
	_ =	sdelay $0xe  }
0xb5: {  	s18 =	spop (v2sf)  }
0xb6: {  	s21 =	sshrl.u32 s18, $0x3  }
0xb7: {  	s19 =	smul.u32 $0x18000, s21;
	_ =	sdelay $0x1  }
0xb8: {  	s18 =	sshll.u32 s18, $0x7;
	s19 =	sshra.s32 s19, $0x2  }
0xb9: {  	s18 =	sand.u32 $0x380, s18;
	s19 =	sadd.s32 s19, s2  }
0xba: {  	s18 =	sadd.s32 s18, s19  }
0xbb: {  	s22 =	rddreg [dreg:$0x18];
	s18 =	sshrl.u32 s18, $0x3  }
0xbc: {  	[hbm:s22@s14], [sflag:s17] =	dma.strided [spmem:s18@s14], $0x180, s13, $0x10   }
0xbd: {  	(v2sf) =	vpush v0, $0xF;
	_ =	sdelay $0xe  }
0xbe: {  	s18 =	spop (v2sf)  }
0xbf: {  	s23 =	sshrl.u32 s18, $0x3  }
0xc0: {  	s19 =	smul.u32 $0x18000, s23;
	_ =	sdelay $0x1  }
0xc1: {  	s18 =	sshll.u32 s18, $0x7;
	s19 =	sshra.s32 s19, $0x2  }
0xc2: {  	s18 =	sand.u32 $0x380, s18;
	s19 =	sadd.s32 s19, s2  }
0xc3: {  	s18 =	sadd.s32 s18, s19  }
0xc4: {  	s20 =	rddreg [dreg:$0x19];
	s18 =	sshrl.u32 s18, $0x3  }
0xc5: {  	[hbm:s20@s14], [sflag:s17] =	dma.strided [spmem:s18@s14], $0x180, s13, $0x10   }
0xc6: {  	v63 =	vld [tilespmem:$0x6010];
	_ =	sdelay $0x4  }
0xc7: {  	(v2sf) =	vpush v63, $0x0;
	_ =	sdelay $0xe  }
0xc8: {  	s18 =	spop (v2sf)  }
0xc9: {  	s21 =	sshrl.u32 s18, $0x3  }
0xca: {  	s19 =	smul.u32 $0x18000, s21;
	_ =	sdelay $0x1  }
0xcb: {  	s18 =	sshll.u32 s18, $0x7;
	s19 =	sshra.s32 s19, $0x2  }
0xcc: {  	s18 =	sand.u32 $0x380, s18;
	s19 =	sadd.s32 s19, s2  }
0xcd: {  	s19 =	sadd.s32 s18, s19  }
0xce: {  	s20 =	rddreg [dreg:$0x1a];
	s18 =	sor.u32 $0x1C02, s7;
	s19 =	sshrl.u32 s19, $0x3  }
0xcf: {  	[hbm:s20@s14], [sflag:s18] =	dma.strided [spmem:s19@s14], $0x180, s13, $0x10   }
0xd0: {  	(v2sf) =	vpush v63, $0x1;
	_ =	sdelay $0xe  }
0xd1: {  	s19 =	spop (v2sf)  }
0xd2: {  	s22 =	sshrl.u32 s19, $0x3  }
0xd3: {  	s20 =	smul.u32 $0x18000, s22;
	_ =	sdelay $0x1  }
0xd4: {  	s19 =	sshll.u32 s19, $0x7;
	s20 =	sshra.s32 s20, $0x2  }
0xd5: {  	s19 =	sand.u32 $0x380, s19;
	s20 =	sadd.s32 s20, s2  }
0xd6: {  	s19 =	sadd.s32 s19, s20  }
0xd7: {  	s23 =	rddreg [dreg:$0x1b];
	s19 =	sshrl.u32 s19, $0x3  }
0xd8: {  	[hbm:s23@s14], [sflag:s18] =	dma.strided [spmem:s19@s14], $0x180, s13, $0x10   }
0xd9: {  	(v2sf) =	vpush v63, $0x2;
	_ =	sdelay $0xe  }
0xda: {  	s19 =	spop (v2sf)  }
0xdb: {  	s21 =	sshrl.u32 s19, $0x3  }
0xdc: {  	s20 =	smul.u32 $0x18000, s21;
	_ =	sdelay $0x1  }
0xdd: {  	s19 =	sshll.u32 s19, $0x7;
	s20 =	sshra.s32 s20, $0x2  }
0xde: {  	s19 =	sand.u32 $0x380, s19;
	s20 =	sadd.s32 s20, s2  }
0xdf: {  	s19 =	sadd.s32 s19, s20  }
0xe0: {  	s22 =	rddreg [dreg:$0x1c];
	s19 =	sshrl.u32 s19, $0x3  }
0xe1: {  	[hbm:s22@s14], [sflag:s18] =	dma.strided [spmem:s19@s14], $0x180, s13, $0x10   }
0xe2: {  	(v2sf) =	vpush v63, $0x3;
	_ =	sdelay $0xe  }
0xe3: {  	s19 =	spop (v2sf)  }
0xe4: {  	s23 =	sshrl.u32 s19, $0x3  }
0xe5: {  	s20 =	smul.u32 $0x18000, s23;
	_ =	sdelay $0x1  }
0xe6: {  	s19 =	sshll.u32 s19, $0x7;
	s20 =	sshra.s32 s20, $0x2  }
0xe7: {  	s19 =	sand.u32 $0x380, s19;
	s20 =	sadd.s32 s20, s2  }
0xe8: {  	s19 =	sadd.s32 s19, s20  }
0xe9: {  	s19 =	sshrl.u32 s19, $0x3  }
0xea: {  	[hbm:s24@s14], [sflag:s18] =	dma.strided [spmem:s19@s14], $0x180, s13, $0x10   }
0xeb: {  	(v2sf) =	vpush v63, $0x4;
	_ =	sdelay $0xe  }
0xec: {  	s19 =	spop (v2sf)  }
0xed: {  	s21 =	sshrl.u32 s19, $0x3  }
0xee: {  	s20 =	smul.u32 $0x18000, s21;
	_ =	sdelay $0x1  }
0xef: {  	s19 =	sshll.u32 s19, $0x7;
	s20 =	sshra.s32 s20, $0x2  }
0xf0: {  	s19 =	sand.u32 $0x380, s19;
	s20 =	sadd.s32 s20, s2  }
0xf1: {  	s19 =	sadd.s32 s19, s20  }
0xf2: {  	s19 =	sshrl.u32 s19, $0x3  }
0xf3: {  	[hbm:s25@s14], [sflag:s18] =	dma.strided [spmem:s19@s14], $0x180, s13, $0x10   }
0xf4: {  	(v2sf) =	vpush v63, $0x5;
	_ =	sdelay $0xe  }
0xf5: {  	s19 =	spop (v2sf)  }
0xf6: {  	s22 =	sshrl.u32 s19, $0x3  }
0xf7: {  	s20 =	smul.u32 $0x18000, s22;
	_ =	sdelay $0x1  }
0xf8: {  	s19 =	sshll.u32 s19, $0x7;
	s20 =	sshra.s32 s20, $0x2  }
0xf9: {  	s19 =	sand.u32 $0x380, s19;
	s20 =	sadd.s32 s20, s2  }
0xfa: {  	s19 =	sadd.s32 s19, s20  }
0xfb: {  	s19 =	sshrl.u32 s19, $0x3  }
0xfc: {  	[hbm:s26@s14], [sflag:s18] =	dma.strided [spmem:s19@s14], $0x180, s13, $0x10   }
0xfd: {  	(v2sf) =	vpush v63, $0x6;
	_ =	sdelay $0xe  }
0xfe: {  	s19 =	spop (v2sf)  }
0xff: {  	s23 =	sshrl.u32 s19, $0x3  }
0x100: {  	s20 =	smul.u32 $0x18000, s23;
	_ =	sdelay $0x1  }
0x101: {  	s19 =	sshll.u32 s19, $0x7;
	s20 =	sshra.s32 s20, $0x2  }
0x102: {  	s19 =	sand.u32 $0x380, s19;
	s20 =	sadd.s32 s20, s2  }
0x103: {  	s19 =	sadd.s32 s19, s20  }
0x104: {  	s19 =	sshrl.u32 s19, $0x3  }
0x105: {  	[hbm:s28@s14], [sflag:s18] =	dma.strided [spmem:s19@s14], $0x180, s13, $0x10   }
0x106: {  	(v2sf) =	vpush v63, $0x7;
	_ =	sdelay $0xe  }
0x107: {  	s19 =	spop (v2sf)  }
0x108: {  	s21 =	sshrl.u32 s19, $0x3  }
0x109: {  	s20 =	smul.u32 $0x18000, s21;
	_ =	sdelay $0x1  }
0x10a: {  	s19 =	sshll.u32 s19, $0x7;
	s20 =	sshra.s32 s20, $0x2  }
0x10b: {  	s19 =	sand.u32 $0x380, s19;
	s20 =	sadd.s32 s20, s2  }
0x10c: {  	s19 =	sadd.s32 s19, s20  }
0x10d: {  	s19 =	sshrl.u32 s19, $0x3  }
0x10e: {  	[hbm:s29@s14], [sflag:s18] =	dma.strided [spmem:s19@s14], $0x180, s13, $0x10   }
0x10f: {  	(v2sf) =	vpush v63, $0x8;
	_ =	sdelay $0xe  }
0x110: {  	s19 =	spop (v2sf)  }
0x111: {  	s22 =	sshrl.u32 s19, $0x3  }
0x112: {  	s20 =	smul.u32 $0x18000, s22;
	_ =	sdelay $0x1  }
0x113: {  	s19 =	sshll.u32 s19, $0x7;
	s20 =	sshra.s32 s20, $0x2  }
0x114: {  	s19 =	sand.u32 $0x380, s19;
	s20 =	sadd.s32 s20, s2  }
0x115: {  	s19 =	sadd.s32 s19, s20  }
0x116: {  	s19 =	sshrl.u32 s19, $0x3  }
0x117: {  	[hbm:s6@s14], [sflag:s18] =	dma.strided [spmem:s19@s14], $0x180, s13, $0x10   }
0x118: {  	(v2sf) =	vpush v63, $0x9;
	_ =	sdelay $0xe  }
0x119: {  	s19 =	spop (v2sf)  }
0x11a: {  	s23 =	sshrl.u32 s19, $0x3  }
0x11b: {  	s20 =	smul.u32 $0x18000, s23;
	_ =	sdelay $0x1  }
0x11c: {  	s19 =	sshll.u32 s19, $0x7;
	s20 =	sshra.s32 s20, $0x2  }
0x11d: {  	s19 =	sand.u32 $0x380, s19;
	s20 =	sadd.s32 s20, s2  }
0x11e: {  	s19 =	sadd.s32 s19, s20  }
0x11f: {  	s19 =	sshrl.u32 s19, $0x3  }
0x120: {  	[hbm:s30@s14], [sflag:s18] =	dma.strided [spmem:s19@s14], $0x180, s13, $0x10   }
0x121: {  	(v2sf) =	vpush v63, $0xA;
	_ =	sdelay $0xe  }
0x122: {  	s19 =	spop (v2sf)  }
0x123: {  	s21 =	sshrl.u32 s19, $0x3  }
0x124: {  	s20 =	smul.u32 $0x18000, s21;
	_ =	sdelay $0x1  }
0x125: {  	s19 =	sshll.u32 s19, $0x7;
	s20 =	sshra.s32 s20, $0x2  }
0x126: {  	s19 =	sand.u32 $0x380, s19;
	s20 =	sadd.s32 s20, s2  }
0x127: {  	s19 =	sadd.s32 s19, s20  }
0x128: {  	s19 =	sshrl.u32 s19, $0x3  }
0x129: {  	[hbm:s31@s14], [sflag:s18] =	dma.strided [spmem:s19@s14], $0x180, s13, $0x10   }
0x12a: {  	(v2sf) =	vpush v63, $0xB;
	_ =	sdelay $0xe  }
0x12b: {  	s19 =	spop (v2sf)  }
0x12c: {  	s22 =	sshrl.u32 s19, $0x3  }
0x12d: {  	s20 =	smul.u32 $0x18000, s22;
	_ =	sdelay $0x1  }
0x12e: {  	s19 =	sshll.u32 s19, $0x7;
	s20 =	sshra.s32 s20, $0x2  }
0x12f: {  	s19 =	sand.u32 $0x380, s19;
	s20 =	sadd.s32 s20, s2  }
0x130: {  	s19 =	sadd.s32 s19, s20  }
0x131: {  	s19 =	sshrl.u32 s19, $0x3  }
0x132: {  	[hbm:s0@s14], [sflag:s18] =	dma.strided [spmem:s19@s14], $0x180, s13, $0x10   }
0x133: {  	(v2sf) =	vpush v63, $0xC;
	_ =	sdelay $0xe  }
0x134: {  	s19 =	spop (v2sf)  }
0x135: {  	s23 =	sshrl.u32 s19, $0x3  }
0x136: {  	s20 =	smul.u32 $0x18000, s23;
	_ =	sdelay $0x1  }
0x137: {  	s19 =	sshll.u32 s19, $0x7;
	s20 =	sshra.s32 s20, $0x2  }
0x138: {  	s19 =	sand.u32 $0x380, s19;
	s20 =	sadd.s32 s20, s2  }
0x139: {  	s19 =	sadd.s32 s19, s20  }
0x13a: {  	s19 =	sshrl.u32 s19, $0x3  }
0x13b: {  	[hbm:s1@s14], [sflag:s18] =	dma.strided [spmem:s19@s14], $0x180, s13, $0x10   }
0x13c: {  	(v2sf) =	vpush v63, $0xD;
	_ =	sdelay $0xe  }
0x13d: {  	s19 =	spop (v2sf)  }
0x13e: {  	s21 =	sshrl.u32 s19, $0x3  }
0x13f: {  	s20 =	smul.u32 $0x18000, s21;
	_ =	sdelay $0x1  }
0x140: {  	s19 =	sshll.u32 s19, $0x7;
	s20 =	sshra.s32 s20, $0x2  }
0x141: {  	s19 =	sand.u32 $0x380, s19;
	s20 =	sadd.s32 s20, s2  }
0x142: {  	s19 =	sadd.s32 s19, s20  }
0x143: {  	s19 =	sshrl.u32 s19, $0x3  }
0x144: {  	[hbm:s3@s14], [sflag:s18] =	dma.strided [spmem:s19@s14], $0x180, s13, $0x10   }
0x145: {  	(v2sf) =	vpush v63, $0xE;
	_ =	sdelay $0xe  }
0x146: {  	s19 =	spop (v2sf)  }
0x147: {  	s22 =	sshrl.u32 s19, $0x3  }
0x148: {  	s20 =	smul.u32 $0x18000, s22;
	_ =	sdelay $0x1  }
0x149: {  	s19 =	sshll.u32 s19, $0x7;
	s20 =	sshra.s32 s20, $0x2  }
0x14a: {  	s19 =	sand.u32 $0x380, s19;
	s20 =	sadd.s32 s20, s2  }
0x14b: {  	s19 =	sadd.s32 s19, s20  }
0x14c: {  	s19 =	sshrl.u32 s19, $0x3  }
0x14d: {  	[hbm:s4@s14], [sflag:s18] =	dma.strided [spmem:s19@s14], $0x180, s13, $0x10   }
0x14e: {  	(v2sf) =	vpush v63, $0xF;
	_ =	sdelay $0xe  }
0x14f: {  	s19 =	spop (v2sf)  }
0x150: {  	s23 =	sshrl.u32 s19, $0x3  }
0x151: {  	s20 =	smul.u32 $0x18000, s23;
	_ =	sdelay $0x1  }
0x152: {  	s19 =	sshll.u32 s19, $0x7;
	s20 =	sshra.s32 s20, $0x2  }
0x153: {  	s19 =	sand.u32 $0x380, s19;
	s20 =	sadd.s32 s20, s2  }
0x154: {  	s19 =	sadd.s32 s19, s20  }
0x155: {  	s19 =	sshrl.u32 s19, $0x3  }
0x156: {  	[hbm:s5@s14], [sflag:s18] =	dma.strided [spmem:s19@s14], $0x180, s13, $0x10   }
0x157: {  	s20 =	simm.s32 $0x0;
	s19 =	simm.s32 $0x6030  }
.LBB2_2:
0x158: {  	_ =	swait.ge [sflag:s13], $0x180  }
0x159: {  	[sflag:s13] =	ssyncset.done $0x0  }
0x15a: {  	[sflag:s13] =	ssyncadd.s32 $0xFFFFFE80  }
0x15b: {  	_ =	swait.ge [sflag:s13], $0x180  }
0x15c: {  	[sflag:s13] =	ssyncset.done $0x0  }
0x15d: {  	[sflag:s13] =	ssyncadd.s32 $0xFFFFFE80  }
0x15e: {  	_ =	swait.ge [sflag:s13], $0x180  }
0x15f: {  	[sflag:s13] =	ssyncset.done $0x0  }
0x160: {  	[sflag:s13] =	ssyncadd.s32 $0xFFFFFE80  }
0x161: {  	_ =	swait.ge [sflag:s13], $0x180  }
0x162: {  	[sflag:s13] =	ssyncset.done $0x0  }
0x163: {  	[sflag:s13] =	ssyncadd.s32 $0xFFFFFE80  }
0x164: {  	_ =	swait.ge [sflag:s13], $0x180  }
0x165: {  	[sflag:s13] =	ssyncset.done $0x0  }
0x166: {  	[sflag:s13] =	ssyncadd.s32 $0xFFFFFE80  }
0x167: {  	_ =	swait.ge [sflag:s13], $0x180  }
0x168: {  	[sflag:s13] =	ssyncset.done $0x0  }
0x169: {  	[sflag:s13] =	ssyncadd.s32 $0xFFFFFE80  }
0x16a: {  	_ =	swait.ge [sflag:s13], $0x180  }
0x16b: {  	[sflag:s13] =	ssyncset.done $0x0  }
0x16c: {  	[sflag:s13] =	ssyncadd.s32 $0xFFFFFE80  }
0x16d: {  	_ =	swait.ge [sflag:s13], $0x180  }
0x16e: {  	[sflag:s13] =	ssyncset.done $0x0  }
0x16f: {  	[sflag:s13] =	ssyncadd.s32 $0xFFFFFE80  }
0x170: {  	_ =	swait.ge [sflag:s13], $0x180  }
0x171: {  	[sflag:s13] =	ssyncset.done $0x0  }
0x172: {  	[sflag:s13] =	ssyncadd.s32 $0xFFFFFE80  }
0x173: {  	_ =	swait.ge [sflag:s13], $0x180  }
0x174: {  	[sflag:s13] =	ssyncset.done $0x0  }
0x175: {  	[sflag:s13] =	ssyncadd.s32 $0xFFFFFE80  }
0x176: {  	_ =	swait.ge [sflag:s13], $0x180  }
0x177: {  	[sflag:s13] =	ssyncset.done $0x0  }
0x178: {  	[sflag:s13] =	ssyncadd.s32 $0xFFFFFE80  }
0x179: {  	_ =	swait.ge [sflag:s13], $0x180  }
0x17a: {  	[sflag:s13] =	ssyncset.done $0x0  }
0x17b: {  	[sflag:s13] =	ssyncadd.s32 $0xFFFFFE80  }
0x17c: {  	_ =	swait.ge [sflag:s13], $0x180  }
0x17d: {  	[sflag:s13] =	ssyncset.done $0x0  }
0x17e: {  	[sflag:s13] =	ssyncadd.s32 $0xFFFFFE80  }
0x17f: {  	_ =	swait.ge [sflag:s13], $0x180  }
0x180: {  	[sflag:s13] =	ssyncset.done $0x0  }
0x181: {  	[sflag:s13] =	ssyncadd.s32 $0xFFFFFE80  }
0x182: {  	_ =	swait.ge [sflag:s13], $0x180  }
0x183: {  	[sflag:s13] =	ssyncset.done $0x0  }
0x184: {  	[sflag:s13] =	ssyncadd.s32 $0xFFFFFE80  }
0x185: {  	_ =	swait.ge [sflag:s13], $0x180  }
0x186: {  	[sflag:s13] =	ssyncset.done $0x0  }
0x187: {  	[sflag:s13] =	ssyncadd.s32 $0xFFFFFE80  }
0x188: {  	v0 =	vld [tilespmem:s19+$0xFFFFFFF0];
	_ =	sdelay $0x4  }
0x189: {  	(v2sf) =	vpush v0, $0x0;
	_ =	sdelay $0xe  }
0x18a: {  	s21 =	spop (v2sf)  }
0x18b: {  	s22 =	sshrl.u32 s21, $0x3  }
0x18c: {  	s22 =	smul.u32 $0x18000, s22;
	_ =	sdelay $0x1  }
0x18d: {  	s21 =	sshll.u32 s21, $0x7;
	s22 =	sshra.s32 s22, $0x2  }
0x18e: {  	s21 =	sand.u32 $0x380, s21;
	s22 =	sadd.s32 s22, s2  }
0x18f: {  	s23 =	rddreg [dreg:$0x5];
	s22 =	sadd.s32 s21, s22  }
0x190: {  	s21 =	sadd.s32 s20, s23;
	s22 =	sshrl.u32 s22, $0x3  }
0x191: {  	[hbm:s21@s14], [sflag:s17] =	dma.strided [spmem:s22@s14], $0x180, s13, $0x10   }
0x192: {  	(v2sf) =	vpush v0, $0x1;
	_ =	sdelay $0xe  }
0x193: {  	s22 =	spop (v2sf)  }
0x194: {  	s23 =	sshrl.u32 s22, $0x3  }
0x195: {  	s23 =	smul.u32 $0x18000, s23;
	_ =	sdelay $0x1  }
0x196: {  	s22 =	sshll.u32 s22, $0x7;
	s23 =	sshra.s32 s23, $0x2  }
0x197: {  	s22 =	sand.u32 $0x380, s22;
	s23 =	sadd.s32 s23, s2  }
0x198: {  	s22 =	sadd.s32 s22, s23  }
0x199: {  	s23 =	sadd.s32 $0x10, s21;
	s22 =	sshrl.u32 s22, $0x3  }
0x19a: {  	[hbm:s23@s14], [sflag:s17] =	dma.strided [spmem:s22@s14], $0x180, s13, $0x10   }
0x19b: {  	(v2sf) =	vpush v0, $0x2;
	_ =	sdelay $0xe  }
0x19c: {  	s22 =	spop (v2sf)  }
0x19d: {  	s23 =	sshrl.u32 s22, $0x3  }
0x19e: {  	s23 =	smul.u32 $0x18000, s23;
	_ =	sdelay $0x1  }
0x19f: {  	s22 =	sshll.u32 s22, $0x7;
	s23 =	sshra.s32 s23, $0x2  }
0x1a0: {  	s22 =	sand.u32 $0x380, s22;
	s23 =	sadd.s32 s23, s2  }
0x1a1: {  	s22 =	sadd.s32 s22, s23  }
0x1a2: {  	s23 =	sadd.s32 $0x20, s21;
	s22 =	sshrl.u32 s22, $0x3  }
0x1a3: {  	[hbm:s23@s14], [sflag:s17] =	dma.strided [spmem:s22@s14], $0x180, s13, $0x10   }
0x1a4: {  	(v2sf) =	vpush v0, $0x3;
	_ =	sdelay $0xe  }
0x1a5: {  	s22 =	spop (v2sf)  }
0x1a6: {  	s23 =	sshrl.u32 s22, $0x3  }
0x1a7: {  	s23 =	smul.u32 $0x18000, s23;
	_ =	sdelay $0x1  }
0x1a8: {  	s22 =	sshll.u32 s22, $0x7;
	s23 =	sshra.s32 s23, $0x2  }
0x1a9: {  	s22 =	sand.u32 $0x380, s22;
	s23 =	sadd.s32 s23, s2  }
0x1aa: {  	s22 =	sadd.s32 s22, s23  }
0x1ab: {  	s23 =	sadd.s32 $0x30, s21;
	s22 =	sshrl.u32 s22, $0x3  }
0x1ac: {  	[hbm:s23@s14], [sflag:s17] =	dma.strided [spmem:s22@s14], $0x180, s13, $0x10   }
0x1ad: {  	(v2sf) =	vpush v0, $0x4;
	_ =	sdelay $0xe  }
0x1ae: {  	s22 =	spop (v2sf)  }
0x1af: {  	s23 =	sshrl.u32 s22, $0x3  }
0x1b0: {  	s23 =	smul.u32 $0x18000, s23;
	_ =	sdelay $0x1  }
0x1b1: {  	s22 =	sshll.u32 s22, $0x7;
	s23 =	sshra.s32 s23, $0x2  }
0x1b2: {  	s22 =	sand.u32 $0x380, s22;
	s23 =	sadd.s32 s23, s2  }
0x1b3: {  	s22 =	sadd.s32 s22, s23  }
0x1b4: {  	s23 =	sadd.s32 $0x40, s21;
	s22 =	sshrl.u32 s22, $0x3  }
0x1b5: {  	[hbm:s23@s14], [sflag:s17] =	dma.strided [spmem:s22@s14], $0x180, s13, $0x10   }
0x1b6: {  	(v2sf) =	vpush v0, $0x5;
	_ =	sdelay $0xe  }
0x1b7: {  	s22 =	spop (v2sf)  }
0x1b8: {  	s23 =	sshrl.u32 s22, $0x3  }
0x1b9: {  	s23 =	smul.u32 $0x18000, s23;
	_ =	sdelay $0x1  }
0x1ba: {  	s22 =	sshll.u32 s22, $0x7;
	s23 =	sshra.s32 s23, $0x2  }
0x1bb: {  	s22 =	sand.u32 $0x380, s22;
	s23 =	sadd.s32 s23, s2  }
0x1bc: {  	s22 =	sadd.s32 s22, s23  }
0x1bd: {  	s23 =	sadd.s32 $0x50, s21;
	s22 =	sshrl.u32 s22, $0x3  }
0x1be: {  	[hbm:s23@s14], [sflag:s17] =	dma.strided [spmem:s22@s14], $0x180, s13, $0x10   }
0x1bf: {  	(v2sf) =	vpush v0, $0x6;
	_ =	sdelay $0xe  }
0x1c0: {  	s22 =	spop (v2sf)  }
0x1c1: {  	s23 =	sshrl.u32 s22, $0x3  }
0x1c2: {  	s23 =	smul.u32 $0x18000, s23;
	_ =	sdelay $0x1  }
0x1c3: {  	s22 =	sshll.u32 s22, $0x7;
	s23 =	sshra.s32 s23, $0x2  }
0x1c4: {  	s22 =	sand.u32 $0x380, s22;
	s23 =	sadd.s32 s23, s2  }
0x1c5: {  	s22 =	sadd.s32 s22, s23  }
0x1c6: {  	s23 =	sadd.s32 $0x60, s21;
	s22 =	sshrl.u32 s22, $0x3  }
0x1c7: {  	[hbm:s23@s14], [sflag:s17] =	dma.strided [spmem:s22@s14], $0x180, s13, $0x10   }
0x1c8: {  	(v2sf) =	vpush v0, $0x7;
	_ =	sdelay $0xe  }
0x1c9: {  	s22 =	spop (v2sf)  }
0x1ca: {  	s23 =	sshrl.u32 s22, $0x3  }
0x1cb: {  	s23 =	smul.u32 $0x18000, s23;
	_ =	sdelay $0x1  }
0x1cc: {  	s22 =	sshll.u32 s22, $0x7;
	s23 =	sshra.s32 s23, $0x2  }
0x1cd: {  	s22 =	sand.u32 $0x380, s22;
	s23 =	sadd.s32 s23, s2  }
0x1ce: {  	s22 =	sadd.s32 s22, s23  }
0x1cf: {  	s21 =	sadd.s32 $0x70, s21;
	s22 =	sshrl.u32 s22, $0x3  }
0x1d0: {  	[hbm:s21@s14], [sflag:s17] =	dma.strided [spmem:s22@s14], $0x180, s13, $0x10   }
0x1d1: {  	(v2sf) =	vpush v0, $0x8;
	_ =	sdelay $0xe  }
0x1d2: {  	s21 =	spop (v2sf)  }
0x1d3: {  	s23 =	sshrl.u32 s21, $0x3  }
0x1d4: {  	s22 =	smul.u32 $0x18000, s23;
	_ =	sdelay $0x1  }
0x1d5: {  	s21 =	sshll.u32 s21, $0x7;
	s22 =	sshra.s32 s22, $0x2  }
0x1d6: {  	s21 =	sand.u32 $0x380, s21;
	s22 =	sadd.s32 s22, s2  }
0x1d7: {  	s23 =	rddreg [dreg:$0x6];
	s22 =	sadd.s32 s21, s22  }
0x1d8: {  	s21 =	sadd.s32 s20, s23;
	s22 =	sshrl.u32 s22, $0x3  }
0x1d9: {  	[hbm:s21@s14], [sflag:s17] =	dma.strided [spmem:s22@s14], $0x180, s13, $0x10   }
0x1da: {  	(v2sf) =	vpush v0, $0x9;
	_ =	sdelay $0xe  }
0x1db: {  	s22 =	spop (v2sf)  }
0x1dc: {  	s23 =	sshrl.u32 s22, $0x3  }
0x1dd: {  	s23 =	smul.u32 $0x18000, s23;
	_ =	sdelay $0x1  }
0x1de: {  	s22 =	sshll.u32 s22, $0x7;
	s23 =	sshra.s32 s23, $0x2  }
0x1df: {  	s22 =	sand.u32 $0x380, s22;
	s23 =	sadd.s32 s23, s2  }
0x1e0: {  	s22 =	sadd.s32 s22, s23  }
0x1e1: {  	s23 =	sadd.s32 $0x10, s21;
	s22 =	sshrl.u32 s22, $0x3  }
0x1e2: {  	[hbm:s23@s14], [sflag:s17] =	dma.strided [spmem:s22@s14], $0x180, s13, $0x10   }
0x1e3: {  	(v2sf) =	vpush v0, $0xA;
	_ =	sdelay $0xe  }
0x1e4: {  	s22 =	spop (v2sf)  }
0x1e5: {  	s23 =	sshrl.u32 s22, $0x3  }
0x1e6: {  	s23 =	smul.u32 $0x18000, s23;
	_ =	sdelay $0x1  }
0x1e7: {  	s22 =	sshll.u32 s22, $0x7;
	s23 =	sshra.s32 s23, $0x2  }
0x1e8: {  	s22 =	sand.u32 $0x380, s22;
	s23 =	sadd.s32 s23, s2  }
0x1e9: {  	s22 =	sadd.s32 s22, s23  }
0x1ea: {  	s23 =	sadd.s32 $0x20, s21;
	s22 =	sshrl.u32 s22, $0x3  }
0x1eb: {  	[hbm:s23@s14], [sflag:s17] =	dma.strided [spmem:s22@s14], $0x180, s13, $0x10   }
0x1ec: {  	(v2sf) =	vpush v0, $0xB;
	_ =	sdelay $0xe  }
0x1ed: {  	s22 =	spop (v2sf)  }
0x1ee: {  	s23 =	sshrl.u32 s22, $0x3  }
0x1ef: {  	s23 =	smul.u32 $0x18000, s23;
	_ =	sdelay $0x1  }
0x1f0: {  	s22 =	sshll.u32 s22, $0x7;
	s23 =	sshra.s32 s23, $0x2  }
0x1f1: {  	s22 =	sand.u32 $0x380, s22;
	s23 =	sadd.s32 s23, s2  }
0x1f2: {  	s22 =	sadd.s32 s22, s23  }
0x1f3: {  	s23 =	sadd.s32 $0x30, s21;
	s22 =	sshrl.u32 s22, $0x3  }
0x1f4: {  	[hbm:s23@s14], [sflag:s17] =	dma.strided [spmem:s22@s14], $0x180, s13, $0x10   }
0x1f5: {  	(v2sf) =	vpush v0, $0xC;
	_ =	sdelay $0xe  }
0x1f6: {  	s22 =	spop (v2sf)  }
0x1f7: {  	s23 =	sshrl.u32 s22, $0x3  }
0x1f8: {  	s23 =	smul.u32 $0x18000, s23;
	_ =	sdelay $0x1  }
0x1f9: {  	s22 =	sshll.u32 s22, $0x7;
	s23 =	sshra.s32 s23, $0x2  }
0x1fa: {  	s22 =	sand.u32 $0x380, s22;
	s23 =	sadd.s32 s23, s2  }
0x1fb: {  	s22 =	sadd.s32 s22, s23  }
0x1fc: {  	s23 =	sadd.s32 $0x40, s21;
	s22 =	sshrl.u32 s22, $0x3  }
0x1fd: {  	[hbm:s23@s14], [sflag:s17] =	dma.strided [spmem:s22@s14], $0x180, s13, $0x10   }
0x1fe: {  	(v2sf) =	vpush v0, $0xD;
	_ =	sdelay $0xe  }
0x1ff: {  	s22 =	spop (v2sf)  }
0x200: {  	s23 =	sshrl.u32 s22, $0x3  }
0x201: {  	s23 =	smul.u32 $0x18000, s23;
	_ =	sdelay $0x1  }
0x202: {  	s22 =	sshll.u32 s22, $0x7;
	s23 =	sshra.s32 s23, $0x2  }
0x203: {  	s22 =	sand.u32 $0x380, s22;
	s23 =	sadd.s32 s23, s2  }
0x204: {  	s22 =	sadd.s32 s22, s23  }
0x205: {  	s23 =	sadd.s32 $0x50, s21;
	s22 =	sshrl.u32 s22, $0x3  }
0x206: {  	[hbm:s23@s14], [sflag:s17] =	dma.strided [spmem:s22@s14], $0x180, s13, $0x10   }
0x207: {  	(v2sf) =	vpush v0, $0xE;
	_ =	sdelay $0xe  }
0x208: {  	s22 =	spop (v2sf)  }
0x209: {  	s23 =	sshrl.u32 s22, $0x3  }
0x20a: {  	s23 =	smul.u32 $0x18000, s23;
	_ =	sdelay $0x1  }
0x20b: {  	s22 =	sshll.u32 s22, $0x7;
	s23 =	sshra.s32 s23, $0x2  }
0x20c: {  	s22 =	sand.u32 $0x380, s22;
	s23 =	sadd.s32 s23, s2  }
0x20d: {  	s22 =	sadd.s32 s22, s23  }
0x20e: {  	s23 =	sadd.s32 $0x60, s21;
	s22 =	sshrl.u32 s22, $0x3  }
0x20f: {  	[hbm:s23@s14], [sflag:s17] =	dma.strided [spmem:s22@s14], $0x180, s13, $0x10   }
0x210: {  	(v2sf) =	vpush v0, $0xF;
	_ =	sdelay $0xe  }
0x211: {  	s22 =	spop (v2sf)  }
0x212: {  	s23 =	sshrl.u32 s22, $0x3  }
0x213: {  	s23 =	smul.u32 $0x18000, s23;
	_ =	sdelay $0x1  }
0x214: {  	s22 =	sshll.u32 s22, $0x7;
	s23 =	sshra.s32 s23, $0x2  }
0x215: {  	s22 =	sand.u32 $0x380, s22;
	s23 =	sadd.s32 s23, s2  }
0x216: {  	s22 =	sadd.s32 s22, s23  }
0x217: {  	s21 =	sadd.s32 $0x70, s21;
	s22 =	sshrl.u32 s22, $0x3  }
0x218: {  	[hbm:s21@s14], [sflag:s17] =	dma.strided [spmem:s22@s14], $0x180, s13, $0x10   }
0x219: {  	_ =	swait.ge [sflag:s15], $0x180  }
0x21a: {  	[sflag:s15] =	ssyncset.done $0x0  }
0x21b: {  	[sflag:s15] =	ssyncadd.s32 $0xFFFFFE80  }
0x21c: {  	_ =	swait.ge [sflag:s15], $0x180  }
0x21d: {  	[sflag:s15] =	ssyncset.done $0x0  }
0x21e: {  	[sflag:s15] =	ssyncadd.s32 $0xFFFFFE80  }
0x21f: {  	_ =	swait.ge [sflag:s15], $0x180  }
0x220: {  	[sflag:s15] =	ssyncset.done $0x0  }
0x221: {  	[sflag:s15] =	ssyncadd.s32 $0xFFFFFE80  }
0x222: {  	_ =	swait.ge [sflag:s15], $0x180  }
0x223: {  	[sflag:s15] =	ssyncset.done $0x0  }
0x224: {  	[sflag:s15] =	ssyncadd.s32 $0xFFFFFE80  }
0x225: {  	_ =	swait.ge [sflag:s15], $0x180  }
0x226: {  	[sflag:s15] =	ssyncset.done $0x0  }
0x227: {  	[sflag:s15] =	ssyncadd.s32 $0xFFFFFE80  }
0x228: {  	_ =	swait.ge [sflag:s15], $0x180  }
0x229: {  	[sflag:s15] =	ssyncset.done $0x0  }
0x22a: {  	[sflag:s15] =	ssyncadd.s32 $0xFFFFFE80  }
0x22b: {  	_ =	swait.ge [sflag:s15], $0x180  }
0x22c: {  	[sflag:s15] =	ssyncset.done $0x0  }
0x22d: {  	[sflag:s15] =	ssyncadd.s32 $0xFFFFFE80  }
0x22e: {  	_ =	swait.ge [sflag:s15], $0x180  }
0x22f: {  	[sflag:s15] =	ssyncset.done $0x0  }
0x230: {  	[sflag:s15] =	ssyncadd.s32 $0xFFFFFE80  }
0x231: {  	_ =	swait.ge [sflag:s15], $0x180  }
0x232: {  	[sflag:s15] =	ssyncset.done $0x0  }
0x233: {  	[sflag:s15] =	ssyncadd.s32 $0xFFFFFE80  }
0x234: {  	_ =	swait.ge [sflag:s15], $0x180  }
0x235: {  	[sflag:s15] =	ssyncset.done $0x0  }
0x236: {  	[sflag:s15] =	ssyncadd.s32 $0xFFFFFE80  }
0x237: {  	_ =	swait.ge [sflag:s15], $0x180  }
0x238: {  	[sflag:s15] =	ssyncset.done $0x0  }
0x239: {  	[sflag:s15] =	ssyncadd.s32 $0xFFFFFE80  }
0x23a: {  	_ =	swait.ge [sflag:s15], $0x180  }
0x23b: {  	[sflag:s15] =	ssyncset.done $0x0  }
0x23c: {  	[sflag:s15] =	ssyncadd.s32 $0xFFFFFE80  }
0x23d: {  	_ =	swait.ge [sflag:s15], $0x180  }
0x23e: {  	[sflag:s15] =	ssyncset.done $0x0  }
0x23f: {  	[sflag:s15] =	ssyncadd.s32 $0xFFFFFE80  }
0x240: {  	_ =	swait.ge [sflag:s15], $0x180  }
0x241: {  	[sflag:s15] =	ssyncset.done $0x0  }
0x242: {  	[sflag:s15] =	ssyncadd.s32 $0xFFFFFE80  }
0x243: {  	_ =	swait.ge [sflag:s15], $0x180  }
0x244: {  	[sflag:s15] =	ssyncset.done $0x0  }
0x245: {  	[sflag:s15] =	ssyncadd.s32 $0xFFFFFE80  }
0x246: {  	_ =	swait.ge [sflag:s15], $0x180  }
0x247: {  	[sflag:s15] =	ssyncset.done $0x0  }
0x248: {  	[sflag:s15] =	ssyncadd.s32 $0xFFFFFE80  }
0x249: {  	v63 =	vld [tilespmem:s19+$0x0];
	_ =	sdelay $0x4  }
0x24a: {  	(v2sf) =	vpush v63, $0x0;
	_ =	sdelay $0xe  }
0x24b: {  	s21 =	spop (v2sf)  }
0x24c: {  	s23 =	sshrl.u32 s21, $0x3  }
0x24d: {  	s22 =	smul.u32 $0x18000, s23;
	_ =	sdelay $0x1  }
0x24e: {  	s21 =	sshll.u32 s21, $0x7;
	s22 =	sshra.s32 s22, $0x2  }
0x24f: {  	s21 =	sand.u32 $0x380, s21;
	s22 =	sadd.s32 s22, s2  }
0x250: {  	s23 =	rddreg [dreg:$0x7];
	s22 =	sadd.s32 s21, s22  }
0x251: {  	s21 =	sadd.s32 s20, s23;
	s22 =	sshrl.u32 s22, $0x3  }
0x252: {  	[hbm:s21@s14], [sflag:s18] =	dma.strided [spmem:s22@s14], $0x180, s13, $0x10   }
0x253: {  	(v2sf) =	vpush v63, $0x1;
	_ =	sdelay $0xe  }
0x254: {  	s22 =	spop (v2sf)  }
0x255: {  	s23 =	sshrl.u32 s22, $0x3  }
0x256: {  	s23 =	smul.u32 $0x18000, s23;
	_ =	sdelay $0x1  }
0x257: {  	s22 =	sshll.u32 s22, $0x7;
	s23 =	sshra.s32 s23, $0x2  }
0x258: {  	s22 =	sand.u32 $0x380, s22;
	s23 =	sadd.s32 s23, s2  }
0x259: {  	s22 =	sadd.s32 s22, s23  }
0x25a: {  	s23 =	sadd.s32 $0x10, s21;
	s22 =	sshrl.u32 s22, $0x3  }
0x25b: {  	[hbm:s23@s14], [sflag:s18] =	dma.strided [spmem:s22@s14], $0x180, s13, $0x10   }
0x25c: {  	(v2sf) =	vpush v63, $0x2;
	_ =	sdelay $0xe  }
0x25d: {  	s22 =	spop (v2sf)  }
0x25e: {  	s23 =	sshrl.u32 s22, $0x3  }
0x25f: {  	s23 =	smul.u32 $0x18000, s23;
	_ =	sdelay $0x1  }
0x260: {  	s22 =	sshll.u32 s22, $0x7;
	s23 =	sshra.s32 s23, $0x2  }
0x261: {  	s22 =	sand.u32 $0x380, s22;
	s23 =	sadd.s32 s23, s2  }
0x262: {  	s22 =	sadd.s32 s22, s23  }
0x263: {  	s23 =	sadd.s32 $0x20, s21;
	s22 =	sshrl.u32 s22, $0x3  }
0x264: {  	[hbm:s23@s14], [sflag:s18] =	dma.strided [spmem:s22@s14], $0x180, s13, $0x10   }
0x265: {  	(v2sf) =	vpush v63, $0x3;
	_ =	sdelay $0xe  }
0x266: {  	s22 =	spop (v2sf)  }
0x267: {  	s23 =	sshrl.u32 s22, $0x3  }
0x268: {  	s23 =	smul.u32 $0x18000, s23;
	_ =	sdelay $0x1  }
0x269: {  	s22 =	sshll.u32 s22, $0x7;
	s23 =	sshra.s32 s23, $0x2  }
0x26a: {  	s22 =	sand.u32 $0x380, s22;
	s23 =	sadd.s32 s23, s2  }
0x26b: {  	s22 =	sadd.s32 s22, s23  }
0x26c: {  	s23 =	sadd.s32 $0x30, s21;
	s22 =	sshrl.u32 s22, $0x3  }
0x26d: {  	[hbm:s23@s14], [sflag:s18] =	dma.strided [spmem:s22@s14], $0x180, s13, $0x10   }
0x26e: {  	(v2sf) =	vpush v63, $0x4;
	_ =	sdelay $0xe  }
0x26f: {  	s22 =	spop (v2sf)  }
0x270: {  	s23 =	sshrl.u32 s22, $0x3  }
0x271: {  	s23 =	smul.u32 $0x18000, s23;
	_ =	sdelay $0x1  }
0x272: {  	s22 =	sshll.u32 s22, $0x7;
	s23 =	sshra.s32 s23, $0x2  }
0x273: {  	s22 =	sand.u32 $0x380, s22;
	s23 =	sadd.s32 s23, s2  }
0x274: {  	s22 =	sadd.s32 s22, s23  }
0x275: {  	s23 =	sadd.s32 $0x40, s21;
	s22 =	sshrl.u32 s22, $0x3  }
0x276: {  	[hbm:s23@s14], [sflag:s18] =	dma.strided [spmem:s22@s14], $0x180, s13, $0x10   }
0x277: {  	(v2sf) =	vpush v63, $0x5;
	_ =	sdelay $0xe  }
0x278: {  	s22 =	spop (v2sf)  }
0x279: {  	s23 =	sshrl.u32 s22, $0x3  }
0x27a: {  	s23 =	smul.u32 $0x18000, s23;
	_ =	sdelay $0x1  }
0x27b: {  	s22 =	sshll.u32 s22, $0x7;
	s23 =	sshra.s32 s23, $0x2  }
0x27c: {  	s22 =	sand.u32 $0x380, s22;
	s23 =	sadd.s32 s23, s2  }
0x27d: {  	s22 =	sadd.s32 s22, s23  }
0x27e: {  	s23 =	sadd.s32 $0x50, s21;
	s22 =	sshrl.u32 s22, $0x3  }
0x27f: {  	[hbm:s23@s14], [sflag:s18] =	dma.strided [spmem:s22@s14], $0x180, s13, $0x10   }
0x280: {  	(v2sf) =	vpush v63, $0x6;
	_ =	sdelay $0xe  }
0x281: {  	s22 =	spop (v2sf)  }
0x282: {  	s23 =	sshrl.u32 s22, $0x3  }
0x283: {  	s23 =	smul.u32 $0x18000, s23;
	_ =	sdelay $0x1  }
0x284: {  	s22 =	sshll.u32 s22, $0x7;
	s23 =	sshra.s32 s23, $0x2  }
0x285: {  	s22 =	sand.u32 $0x380, s22;
	s23 =	sadd.s32 s23, s2  }
0x286: {  	s22 =	sadd.s32 s22, s23  }
0x287: {  	s23 =	sadd.s32 $0x60, s21;
	s22 =	sshrl.u32 s22, $0x3  }
0x288: {  	[hbm:s23@s14], [sflag:s18] =	dma.strided [spmem:s22@s14], $0x180, s13, $0x10   }
0x289: {  	(v2sf) =	vpush v63, $0x7;
	_ =	sdelay $0xe  }
0x28a: {  	s22 =	spop (v2sf)  }
0x28b: {  	s23 =	sshrl.u32 s22, $0x3  }
0x28c: {  	s23 =	smul.u32 $0x18000, s23;
	_ =	sdelay $0x1  }
0x28d: {  	s22 =	sshll.u32 s22, $0x7;
	s23 =	sshra.s32 s23, $0x2  }
0x28e: {  	s22 =	sand.u32 $0x380, s22;
	s23 =	sadd.s32 s23, s2  }
0x28f: {  	s22 =	sadd.s32 s22, s23  }
0x290: {  	s21 =	sadd.s32 $0x70, s21;
	s22 =	sshrl.u32 s22, $0x3  }
0x291: {  	[hbm:s21@s14], [sflag:s18] =	dma.strided [spmem:s22@s14], $0x180, s13, $0x10   }
0x292: {  	(v2sf) =	vpush v63, $0x8;
	_ =	sdelay $0xe  }
0x293: {  	s21 =	spop (v2sf)  }
0x294: {  	s23 =	sshrl.u32 s21, $0x3  }
0x295: {  	s22 =	smul.u32 $0x18000, s23;
	_ =	sdelay $0x1  }
0x296: {  	s21 =	sshll.u32 s21, $0x7;
	s22 =	sshra.s32 s22, $0x2  }
0x297: {  	s21 =	sand.u32 $0x380, s21;
	s22 =	sadd.s32 s22, s2  }
0x298: {  	s23 =	rddreg [dreg:$0x8];
	s22 =	sadd.s32 s21, s22  }
0x299: {  	s21 =	sadd.s32 s20, s23;
	s22 =	sshrl.u32 s22, $0x3  }
0x29a: {  	[hbm:s21@s14], [sflag:s18] =	dma.strided [spmem:s22@s14], $0x180, s13, $0x10   }
0x29b: {  	(v2sf) =	vpush v63, $0x9;
	_ =	sdelay $0xe  }
0x29c: {  	s22 =	spop (v2sf)  }
0x29d: {  	s23 =	sshrl.u32 s22, $0x3  }
0x29e: {  	s23 =	smul.u32 $0x18000, s23;
	_ =	sdelay $0x1  }
0x29f: {  	s22 =	sshll.u32 s22, $0x7;
	s23 =	sshra.s32 s23, $0x2  }
0x2a0: {  	s22 =	sand.u32 $0x380, s22;
	s23 =	sadd.s32 s23, s2  }
0x2a1: {  	s22 =	sadd.s32 s22, s23  }
0x2a2: {  	s23 =	sadd.s32 $0x10, s21;
	s22 =	sshrl.u32 s22, $0x3  }
0x2a3: {  	[hbm:s23@s14], [sflag:s18] =	dma.strided [spmem:s22@s14], $0x180, s13, $0x10   }
0x2a4: {  	(v2sf) =	vpush v63, $0xA;
	_ =	sdelay $0xe  }
0x2a5: {  	s22 =	spop (v2sf)  }
0x2a6: {  	s23 =	sshrl.u32 s22, $0x3  }
0x2a7: {  	s23 =	smul.u32 $0x18000, s23;
	_ =	sdelay $0x1  }
0x2a8: {  	s22 =	sshll.u32 s22, $0x7;
	s23 =	sshra.s32 s23, $0x2  }
0x2a9: {  	s22 =	sand.u32 $0x380, s22;
	s23 =	sadd.s32 s23, s2  }
0x2aa: {  	s22 =	sadd.s32 s22, s23  }
0x2ab: {  	s23 =	sadd.s32 $0x20, s21;
	s22 =	sshrl.u32 s22, $0x3  }
0x2ac: {  	[hbm:s23@s14], [sflag:s18] =	dma.strided [spmem:s22@s14], $0x180, s13, $0x10   }
0x2ad: {  	(v2sf) =	vpush v63, $0xB;
	_ =	sdelay $0xe  }
0x2ae: {  	s22 =	spop (v2sf)  }
0x2af: {  	s23 =	sshrl.u32 s22, $0x3  }
0x2b0: {  	s23 =	smul.u32 $0x18000, s23;
	_ =	sdelay $0x1  }
0x2b1: {  	s22 =	sshll.u32 s22, $0x7;
	s23 =	sshra.s32 s23, $0x2  }
0x2b2: {  	s22 =	sand.u32 $0x380, s22;
	s23 =	sadd.s32 s23, s2  }
0x2b3: {  	s22 =	sadd.s32 s22, s23  }
0x2b4: {  	s23 =	sadd.s32 $0x30, s21;
	s22 =	sshrl.u32 s22, $0x3  }
0x2b5: {  	[hbm:s23@s14], [sflag:s18] =	dma.strided [spmem:s22@s14], $0x180, s13, $0x10   }
0x2b6: {  	(v2sf) =	vpush v63, $0xC;
	_ =	sdelay $0xe  }
0x2b7: {  	s22 =	spop (v2sf)  }
0x2b8: {  	s23 =	sshrl.u32 s22, $0x3  }
0x2b9: {  	s23 =	smul.u32 $0x18000, s23;
	_ =	sdelay $0x1  }
0x2ba: {  	s22 =	sshll.u32 s22, $0x7;
	s23 =	sshra.s32 s23, $0x2  }
0x2bb: {  	s22 =	sand.u32 $0x380, s22;
	s23 =	sadd.s32 s23, s2  }
0x2bc: {  	s22 =	sadd.s32 s22, s23  }
0x2bd: {  	s23 =	sadd.s32 $0x40, s21;
	s22 =	sshrl.u32 s22, $0x3  }
0x2be: {  	[hbm:s23@s14], [sflag:s18] =	dma.strided [spmem:s22@s14], $0x180, s13, $0x10   }
0x2bf: {  	(v2sf) =	vpush v63, $0xD;
	_ =	sdelay $0xe  }
0x2c0: {  	s22 =	spop (v2sf)  }
0x2c1: {  	s23 =	sshrl.u32 s22, $0x3  }
0x2c2: {  	s23 =	smul.u32 $0x18000, s23;
	_ =	sdelay $0x1  }
0x2c3: {  	s22 =	sshll.u32 s22, $0x7;
	s23 =	sshra.s32 s23, $0x2  }
0x2c4: {  	s22 =	sand.u32 $0x380, s22;
	s23 =	sadd.s32 s23, s2  }
0x2c5: {  	s22 =	sadd.s32 s22, s23  }
0x2c6: {  	s23 =	sadd.s32 $0x50, s21;
	s22 =	sshrl.u32 s22, $0x3  }
0x2c7: {  	[hbm:s23@s14], [sflag:s18] =	dma.strided [spmem:s22@s14], $0x180, s13, $0x10   }
0x2c8: {  	(v2sf) =	vpush v63, $0xE;
	_ =	sdelay $0xe  }
0x2c9: {  	s22 =	spop (v2sf)  }
0x2ca: {  	s23 =	sshrl.u32 s22, $0x3  }
0x2cb: {  	s23 =	smul.u32 $0x18000, s23;
	_ =	sdelay $0x1  }
0x2cc: {  	s22 =	sshll.u32 s22, $0x7;
	s23 =	sshra.s32 s23, $0x2  }
0x2cd: {  	s22 =	sand.u32 $0x380, s22;
	s23 =	sadd.s32 s23, s2  }
0x2ce: {  	s22 =	sadd.s32 s22, s23  }
0x2cf: {  	s23 =	sadd.s32 $0x60, s21;
	s22 =	sshrl.u32 s22, $0x3  }
0x2d0: {  	[hbm:s23@s14], [sflag:s18] =	dma.strided [spmem:s22@s14], $0x180, s13, $0x10   }
0x2d1: {  	(v2sf) =	vpush v63, $0xF;
	_ =	sdelay $0xe  }
0x2d2: {  	s22 =	spop (v2sf)  }
0x2d3: {  	s23 =	sshrl.u32 s22, $0x3  }
0x2d4: {  	s23 =	smul.u32 $0x18000, s23  }
0x2d5: {  	p0 =	sne.s32 s20, $0xFC000  }
.Ltmp0:
0x2d6: {  	s22 =	sshll.u32 s22, $0x7;
	s23 =	sshra.s32 s23, $0x2;
	(pc) =	sbr.rel @p0 .LBB2_2-.Ltmp0, $4  }
0x2d7: {  	s22 =	sand.u32 $0x380, s22;
	s23 =	sadd.s32 s23, s2  }
0x2d8: {  	s19 =	sadd.s32 $0x20, s19;
	s22 =	sadd.s32 s22, s23  }
0x2d9: {  	s20 =	sadd.s32 $0x12000, s20;
	s21 =	sadd.s32 $0x70, s21;
	s22 =	sshrl.u32 s22, $0x3  }
0x2da: {  	[hbm:s21@s14], [sflag:s18] =	dma.strided [spmem:s22@s14], $0x180, s13, $0x10   }
0x2db: {  	_ =	swait.ge [sflag:s13], $0x180  }
0x2dc: {  	[sflag:s13] =	ssyncset.done $0x0  }
0x2dd: {  	[sflag:s13] =	ssyncadd.s32 $0xFFFFFE80  }
0x2de: {  	_ =	swait.ge [sflag:s13], $0x180  }
0x2df: {  	[sflag:s13] =	ssyncset.done $0x0  }
0x2e0: {  	[sflag:s13] =	ssyncadd.s32 $0xFFFFFE80  }
0x2e1: {  	_ =	swait.ge [sflag:s13], $0x180  }
0x2e2: {  	[sflag:s13] =	ssyncset.done $0x0  }
0x2e3: {  	[sflag:s13] =	ssyncadd.s32 $0xFFFFFE80  }
0x2e4: {  	_ =	swait.ge [sflag:s13], $0x180  }
0x2e5: {  	[sflag:s13] =	ssyncset.done $0x0  }
0x2e6: {  	[sflag:s13] =	ssyncadd.s32 $0xFFFFFE80  }
0x2e7: {  	_ =	swait.ge [sflag:s13], $0x180  }
0x2e8: {  	[sflag:s13] =	ssyncset.done $0x0  }
0x2e9: {  	[sflag:s13] =	ssyncadd.s32 $0xFFFFFE80  }
0x2ea: {  	_ =	swait.ge [sflag:s13], $0x180  }
0x2eb: {  	[sflag:s13] =	ssyncset.done $0x0  }
0x2ec: {  	[sflag:s13] =	ssyncadd.s32 $0xFFFFFE80  }
0x2ed: {  	_ =	swait.ge [sflag:s13], $0x180  }
0x2ee: {  	[sflag:s13] =	ssyncset.done $0x0  }
0x2ef: {  	[sflag:s13] =	ssyncadd.s32 $0xFFFFFE80  }
0x2f0: {  	_ =	swait.ge [sflag:s13], $0x180  }
0x2f1: {  	[sflag:s13] =	ssyncset.done $0x0  }
0x2f2: {  	[sflag:s13] =	ssyncadd.s32 $0xFFFFFE80  }
0x2f3: {  	_ =	swait.ge [sflag:s13], $0x180  }
0x2f4: {  	[sflag:s13] =	ssyncset.done $0x0  }
0x2f5: {  	[sflag:s13] =	ssyncadd.s32 $0xFFFFFE80  }
0x2f6: {  	_ =	swait.ge [sflag:s13], $0x180  }
0x2f7: {  	[sflag:s13] =	ssyncset.done $0x0  }
0x2f8: {  	[sflag:s13] =	ssyncadd.s32 $0xFFFFFE80  }
0x2f9: {  	_ =	swait.ge [sflag:s13], $0x180  }
0x2fa: {  	[sflag:s13] =	ssyncset.done $0x0  }
0x2fb: {  	[sflag:s13] =	ssyncadd.s32 $0xFFFFFE80  }
0x2fc: {  	_ =	swait.ge [sflag:s13], $0x180  }
0x2fd: {  	[sflag:s13] =	ssyncset.done $0x0  }
0x2fe: {  	[sflag:s13] =	ssyncadd.s32 $0xFFFFFE80  }
0x2ff: {  	_ =	swait.ge [sflag:s13], $0x180  }
0x300: {  	[sflag:s13] =	ssyncset.done $0x0  }
0x301: {  	[sflag:s13] =	ssyncadd.s32 $0xFFFFFE80  }
0x302: {  	_ =	swait.ge [sflag:s13], $0x180  }
0x303: {  	[sflag:s13] =	ssyncset.done $0x0  }
0x304: {  	[sflag:s13] =	ssyncadd.s32 $0xFFFFFE80  }
0x305: {  	_ =	swait.ge [sflag:s13], $0x180  }
0x306: {  	[sflag:s13] =	ssyncset.done $0x0  }
0x307: {  	[sflag:s13] =	ssyncadd.s32 $0xFFFFFE80  }
0x308: {  	_ =	swait.ge [sflag:s13], $0x180  }
0x309: {  	[sflag:s13] =	ssyncset.done $0x0  }
0x30a: {  	[sflag:s13] =	ssyncadd.s32 $0xFFFFFE80  }
0x30b: {  	_ =	swait.ge [sflag:s15], $0x180  }
0x30c: {  	[sflag:s15] =	ssyncset.done $0x0  }
0x30d: {  	[sflag:s15] =	ssyncadd.s32 $0xFFFFFE80  }
0x30e: {  	_ =	swait.ge [sflag:s15], $0x180  }
0x30f: {  	[sflag:s15] =	ssyncset.done $0x0  }
0x310: {  	[sflag:s15] =	ssyncadd.s32 $0xFFFFFE80  }
0x311: {  	_ =	swait.ge [sflag:s15], $0x180  }
0x312: {  	[sflag:s15] =	ssyncset.done $0x0  }
0x313: {  	[sflag:s15] =	ssyncadd.s32 $0xFFFFFE80  }
0x314: {  	_ =	swait.ge [sflag:s15], $0x180  }
0x315: {  	[sflag:s15] =	ssyncset.done $0x0  }
0x316: {  	[sflag:s15] =	ssyncadd.s32 $0xFFFFFE80  }
0x317: {  	_ =	swait.ge [sflag:s15], $0x180  }
0x318: {  	[sflag:s15] =	ssyncset.done $0x0  }
0x319: {  	[sflag:s15] =	ssyncadd.s32 $0xFFFFFE80  }
0x31a: {  	_ =	swait.ge [sflag:s15], $0x180  }
0x31b: {  	[sflag:s15] =	ssyncset.done $0x0  }
0x31c: {  	[sflag:s15] =	ssyncadd.s32 $0xFFFFFE80  }
0x31d: {  	_ =	swait.ge [sflag:s15], $0x180  }
0x31e: {  	[sflag:s15] =	ssyncset.done $0x0  }
0x31f: {  	[sflag:s15] =	ssyncadd.s32 $0xFFFFFE80  }
0x320: {  	_ =	swait.ge [sflag:s15], $0x180  }
0x321: {  	[sflag:s15] =	ssyncset.done $0x0  }
0x322: {  	[sflag:s15] =	ssyncadd.s32 $0xFFFFFE80  }
0x323: {  	_ =	swait.ge [sflag:s15], $0x180  }
0x324: {  	[sflag:s15] =	ssyncset.done $0x0  }
0x325: {  	[sflag:s15] =	ssyncadd.s32 $0xFFFFFE80  }
0x326: {  	_ =	swait.ge [sflag:s15], $0x180  }
0x327: {  	[sflag:s15] =	ssyncset.done $0x0  }
0x328: {  	[sflag:s15] =	ssyncadd.s32 $0xFFFFFE80  }
0x329: {  	_ =	swait.ge [sflag:s15], $0x180  }
0x32a: {  	[sflag:s15] =	ssyncset.done $0x0  }
0x32b: {  	[sflag:s15] =	ssyncadd.s32 $0xFFFFFE80  }
0x32c: {  	_ =	swait.ge [sflag:s15], $0x180  }
0x32d: {  	[sflag:s15] =	ssyncset.done $0x0  }
0x32e: {  	[sflag:s15] =	ssyncadd.s32 $0xFFFFFE80  }
0x32f: {  	_ =	swait.ge [sflag:s15], $0x180  }
0x330: {  	[sflag:s15] =	ssyncset.done $0x0  }
0x331: {  	[sflag:s15] =	ssyncadd.s32 $0xFFFFFE80  }
0x332: {  	_ =	swait.ge [sflag:s15], $0x180  }
0x333: {  	[sflag:s15] =	ssyncset.done $0x0  }
0x334: {  	s16 =	sadd.s32 $0x1, s16;
	[sflag:s15] =	ssyncadd.s32 $0xFFFFFE80  }
0x335: {  	p0 =	sne.s32 s16, s9;
	_ =	swait.ge [sflag:s15], $0x180  }
.Ltmp1:
0x336: {  	[sflag:s15] =	ssyncset.done $0x0;
	(pc) =	sbr.rel @p0 .LBB2_1-.Ltmp1, $4  }
0x337: {  	[sflag:s15] =	ssyncadd.s32 $0xFFFFFE80  }
0x338: {  	_ =	swait.ge [sflag:s15], $0x180  }
0x339: {  	[sflag:s15] =	ssyncset.done $0x0  }
0x33a: {  	[sflag:s15] =	ssyncadd.s32 $0xFFFFFE80  }
0x33b: {  	_ =	sfence.sel $0x180000  }
0x33c: {  	[bflag:$0x0] =	sbarrier.arrive $0xFFFF  }
0x33d: {  	_ =	strace $0x90000047  }
0x33e: {  	s0 =	stileid.u32;
	[bflag:$0x2] =	sbarrier.arrive $0xFFFF  }
0x33f: {  	p0 =	sne.s32 s0, $0x0;
	s0 =	rddreg [dreg:$0x4]  }
0x340: {  	s0 =	sadd.s32 @!p0 $0x100000, s0  }
0x341: {  	[sflag:s0] =	ssyncadd.tile.s32 @!p0 $0x1;
	_ =	shalt  }
.Lfunc_end2:
_tile_overlayer_lowered:
.L_overlay_start_2:
0x342: {  	(tag) =	ssettag $0x2  }
0x343: {  	s0 =	rddreg [dreg:$0x0];
	s2 =	stileid.u32  }
0x344: {  	s1 =	rddreg [dreg:$0x1];
	p0 =	sne.s32 s2, $0x0  }
0x345: {  	s3 =	rddreg [dreg:$0x2];
	[bflag:$0x3] =	sbarrier.arrive $0xFFFF;
	s2 =	simm.s32 @!p0 $0x1C03  }
0x346: {  	[timem:s3], [sflag:s2] =	dma.local @!p0 [hbm:s0], s1  }
0x347: {  	s0 =	simm.s32 @!p0 $0x3  }
0x348: {  	_ =	swait.ge @!p0 [sflag:s0], s1  }
0x349: {  	s1 =	ssub.s32 @!p0 $0x0, s1;
	[sflag:s0] =	ssyncset.done @!p0 $0x0  }
0x34a: {  	[sflag:s0] =	ssyncadd.s32 @!p0 s1  }
0x34b: {  	[bflag:$0x3] =	sbarrier.arrive $0xFFFF  }
0x34c: {  	_ =	shalt  }

</sc_bundles>
